<compile_context>
chip_gen: v7x
topology: tpu7x:2x2x1
jax: 0.10.2.dev20260603
libtpu: 0.0.44.dev20260713+nightly
codegen_flags: <defaults>
</compile_context>

<pallas_src>
import functools

import jax
import jax.numpy as jnp
from jax import lax
from jax.experimental import pallas as pl
from jax.experimental.pallas import tpu as pltpu
from jax.experimental.pallas import tpu_sc as plsc

_VOCAB = 100000
_DMODEL = 768
_CTX = 2048
_BATCH = 4
_SEQ = 2048

_NC = 2
_NS = 16
_NW = _NC * _NS
_L = 16

_P = _SEQ // _NW
_C = _P // 2


def _embed_body(x_hbm, wword_hbm, wpos_hbm, out_hbm,
                idx_all, pos_v, rows0, rows1,
                isem, psem, gsem0, gsem1, wsem0, wsem1):
    wid = lax.axis_index("s") * _NC + lax.axis_index("c")
    pos_base = wid * _P

    icp0 = pltpu.async_copy(x_hbm.at[0, pl.ds(pos_base, _P)],
                            idx_all.at[pl.ds(0, _P)], isem)
    icps = [
        pltpu.async_copy(x_hbm.at[b, pl.ds(pos_base, _P)],
                         idx_all.at[pl.ds(b * _P, _P)], isem)
        for b in range(1, _BATCH)
    ]
    pcp = pltpu.async_copy(wpos_hbm.at[pl.ds(pos_base, _P)], pos_v, psem)

    def gather(k, rowbuf, sem):
        return pltpu.async_copy(wword_hbm.at[idx_all.at[pl.ds(k * _C, _C)]],
                                rowbuf, sem)

    def drain_gather(rowbuf, sem):
        pltpu.make_async_copy(wword_hbm.at[pl.ds(0, _C)], rowbuf, sem).wait()

    def drain_write(rowbuf, sem):
        pltpu.make_async_copy(rowbuf, out_hbm.at[pl.ds(0, _C)], sem).wait()

    def add_pos(rowbuf, pbase):
        @plsc.parallel_loop(0, _C, step=1, unroll=1)
        def _add(r):
            for c in range(_DMODEL // _L):
                sl = pl.ds(c * _L, _L)
                plsc.addupdate(rowbuf.at[r, sl], pos_v[pbase + r, sl])

    icp0.wait()
    gather(0, rows0, gsem0)
    for icp in icps:
        icp.wait()

    def body(b, carry):
        out_off = b * _SEQ + pos_base

        @pl.when(b > 0)
        def _():
            drain_write(rows1, wsem1)
        gather(2 * b + 1, rows1, gsem1)
        drain_gather(rows0, gsem0)

        @pl.when(b == 0)
        def _():
            pltpu.make_async_copy(wpos_hbm.at[pl.ds(0, _P)], pos_v,
                                  psem).wait()

        add_pos(rows0, 0)
        pltpu.async_copy(rows0, out_hbm.at[pl.ds(out_off, _C)], wsem0)

        @pl.when(b < _BATCH - 1)
        def _():
            drain_write(rows0, wsem0)
            gather(2 * b + 2, rows0, gsem0)

        drain_gather(rows1, gsem1)
        add_pos(rows1, _C)
        pltpu.async_copy(rows1, out_hbm.at[pl.ds(out_off + _C, _C)], wsem1)
        return carry

    lax.fori_loop(0, _BATCH, body, 0)
    drain_write(rows0, wsem0)
    drain_write(rows1, wsem1)


@jax.jit
def _embed(x, W_word, W_pos):
    mesh = plsc.VectorSubcoreMesh(core_axis_name="c", subcore_axis_name="s")
    k = functools.partial(
        pl.kernel,
        mesh=mesh,
        out_type=jax.ShapeDtypeStruct((_BATCH * _SEQ, _DMODEL), jnp.float32),
        scratch_types=[
            pltpu.VMEM((_BATCH * _P,), jnp.int32),
            pltpu.VMEM((_P, _DMODEL), jnp.float32),
            pltpu.VMEM((_C, _DMODEL), jnp.float32),
            pltpu.VMEM((_C, _DMODEL), jnp.float32),
            pltpu.SemaphoreType.DMA,
            pltpu.SemaphoreType.DMA,
            pltpu.SemaphoreType.DMA,
            pltpu.SemaphoreType.DMA,
            pltpu.SemaphoreType.DMA,
            pltpu.SemaphoreType.DMA,
        ],
    )(_embed_body)
    return k(x, W_word, W_pos)


def kernel(x, W_word, W_pos):
    batch, seq = x.shape
    out = _embed(x.astype(jnp.int32), W_word, W_pos)
    return out.reshape(batch, seq, _DMODEL)

# --- scband reference (transcript-rebuilt; emitter-appended) ---
"""Pipeline reference for scband-gptembedding-50680614092842 (READ-ONLY COPY).

The authoritative reference and input builder live on the scoring server;
editing this copy changes nothing except your own understanding.
"""

import jax, jax.numpy as jnp
import numpy as np

VOCAB = 100000
DMODEL = 768
CTX = 2048
BATCH = 4
SEQ = 2048

def setup_inputs(seed: int = 0) -> dict:
    key = jax.random.key(seed)
    k1, k2, k3 = jax.random.split(key, 3)
    x = jax.random.randint(k1, (BATCH, SEQ), 0, VOCAB, dtype=jnp.int64 if jax.config.jax_enable_x64 else jnp.int32)
    W_word = jax.random.normal(k2, (VOCAB, DMODEL), dtype=jnp.float32) * 0.02
    W_pos = jax.random.normal(k3, (CTX, DMODEL), dtype=jnp.float32) * 0.02
    return {"x": x, "W_word": W_word, "W_pos": W_pos}

def reference(x, W_word, W_pos):
    _, sz = x.shape
    positions = jnp.arange(sz)
    word_embeddings = jnp.take(W_word, x, axis=0)
    pos_embeddings = jnp.take(W_pos, positions, axis=0)[None, ...]
    return word_embeddings + pos_embeddings

if __name__ == "__main__":
    import jax
    _d = setup_inputs()
    print(jax.jit(kernel)(*tuple(_d.values())))

</pallas_src>

<mosaic_0001>
#map = affine_map<(d0, d1) -> (0, 0)>
module attributes {stable_mosaic.version = 14 : i64} {
  func.func @_embed_body(%arg0: i32, %arg1: i32, %arg2: memref<4x2048xi32, #tpu.memory_space<hbm>>, %arg3: memref<100000x768xf32, #tpu.memory_space<hbm>>, %arg4: memref<2048x768xf32, #tpu.memory_space<hbm>>, %arg5: memref<8192x768xf32, #tpu.memory_space<hbm>>, %arg6: memref<256xi32, #tpu.memory_space<vmem>>, %arg7: memref<64x768xf32, #tpu.memory_space<vmem>>, %arg8: memref<32x768xf32, #tpu.memory_space<vmem>>, %arg9: memref<32x768xf32, #tpu.memory_space<vmem>>, %arg10: memref<!tpu.dma_semaphore, #tpu.memory_space<semaphore_mem>>, %arg11: memref<!tpu.dma_semaphore, #tpu.memory_space<semaphore_mem>>, %arg12: memref<!tpu.dma_semaphore, #tpu.memory_space<semaphore_mem>>, %arg13: memref<!tpu.dma_semaphore, #tpu.memory_space<semaphore_mem>>, %arg14: memref<!tpu.dma_semaphore, #tpu.memory_space<semaphore_mem>>, %arg15: memref<!tpu.dma_semaphore, #tpu.memory_space<semaphore_mem>>) attributes {dimension_semantics = [#tpu.dimension_semantics<core_parallel>, #tpu.dimension_semantics<subcore_parallel>], iteration_bounds = array<i64: 2, 16>, scalar_prefetch = 0 : i64, scratch_operands = 10 : i64, tpu.core_type = #tpu.core_type<sc_vector_subcore>, window_params = [{transform_indices = #map}, {transform_indices = #map}, {transform_indices = #map}, {transform_indices = #map}]} {
    %mul3A = arith.constant 2 : i32
    %mul3A_0 = arith.muli %arg1, %mul3A : i32
    %add3A = arith.addi %mul3A_0, %arg0 : i32
    %mul3A_1 = arith.constant 64 : i32
    %mul3A_2 = arith.muli %add3A, %mul3A_1 : i32
    %dma_start3A = arith.constant 0 : i32
    %dma_start3A_3 = arith.constant 0 : i32
    %dma_start3A_4 = tpu.memref_slice %arg6[%dma_start3A_3] : memref<256xi32, #tpu.memory_space<vmem>> -> memref<64xi32, #tpu.memory_space<vmem>>
    %dma_start3A_5 = tpu.memref_slice %arg2[%dma_start3A, %mul3A_2] : memref<4x2048xi32, #tpu.memory_space<hbm>> -> memref<1x64xi32, #tpu.memory_space<hbm>>
    %dma_start3A_6 = tpu.memref_squeeze %dma_start3A_5 : memref<1x64xi32, #tpu.memory_space<hbm>> -> memref<64xi32, #tpu.memory_space<hbm>>
    %dma_start3A_7 = arith.constant 0 : i32
    %dma_start3A_8 = tpu.memref_slice %arg6[%dma_start3A_7] : memref<256xi32, #tpu.memory_space<vmem>> -> memref<64xi32, #tpu.memory_space<vmem>>
    %dma_start3A_9 = tpu.memref_slice %arg2[%dma_start3A, %mul3A_2] : memref<4x2048xi32, #tpu.memory_space<hbm>> -> memref<1x64xi32, #tpu.memory_space<hbm>>
    %dma_start3A_10 = tpu.memref_squeeze %dma_start3A_9 : memref<1x64xi32, #tpu.memory_space<hbm>> -> memref<64xi32, #tpu.memory_space<hbm>>
    tpu.enqueue_dma source(%dma_start3A_10 : memref<64xi32, #tpu.memory_space<hbm>>) target(%dma_start3A_8 : memref<64xi32, #tpu.memory_space<vmem>>) target_semaphore(%arg10 : memref<!tpu.dma_semaphore, #tpu.memory_space<semaphore_mem>>)
    %dma_start3A_11 = arith.constant 1 : i32
    %dma_start3A_12 = arith.constant 64 : i32
    %dma_start3A_13 = tpu.memref_slice %arg6[%dma_start3A_12] : memref<256xi32, #tpu.memory_space<vmem>> -> memref<64xi32, #tpu.memory_space<vmem>>
    %dma_start3A_14 = tpu.memref_slice %arg2[%dma_start3A_11, %mul3A_2] : memref<4x2048xi32, #tpu.memory_space<hbm>> -> memref<1x64xi32, #tpu.memory_space<hbm>>
    %dma_start3A_15 = tpu.memref_squeeze %dma_start3A_14 : memref<1x64xi32, #tpu.memory_space<hbm>> -> memref<64xi32, #tpu.memory_space<hbm>>
    %dma_start3A_16 = arith.constant 64 : i32
    %dma_start3A_17 = tpu.memref_slice %arg6[%dma_start3A_16] : memref<256xi32, #tpu.memory_space<vmem>> -> memref<64xi32, #tpu.memory_space<vmem>>
    %dma_start3A_18 = tpu.memref_slice %arg2[%dma_start3A_11, %mul3A_2] : memref<4x2048xi32, #tpu.memory_space<hbm>> -> memref<1x64xi32, #tpu.memory_space<hbm>>
    %dma_start3A_19 = tpu.memref_squeeze %dma_start3A_18 : memref<1x64xi32, #tpu.memory_space<hbm>> -> memref<64xi32, #tpu.memory_space<hbm>>
    tpu.enqueue_dma source(%dma_start3A_19 : memref<64xi32, #tpu.memory_space<hbm>>) target(%dma_start3A_17 : memref<64xi32, #tpu.memory_space<vmem>>) target_semaphore(%arg10 : memref<!tpu.dma_semaphore, #tpu.memory_space<semaphore_mem>>)
    %dma_start3A_20 = arith.constant 2 : i32
    %dma_start3A_21 = arith.constant 128 : i32
    %dma_start3A_22 = tpu.memref_slice %arg6[%dma_start3A_21] : memref<256xi32, #tpu.memory_space<vmem>> -> memref<64xi32, #tpu.memory_space<vmem>>
    %dma_start3A_23 = tpu.memref_slice %arg2[%dma_start3A_20, %mul3A_2] : memref<4x2048xi32, #tpu.memory_space<hbm>> -> memref<1x64xi32, #tpu.memory_space<hbm>>
    %dma_start3A_24 = tpu.memref_squeeze %dma_start3A_23 : memref<1x64xi32, #tpu.memory_space<hbm>> -> memref<64xi32, #tpu.memory_space<hbm>>
    %dma_start3A_25 = arith.constant 128 : i32
    %dma_start3A_26 = tpu.memref_slice %arg6[%dma_start3A_25] : memref<256xi32, #tpu.memory_space<vmem>> -> memref<64xi32, #tpu.memory_space<vmem>>
    %dma_start3A_27 = tpu.memref_slice %arg2[%dma_start3A_20, %mul3A_2] : memref<4x2048xi32, #tpu.memory_space<hbm>> -> memref<1x64xi32, #tpu.memory_space<hbm>>
    %dma_start3A_28 = tpu.memref_squeeze %dma_start3A_27 : memref<1x64xi32, #tpu.memory_space<hbm>> -> memref<64xi32, #tpu.memory_space<hbm>>
    tpu.enqueue_dma source(%dma_start3A_28 : memref<64xi32, #tpu.memory_space<hbm>>) target(%dma_start3A_26 : memref<64xi32, #tpu.memory_space<vmem>>) target_semaphore(%arg10 : memref<!tpu.dma_semaphore, #tpu.memory_space<semaphore_mem>>)
    %dma_start3A_29 = arith.constant 3 : i32
    %dma_start3A_30 = arith.constant 192 : i32
    %dma_start3A_31 = tpu.memref_slice %arg6[%dma_start3A_30] : memref<256xi32, #tpu.memory_space<vmem>> -> memref<64xi32, #tpu.memory_space<vmem>>
    %dma_start3A_32 = tpu.memref_slice %arg2[%dma_start3A_29, %mul3A_2] : memref<4x2048xi32, #tpu.memory_space<hbm>> -> memref<1x64xi32, #tpu.memory_space<hbm>>
    %dma_start3A_33 = tpu.memref_squeeze %dma_start3A_32 : memref<1x64xi32, #tpu.memory_space<hbm>> -> memref<64xi32, #tpu.memory_space<hbm>>
    %dma_start3A_34 = arith.constant 192 : i32
    %dma_start3A_35 = tpu.memref_slice %arg6[%dma_start3A_34] : memref<256xi32, #tpu.memory_space<vmem>> -> memref<64xi32, #tpu.memory_space<vmem>>
    %dma_start3A_36 = tpu.memref_slice %arg2[%dma_start3A_29, %mul3A_2] : memref<4x2048xi32, #tpu.memory_space<hbm>> -> memref<1x64xi32, #tpu.memory_space<hbm>>
    %dma_start3A_37 = tpu.memref_squeeze %dma_start3A_36 : memref<1x64xi32, #tpu.memory_space<hbm>> -> memref<64xi32, #tpu.memory_space<hbm>>
    tpu.enqueue_dma source(%dma_start3A_37 : memref<64xi32, #tpu.memory_space<hbm>>) target(%dma_start3A_35 : memref<64xi32, #tpu.memory_space<vmem>>) target_semaphore(%arg10 : memref<!tpu.dma_semaphore, #tpu.memory_space<semaphore_mem>>)
    %dma_start3A_38 = arith.constant 0 : i32
    %dma_start3A_39 = tpu.memref_slice %arg4[%mul3A_2, %dma_start3A_38] : memref<2048x768xf32, #tpu.memory_space<hbm>> -> memref<64x768xf32, #tpu.memory_space<hbm>>
    %dma_start3A_40 = arith.constant 0 : i32
    %dma_start3A_41 = tpu.memref_slice %arg4[%mul3A_2, %dma_start3A_40] : memref<2048x768xf32, #tpu.memory_space<hbm>> -> memref<64x768xf32, #tpu.memory_space<hbm>>
    tpu.enqueue_dma source(%dma_start3A_41 : memref<64x768xf32, #tpu.memory_space<hbm>>) target(%arg7 : memref<64x768xf32, #tpu.memory_space<vmem>>) target_semaphore(%arg11 : memref<!tpu.dma_semaphore, #tpu.memory_space<semaphore_mem>>)
    %dma_wait3A = arith.constant 0 : i32
    %dma_wait3A_42 = arith.constant 0 : i32
    %dma_wait3A_43 = tpu.memref_slice %arg6[%dma_wait3A_42] : memref<256xi32, #tpu.memory_space<vmem>> -> memref<64xi32, #tpu.memory_space<vmem>>
    %dma_wait3A_44 = tpu.memref_slice %arg2[%dma_wait3A, %mul3A_2] : memref<4x2048xi32, #tpu.memory_space<hbm>> -> memref<1x64xi32, #tpu.memory_space<hbm>>
    %dma_wait3A_45 = tpu.memref_squeeze %dma_wait3A_44 : memref<1x64xi32, #tpu.memory_space<hbm>> -> memref<64xi32, #tpu.memory_space<hbm>>
    %dma_wait3A_46 = arith.constant 0 : i32
    %dma_wait3A_47 = tpu.memref_slice %arg6[%dma_wait3A_46] : memref<256xi32, #tpu.memory_space<vmem>> -> memref<64xi32, #tpu.memory_space<vmem>>
    %dma_wait3A_48 = tpu.memref_slice %arg2[%dma_wait3A, %mul3A_2] : memref<4x2048xi32, #tpu.memory_space<hbm>> -> memref<1x64xi32, #tpu.memory_space<hbm>>
    %dma_wait3A_49 = tpu.memref_squeeze %dma_wait3A_48 : memref<1x64xi32, #tpu.memory_space<hbm>> -> memref<64xi32, #tpu.memory_space<hbm>>
    tpu.wait_dma2 semaphore(%arg10 : memref<!tpu.dma_semaphore, #tpu.memory_space<semaphore_mem>>) src(%dma_wait3A_49 : memref<64xi32, #tpu.memory_space<hbm>>) dst(%dma_wait3A_47 : memref<64xi32, #tpu.memory_space<vmem>>)
    %dma_start3A_50 = arith.constant 0 : i32
    %dma_start3A_51 = tpu.memref_slice %arg6[%dma_start3A_50] : memref<256xi32, #tpu.memory_space<vmem>> -> memref<32xi32, #tpu.memory_space<vmem>>
    %dma_start3A_52 = arith.constant 0 : i32
    %dma_start3A_53 = arith.constant 0 : i32
    %dma_start3A_54 = tpu.memref_slice %arg3[%dma_start3A_52, %dma_start3A_53] : memref<100000x768xf32, #tpu.memory_space<hbm>> -> memref<100000x768xf32, #tpu.memory_space<hbm>>
    tpu.enqueue_indirect_dma source(%dma_start3A_54 : memref<100000x768xf32, #tpu.memory_space<hbm>>) target(%arg8 : memref<32x768xf32, #tpu.memory_space<vmem>>) offsets(%dma_start3A_51 : memref<32xi32, #tpu.memory_space<vmem>>) semaphore(%arg12 : memref<!tpu.dma_semaphore, #tpu.memory_space<semaphore_mem>>)
    %dma_wait3A_55 = arith.constant 1 : i32
    %dma_wait3A_56 = arith.constant 64 : i32
    %dma_wait3A_57 = tpu.memref_slice %arg6[%dma_wait3A_56] : memref<256xi32, #tpu.memory_space<vmem>> -> memref<64xi32, #tpu.memory_space<vmem>>
    %dma_wait3A_58 = tpu.memref_slice %arg2[%dma_wait3A_55, %mul3A_2] : memref<4x2048xi32, #tpu.memory_space<hbm>> -> memref<1x64xi32, #tpu.memory_space<hbm>>
    %dma_wait3A_59 = tpu.memref_squeeze %dma_wait3A_58 : memref<1x64xi32, #tpu.memory_space<hbm>> -> memref<64xi32, #tpu.memory_space<hbm>>
    %dma_wait3A_60 = arith.constant 64 : i32
    %dma_wait3A_61 = tpu.memref_slice %arg6[%dma_wait3A_60] : memref<256xi32, #tpu.memory_space<vmem>> -> memref<64xi32, #tpu.memory_space<vmem>>
    %dma_wait3A_62 = tpu.memref_slice %arg2[%dma_wait3A_55, %mul3A_2] : memref<4x2048xi32, #tpu.memory_space<hbm>> -> memref<1x64xi32, #tpu.memory_space<hbm>>
    %dma_wait3A_63 = tpu.memref_squeeze %dma_wait3A_62 : memref<1x64xi32, #tpu.memory_space<hbm>> -> memref<64xi32, #tpu.memory_space<hbm>>
    tpu.wait_dma2 semaphore(%arg10 : memref<!tpu.dma_semaphore, #tpu.memory_space<semaphore_mem>>) src(%dma_wait3A_63 : memref<64xi32, #tpu.memory_space<hbm>>) dst(%dma_wait3A_61 : memref<64xi32, #tpu.memory_space<vmem>>)
    %dma_wait3A_64 = arith.constant 2 : i32
    %dma_wait3A_65 = arith.constant 128 : i32
    %dma_wait3A_66 = tpu.memref_slice %arg6[%dma_wait3A_65] : memref<256xi32, #tpu.memory_space<vmem>> -> memref<64xi32, #tpu.memory_space<vmem>>
    %dma_wait3A_67 = tpu.memref_slice %arg2[%dma_wait3A_64, %mul3A_2] : memref<4x2048xi32, #tpu.memory_space<hbm>> -> memref<1x64xi32, #tpu.memory_space<hbm>>
    %dma_wait3A_68 = tpu.memref_squeeze %dma_wait3A_67 : memref<1x64xi32, #tpu.memory_space<hbm>> -> memref<64xi32, #tpu.memory_space<hbm>>
    %dma_wait3A_69 = arith.constant 128 : i32
    %dma_wait3A_70 = tpu.memref_slice %arg6[%dma_wait3A_69] : memref<256xi32, #tpu.memory_space<vmem>> -> memref<64xi32, #tpu.memory_space<vmem>>
    %dma_wait3A_71 = tpu.memref_slice %arg2[%dma_wait3A_64, %mul3A_2] : memref<4x2048xi32, #tpu.memory_space<hbm>> -> memref<1x64xi32, #tpu.memory_space<hbm>>
    %dma_wait3A_72 = tpu.memref_squeeze %dma_wait3A_71 : memref<1x64xi32, #tpu.memory_space<hbm>> -> memref<64xi32, #tpu.memory_space<hbm>>
    tpu.wait_dma2 semaphore(%arg10 : memref<!tpu.dma_semaphore, #tpu.memory_space<semaphore_mem>>) src(%dma_wait3A_72 : memref<64xi32, #tpu.memory_space<hbm>>) dst(%dma_wait3A_70 : memref<64xi32, #tpu.memory_space<vmem>>)
    %dma_wait3A_73 = arith.constant 3 : i32
    %dma_wait3A_74 = arith.constant 192 : i32
    %dma_wait3A_75 = tpu.memref_slice %arg6[%dma_wait3A_74] : memref<256xi32, #tpu.memory_space<vmem>> -> memref<64xi32, #tpu.memory_space<vmem>>
    %dma_wait3A_76 = tpu.memref_slice %arg2[%dma_wait3A_73, %mul3A_2] : memref<4x2048xi32, #tpu.memory_space<hbm>> -> memref<1x64xi32, #tpu.memory_space<hbm>>
    %dma_wait3A_77 = tpu.memref_squeeze %dma_wait3A_76 : memref<1x64xi32, #tpu.memory_space<hbm>> -> memref<64xi32, #tpu.memory_space<hbm>>
    %dma_wait3A_78 = arith.constant 192 : i32
    %dma_wait3A_79 = tpu.memref_slice %arg6[%dma_wait3A_78] : memref<256xi32, #tpu.memory_space<vmem>> -> memref<64xi32, #tpu.memory_space<vmem>>
    %dma_wait3A_80 = tpu.memref_slice %arg2[%dma_wait3A_73, %mul3A_2] : memref<4x2048xi32, #tpu.memory_space<hbm>> -> memref<1x64xi32, #tpu.memory_space<hbm>>
    %dma_wait3A_81 = tpu.memref_squeeze %dma_wait3A_80 : memref<1x64xi32, #tpu.memory_space<hbm>> -> memref<64xi32, #tpu.memory_space<hbm>>
    tpu.wait_dma2 semaphore(%arg10 : memref<!tpu.dma_semaphore, #tpu.memory_space<semaphore_mem>>) src(%dma_wait3A_81 : memref<64xi32, #tpu.memory_space<hbm>>) dst(%dma_wait3A_79 : memref<64xi32, #tpu.memory_space<vmem>>)
    %scan3A = arith.constant 0 : i32
    %scan3A_82 = arith.constant 0 : i32
    %scan3A_83 = arith.constant 4 : i32
    %scan3A_84 = arith.addi %scan3A_82, %scan3A_83 : i32
    %scan3A_85 = arith.constant 1 : i32
    scf.for %scan3A_99 = %scan3A_82 to %scan3A_84 step %scan3A_85  : i32 {
      %mul3A_100 = arith.constant 2048 : i32
      %mul3A_101 = arith.muli %scan3A_99, %mul3A_100 : i32
      %add3A_102 = arith.addi %mul3A_101, %mul3A_2 : i32
      %gt3A = arith.constant 0 : i32
      %gt3A_103 = arith.cmpi sgt, %scan3A_99, %gt3A : i32
      %convert_element_type3A = arith.extui %gt3A_103 : i1 to i32
      %cond3A = arith.constant 0 : i32
      %cond3A_104 = arith.cmpi ne, %convert_element_type3A, %cond3A : i32
      scf.if %cond3A_104 {
        %dma_wait3A_150 = arith.constant 0 : i32
        %dma_wait3A_151 = arith.constant 0 : i32
        %dma_wait3A_152 = tpu.memref_slice %arg5[%dma_wait3A_150, %dma_wait3A_151] : memref<8192x768xf32, #tpu.memory_space<hbm>> -> memref<32x768xf32, #tpu.memory_space<hbm>>
        %dma_wait3A_153 = arith.constant 0 : i32
        %dma_wait3A_154 = arith.constant 0 : i32
        %dma_wait3A_155 = tpu.memref_slice %arg5[%dma_wait3A_153, %dma_wait3A_154] : memref<8192x768xf32, #tpu.memory_space<hbm>> -> memref<32x768xf32, #tpu.memory_space<hbm>>
        tpu.wait_dma2 semaphore(%arg15 : memref<!tpu.dma_semaphore, #tpu.memory_space<semaphore_mem>>) src(%arg9 : memref<32x768xf32, #tpu.memory_space<vmem>>) dst(%dma_wait3A_155 : memref<32x768xf32, #tpu.memory_space<hbm>>)
      } else {
      }
      %mul3A_105 = arith.constant 2 : i32
      %mul3A_106 = arith.muli %mul3A_105, %scan3A_99 : i32
      %add3A_107 = arith.constant 1 : i32
      %add3A_108 = arith.addi %mul3A_106, %add3A_107 : i32
      %mul3A_109 = arith.constant 32 : i32
      %mul3A_110 = arith.muli %add3A_108, %mul3A_109 : i32
      %dma_start3A_111 = tpu.memref_slice %arg6[%mul3A_110] : memref<256xi32, #tpu.memory_space<vmem>> -> memref<32xi32, #tpu.memory_space<vmem>>
      %dma_start3A_112 = arith.constant 0 : i32
      %dma_start3A_113 = arith.constant 0 : i32
      %dma_start3A_114 = tpu.memref_slice %arg3[%dma_start3A_112, %dma_start3A_113] : memref<100000x768xf32, #tpu.memory_space<hbm>> -> memref<100000x768xf32, #tpu.memory_space<hbm>>
      tpu.enqueue_indirect_dma source(%dma_start3A_114 : memref<100000x768xf32, #tpu.memory_space<hbm>>) target(%arg9 : memref<32x768xf32, #tpu.memory_space<vmem>>) offsets(%dma_start3A_111 : memref<32xi32, #tpu.memory_space<vmem>>) semaphore(%arg13 : memref<!tpu.dma_semaphore, #tpu.memory_space<semaphore_mem>>)
      %dma_wait3A_115 = arith.constant 0 : i32
      %dma_wait3A_116 = arith.constant 0 : i32
      %dma_wait3A_117 = tpu.memref_slice %arg3[%dma_wait3A_115, %dma_wait3A_116] : memref<100000x768xf32, #tpu.memory_space<hbm>> -> memref<32x768xf32, #tpu.memory_space<hbm>>
      %dma_wait3A_118 = arith.constant 0 : i32
      %dma_wait3A_119 = arith.constant 0 : i32
      %dma_wait3A_120 = tpu.memref_slice %arg3[%dma_wait3A_118, %dma_wait3A_119] : memref<100000x768xf32, #tpu.memory_space<hbm>> -> memref<32x768xf32, #tpu.memory_space<hbm>>
      tpu.wait_dma2 semaphore(%arg12 : memref<!tpu.dma_semaphore, #tpu.memory_space<semaphore_mem>>) src(%dma_wait3A_120 : memref<32x768xf32, #tpu.memory_space<hbm>>) dst(%arg8 : memref<32x768xf32, #tpu.memory_space<vmem>>)
      %eq3A = arith.constant 0 : i32
      %eq3A_121 = arith.cmpi eq, %scan3A_99, %eq3A : i32
      %convert_element_type3A_122 = arith.extui %eq3A_121 : i1 to i32
      %cond3A_123 = arith.constant 0 : i32
      %cond3A_124 = arith.cmpi ne, %convert_element_type3A_122, %cond3A_123 : i32
      scf.if %cond3A_124 {
        %dma_wait3A_150 = arith.constant 0 : i32
        %dma_wait3A_151 = arith.constant 0 : i32
        %dma_wait3A_152 = tpu.memref_slice %arg4[%dma_wait3A_150, %dma_wait3A_151] : memref<2048x768xf32, #tpu.memory_space<hbm>> -> memref<64x768xf32, #tpu.memory_space<hbm>>
        %dma_wait3A_153 = arith.constant 0 : i32
        %dma_wait3A_154 = arith.constant 0 : i32
        %dma_wait3A_155 = tpu.memref_slice %arg4[%dma_wait3A_153, %dma_wait3A_154] : memref<2048x768xf32, #tpu.memory_space<hbm>> -> memref<64x768xf32, #tpu.memory_space<hbm>>
        tpu.wait_dma2 semaphore(%arg11 : memref<!tpu.dma_semaphore, #tpu.memory_space<semaphore_mem>>) src(%dma_wait3A_155 : memref<64x768xf32, #tpu.memory_space<hbm>>) dst(%arg7 : memref<64x768xf32, #tpu.memory_space<vmem>>)
      } else {
      }
      %parallel_loop3A = arith.constant 0 : i32
      %parallel_loop3A_125 = arith.constant 32 : i32
      %parallel_loop3A_126 = arith.constant 1 : i32
      scf.for %parallel_loop3A_150 = %parallel_loop3A to %parallel_loop3A_125 step %parallel_loop3A_126  : i32 {
        %parallel_loop3A_151 = arith.constant 0 : i32
        %parallel_loop3A_152 = arith.addi %parallel_loop3A_151, %parallel_loop3A_150 : i32
        %parallel_loop3A_153 = arith.index_cast %parallel_loop3A_152 : i32 to index
        %parallel_loop3A_154 = arith.constant 0 : index
        %parallel_loop3A_155 = tpu.vector_load %arg7[%parallel_loop3A_153, %parallel_loop3A_154] {strides = array<i32>} : memref<64x768xf32, #tpu.memory_space<vmem>>, vector<1x16xf32>,
        %parallel_loop3A_156 = vector.shape_cast %parallel_loop3A_155 : vector<1x16xf32> to vector<16xf32>
        %parallel_loop3A_157 = arith.index_cast %parallel_loop3A_150 : i32 to index
        %parallel_loop3A_158 = arith.constant 0 : index
        %parallel_loop3A_159 = tpu.vector_load %arg8[%parallel_loop3A_157, %parallel_loop3A_158] {strides = array<i32>} : memref<32x768xf32, #tpu.memory_space<vmem>>, vector<1x16xf32>,
        %parallel_loop3A_160 = vector.shape_cast %parallel_loop3A_159 : vector<1x16xf32> to vector<16xf32>
        %parallel_loop3A_161 = vector.shape_cast %parallel_loop3A_156 : vector<16xf32> to vector<1x16xf32>
        tpu.vector_store %arg8[%parallel_loop3A_157, %parallel_loop3A_158], %parallel_loop3A_161 {add = true, strides = array<i32>} : memref<32x768xf32, #tpu.memory_space<vmem>>, vector<1x16xf32>,
        %parallel_loop3A_162 = arith.constant 0 : i32
        %parallel_loop3A_163 = arith.addi %parallel_loop3A_162, %parallel_loop3A_150 : i32
        %parallel_loop3A_164 = arith.index_cast %parallel_loop3A_163 : i32 to index
        %parallel_loop3A_165 = arith.constant 16 : index
        %parallel_loop3A_166 = tpu.vector_load %arg7[%parallel_loop3A_164, %parallel_loop3A_165] {strides = array<i32>} : memref<64x768xf32, #tpu.memory_space<vmem>>, vector<1x16xf32>,
        %parallel_loop3A_167 = vector.shape_cast %parallel_loop3A_166 : vector<1x16xf32> to vector<16xf32>
        %parallel_loop3A_168 = arith.index_cast %parallel_loop3A_150 : i32 to index
        %parallel_loop3A_169 = arith.constant 16 : index
        %parallel_loop3A_170 = tpu.vector_load %arg8[%parallel_loop3A_168, %parallel_loop3A_169] {strides = array<i32>} : memref<32x768xf32, #tpu.memory_space<vmem>>, vector<1x16xf32>,
        %parallel_loop3A_171 = vector.shape_cast %parallel_loop3A_170 : vector<1x16xf32> to vector<16xf32>
        %parallel_loop3A_172 = vector.shape_cast %parallel_loop3A_167 : vector<16xf32> to vector<1x16xf32>
        tpu.vector_store %arg8[%parallel_loop3A_168, %parallel_loop3A_169], %parallel_loop3A_172 {add = true, strides = array<i32>} : memref<32x768xf32, #tpu.memory_space<vmem>>, vector<1x16xf32>,
        %parallel_loop3A_173 = arith.constant 0 : i32
        %parallel_loop3A_174 = arith.addi %parallel_loop3A_173, %parallel_loop3A_150 : i32
        %parallel_loop3A_175 = arith.index_cast %parallel_loop3A_174 : i32 to index
        %parallel_loop3A_176 = arith.constant 32 : index
        %parallel_loop3A_177 = tpu.vector_load %arg7[%parallel_loop3A_175, %parallel_loop3A_176] {strides = array<i32>} : memref<64x768xf32, #tpu.memory_space<vmem>>, vector<1x16xf32>,
        %parallel_loop3A_178 = vector.shape_cast %parallel_loop3A_177 : vector<1x16xf32> to vector<16xf32>
        %parallel_loop3A_179 = arith.index_cast %parallel_loop3A_150 : i32 to index
        %parallel_loop3A_180 = arith.constant 32 : index
        %parallel_loop3A_181 = tpu.vector_load %arg8[%parallel_loop3A_179, %parallel_loop3A_180] {strides = array<i32>} : memref<32x768xf32, #tpu.memory_space<vmem>>, vector<1x16xf32>,
        %parallel_loop3A_182 = vector.shape_cast %parallel_loop3A_181 : vector<1x16xf32> to vector<16xf32>
        %parallel_loop3A_183 = vector.shape_cast %parallel_loop3A_178 : vector<16xf32> to vector<1x16xf32>
        tpu.vector_store %arg8[%parallel_loop3A_179, %parallel_loop3A_180], %parallel_loop3A_183 {add = true, strides = array<i32>} : memref<32x768xf32, #tpu.memory_space<vmem>>, vector<1x16xf32>,
        %parallel_loop3A_184 = arith.constant 0 : i32
        %parallel_loop3A_185 = arith.addi %parallel_loop3A_184, %parallel_loop3A_150 : i32
        %parallel_loop3A_186 = arith.index_cast %parallel_loop3A_185 : i32 to index
        %parallel_loop3A_187 = arith.constant 48 : index
        %parallel_loop3A_188 = tpu.vector_load %arg7[%parallel_loop3A_186, %parallel_loop3A_187] {strides = array<i32>} : memref<64x768xf32, #tpu.memory_space<vmem>>, vector<1x16xf32>,
        %parallel_loop3A_189 = vector.shape_cast %parallel_loop3A_188 : vector<1x16xf32> to vector<16xf32>
        %parallel_loop3A_190 = arith.index_cast %parallel_loop3A_150 : i32 to index
        %parallel_loop3A_191 = arith.constant 48 : index
        %parallel_loop3A_192 = tpu.vector_load %arg8[%parallel_loop3A_190, %parallel_loop3A_191] {strides = array<i32>} : memref<32x768xf32, #tpu.memory_space<vmem>>, vector<1x16xf32>,
        %parallel_loop3A_193 = vector.shape_cast %parallel_loop3A_192 : vector<1x16xf32> to vector<16xf32>
        %parallel_loop3A_194 = vector.shape_cast %parallel_loop3A_189 : vector<16xf32> to vector<1x16xf32>
        tpu.vector_store %arg8[%parallel_loop3A_190, %parallel_loop3A_191], %parallel_loop3A_194 {add = true, strides = array<i32>} : memref<32x768xf32, #tpu.memory_space<vmem>>, vector<1x16xf32>,
        %parallel_loop3A_195 = arith.constant 0 : i32
        %parallel_loop3A_196 = arith.addi %parallel_loop3A_195, %parallel_loop3A_150 : i32
        %parallel_loop3A_197 = arith.index_cast %parallel_loop3A_196 : i32 to index
        %parallel_loop3A_198 = arith.constant 64 : index
        %parallel_loop3A_199 = tpu.vector_load %arg7[%parallel_loop3A_197, %parallel_loop3A_198] {strides = array<i32>} : memref<64x768xf32, #tpu.memory_space<vmem>>, vector<1x16xf32>,
        %parallel_loop3A_200 = vector.shape_cast %parallel_loop3A_199 : vector<1x16xf32> to vector<16xf32>
        %parallel_loop3A_201 = arith.index_cast %parallel_loop3A_150 : i32 to index
        %parallel_loop3A_202 = arith.constant 64 : index
        %parallel_loop3A_203 = tpu.vector_load %arg8[%parallel_loop3A_201, %parallel_loop3A_202] {strides = array<i32>} : memref<32x768xf32, #tpu.memory_space<vmem>>, vector<1x16xf32>,
        %parallel_loop3A_204 = vector.shape_cast %parallel_loop3A_203 : vector<1x16xf32> to vector<16xf32>
        %parallel_loop3A_205 = vector.shape_cast %parallel_loop3A_200 : vector<16xf32> to vector<1x16xf32>
        tpu.vector_store %arg8[%parallel_loop3A_201, %parallel_loop3A_202], %parallel_loop3A_205 {add = true, strides = array<i32>} : memref<32x768xf32, #tpu.memory_space<vmem>>, vector<1x16xf32>,
        %parallel_loop3A_206 = arith.constant 0 : i32
        %parallel_loop3A_207 = arith.addi %parallel_loop3A_206, %parallel_loop3A_150 : i32
        %parallel_loop3A_208 = arith.index_cast %parallel_loop3A_207 : i32 to index
        %parallel_loop3A_209 = arith.constant 80 : index
        %parallel_loop3A_210 = tpu.vector_load %arg7[%parallel_loop3A_208, %parallel_loop3A_209] {strides = array<i32>} : memref<64x768xf32, #tpu.memory_space<vmem>>, vector<1x16xf32>,
        %parallel_loop3A_211 = vector.shape_cast %parallel_loop3A_210 : vector<1x16xf32> to vector<16xf32>
        %parallel_loop3A_212 = arith.index_cast %parallel_loop3A_150 : i32 to index
        %parallel_loop3A_213 = arith.constant 80 : index
        %parallel_loop3A_214 = tpu.vector_load %arg8[%parallel_loop3A_212, %parallel_loop3A_213] {strides = array<i32>} : memref<32x768xf32, #tpu.memory_space<vmem>>, vector<1x16xf32>,
        %parallel_loop3A_215 = vector.shape_cast %parallel_loop3A_214 : vector<1x16xf32> to vector<16xf32>
        %parallel_loop3A_216 = vector.shape_cast %parallel_loop3A_211 : vector<16xf32> to vector<1x16xf32>
        tpu.vector_store %arg8[%parallel_loop3A_212, %parallel_loop3A_213], %parallel_loop3A_216 {add = true, strides = array<i32>} : memref<32x768xf32, #tpu.memory_space<vmem>>, vector<1x16xf32>,
        %parallel_loop3A_217 = arith.constant 0 : i32
        %parallel_loop3A_218 = arith.addi %parallel_loop3A_217, %parallel_loop3A_150 : i32
        %parallel_loop3A_219 = arith.index_cast %parallel_loop3A_218 : i32 to index
        %parallel_loop3A_220 = arith.constant 96 : index
        %parallel_loop3A_221 = tpu.vector_load %arg7[%parallel_loop3A_219, %parallel_loop3A_220] {strides = array<i32>} : memref<64x768xf32, #tpu.memory_space<vmem>>, vector<1x16xf32>,
        %parallel_loop3A_222 = vector.shape_cast %parallel_loop3A_221 : vector<1x16xf32> to vector<16xf32>
        %parallel_loop3A_223 = arith.index_cast %parallel_loop3A_150 : i32 to index
        %parallel_loop3A_224 = arith.constant 96 : index
        %parallel_loop3A_225 = tpu.vector_load %arg8[%parallel_loop3A_223, %parallel_loop3A_224] {strides = array<i32>} : memref<32x768xf32, #tpu.memory_space<vmem>>, vector<1x16xf32>,
        %parallel_loop3A_226 = vector.shape_cast %parallel_loop3A_225 : vector<1x16xf32> to vector<16xf32>
        %parallel_loop3A_227 = vector.shape_cast %parallel_loop3A_222 : vector<16xf32> to vector<1x16xf32>
        tpu.vector_store %arg8[%parallel_loop3A_223, %parallel_loop3A_224], %parallel_loop3A_227 {add = true, strides = array<i32>} : memref<32x768xf32, #tpu.memory_space<vmem>>, vector<1x16xf32>,
        %parallel_loop3A_228 = arith.constant 0 : i32
        %parallel_loop3A_229 = arith.addi %parallel_loop3A_228, %parallel_loop3A_150 : i32
        %parallel_loop3A_230 = arith.index_cast %parallel_loop3A_229 : i32 to index
        %parallel_loop3A_231 = arith.constant 112 : index
        %parallel_loop3A_232 = tpu.vector_load %arg7[%parallel_loop3A_230, %parallel_loop3A_231] {strides = array<i32>} : memref<64x768xf32, #tpu.memory_space<vmem>>, vector<1x16xf32>,
        %parallel_loop3A_233 = vector.shape_cast %parallel_loop3A_232 : vector<1x16xf32> to vector<16xf32>
        %parallel_loop3A_234 = arith.index_cast %parallel_loop3A_150 : i32 to index
        %parallel_loop3A_235 = arith.constant 112 : index
        %parallel_loop3A_236 = tpu.vector_load %arg8[%parallel_loop3A_234, %parallel_loop3A_235] {strides = array<i32>} : memref<32x768xf32, #tpu.memory_space<vmem>>, vector<1x16xf32>,
        %parallel_loop3A_237 = vector.shape_cast %parallel_loop3A_236 : vector<1x16xf32> to vector<16xf32>
        %parallel_loop3A_238 = vector.shape_cast %parallel_loop3A_233 : vector<16xf32> to vector<1x16xf32>
        tpu.vector_store %arg8[%parallel_loop3A_234, %parallel_loop3A_235], %parallel_loop3A_238 {add = true, strides = array<i32>} : memref<32x768xf32, #tpu.memory_space<vmem>>, vector<1x16xf32>,
        %parallel_loop3A_239 = arith.constant 0 : i32
        %parallel_loop3A_240 = arith.addi %parallel_loop3A_239, %parallel_loop3A_150 : i32
        %parallel_loop3A_241 = arith.index_cast %parallel_loop3A_240 : i32 to index
        %parallel_loop3A_242 = arith.constant 128 : index
        %parallel_loop3A_243 = tpu.vector_load %arg7[%parallel_loop3A_241, %parallel_loop3A_242] {strides = array<i32>} : memref<64x768xf32, #tpu.memory_space<vmem>>, vector<1x16xf32>,
        %parallel_loop3A_244 = vector.shape_cast %parallel_loop3A_243 : vector<1x16xf32> to vector<16xf32>
        %parallel_loop3A_245 = arith.index_cast %parallel_loop3A_150 : i32 to index
        %parallel_loop3A_246 = arith.constant 128 : index
        %parallel_loop3A_247 = tpu.vector_load %arg8[%parallel_loop3A_245, %parallel_loop3A_246] {strides = array<i32>} : memref<32x768xf32, #tpu.memory_space<vmem>>, vector<1x16xf32>,
        %parallel_loop3A_248 = vector.shape_cast %parallel_loop3A_247 : vector<1x16xf32> to vector<16xf32>
        %parallel_loop3A_249 = vector.shape_cast %parallel_loop3A_244 : vector<16xf32> to vector<1x16xf32>
        tpu.vector_store %arg8[%parallel_loop3A_245, %parallel_loop3A_246], %parallel_loop3A_249 {add = true, strides = array<i32>} : memref<32x768xf32, #tpu.memory_space<vmem>>, vector<1x16xf32>,
        %parallel_loop3A_250 = arith.constant 0 : i32
        %parallel_loop3A_251 = arith.addi %parallel_loop3A_250, %parallel_loop3A_150 : i32
        %parallel_loop3A_252 = arith.index_cast %parallel_loop3A_251 : i32 to index
        %parallel_loop3A_253 = arith.constant 144 : index
        %parallel_loop3A_254 = tpu.vector_load %arg7[%parallel_loop3A_252, %parallel_loop3A_253] {strides = array<i32>} : memref<64x768xf32, #tpu.memory_space<vmem>>, vector<1x16xf32>,
        %parallel_loop3A_255 = vector.shape_cast %parallel_loop3A_254 : vector<1x16xf32> to vector<16xf32>
        %parallel_loop3A_256 = arith.index_cast %parallel_loop3A_150 : i32 to index
        %parallel_loop3A_257 = arith.constant 144 : index
        %parallel_loop3A_258 = tpu.vector_load %arg8[%parallel_loop3A_256, %parallel_loop3A_257] {strides = array<i32>} : memref<32x768xf32, #tpu.memory_space<vmem>>, vector<1x16xf32>,
        %parallel_loop3A_259 = vector.shape_cast %parallel_loop3A_258 : vector<1x16xf32> to vector<16xf32>
        %parallel_loop3A_260 = vector.shape_cast %parallel_loop3A_255 : vector<16xf32> to vector<1x16xf32>
        tpu.vector_store %arg8[%parallel_loop3A_256, %parallel_loop3A_257], %parallel_loop3A_260 {add = true, strides = array<i32>} : memref<32x768xf32, #tpu.memory_space<vmem>>, vector<1x16xf32>,
        %parallel_loop3A_261 = arith.constant 0 : i32
        %parallel_loop3A_262 = arith.addi %parallel_loop3A_261, %parallel_loop3A_150 : i32
        %parallel_loop3A_263 = arith.index_cast %parallel_loop3A_262 : i32 to index
        %parallel_loop3A_264 = arith.constant 160 : index
        %parallel_loop3A_265 = tpu.vector_load %arg7[%parallel_loop3A_263, %parallel_loop3A_264] {strides = array<i32>} : memref<64x768xf32, #tpu.memory_space<vmem>>, vector<1x16xf32>,
        %parallel_loop3A_266 = vector.shape_cast %parallel_loop3A_265 : vector<1x16xf32> to vector<16xf32>
        %parallel_loop3A_267 = arith.index_cast %parallel_loop3A_150 : i32 to index
        %parallel_loop3A_268 = arith.constant 160 : index
        %parallel_loop3A_269 = tpu.vector_load %arg8[%parallel_loop3A_267, %parallel_loop3A_268] {strides = array<i32>} : memref<32x768xf32, #tpu.memory_space<vmem>>, vector<1x16xf32>,
        %parallel_loop3A_270 = vector.shape_cast %parallel_loop3A_269 : vector<1x16xf32> to vector<16xf32>
        %parallel_loop3A_271 = vector.shape_cast %parallel_loop3A_266 : vector<16xf32> to vector<1x16xf32>
        tpu.vector_store %arg8[%parallel_loop3A_267, %parallel_loop3A_268], %parallel_loop3A_271 {add = true, strides = array<i32>} : memref<32x768xf32, #tpu.memory_space<vmem>>, vector<1x16xf32>,
        %parallel_loop3A_272 = arith.constant 0 : i32
        %parallel_loop3A_273 = arith.addi %parallel_loop3A_272, %parallel_loop3A_150 : i32
        %parallel_loop3A_274 = arith.index_cast %parallel_loop3A_273 : i32 to index
        %parallel_loop3A_275 = arith.constant 176 : index
        %parallel_loop3A_276 = tpu.vector_load %arg7[%parallel_loop3A_274, %parallel_loop3A_275] {strides = array<i32>} : memref<64x768xf32, #tpu.memory_space<vmem>>, vector<1x16xf32>,
        %parallel_loop3A_277 = vector.shape_cast %parallel_loop3A_276 : vector<1x16xf32> to vector<16xf32>
        %parallel_loop3A_278 = arith.index_cast %parallel_loop3A_150 : i32 to index
        %parallel_loop3A_279 = arith.constant 176 : index
        %parallel_loop3A_280 = tpu.vector_load %arg8[%parallel_loop3A_278, %parallel_loop3A_279] {strides = array<i32>} : memref<32x768xf32, #tpu.memory_space<vmem>>, vector<1x16xf32>,
        %parallel_loop3A_281 = vector.shape_cast %parallel_loop3A_280 : vector<1x16xf32> to vector<16xf32>
        %parallel_loop3A_282 = vector.shape_cast %parallel_loop3A_277 : vector<16xf32> to vector<1x16xf32>
        tpu.vector_store %arg8[%parallel_loop3A_278, %parallel_loop3A_279], %parallel_loop3A_282 {add = true, strides = array<i32>} : memref<32x768xf32, #tpu.memory_space<vmem>>, vector<1x16xf32>,
        %parallel_loop3A_283 = arith.constant 0 : i32
        %parallel_loop3A_284 = arith.addi %parallel_loop3A_283, %parallel_loop3A_150 : i32
        %parallel_loop3A_285 = arith.index_cast %parallel_loop3A_284 : i32 to index
        %parallel_loop3A_286 = arith.constant 192 : index
        %parallel_loop3A_287 = tpu.vector_load %arg7[%parallel_loop3A_285, %parallel_loop3A_286] {strides = array<i32>} : memref<64x768xf32, #tpu.memory_space<vmem>>, vector<1x16xf32>,
        %parallel_loop3A_288 = vector.shape_cast %parallel_loop3A_287 : vector<1x16xf32> to vector<16xf32>
        %parallel_loop3A_289 = arith.index_cast %parallel_loop3A_150 : i32 to index
        %parallel_loop3A_290 = arith.constant 192 : index
        %parallel_loop3A_291 = tpu.vector_load %arg8[%parallel_loop3A_289, %parallel_loop3A_290] {strides = array<i32>} : memref<32x768xf32, #tpu.memory_space<vmem>>, vector<1x16xf32>,
        %parallel_loop3A_292 = vector.shape_cast %parallel_loop3A_291 : vector<1x16xf32> to vector<16xf32>
        %parallel_loop3A_293 = vector.shape_cast %parallel_loop3A_288 : vector<16xf32> to vector<1x16xf32>
        tpu.vector_store %arg8[%parallel_loop3A_289, %parallel_loop3A_290], %parallel_loop3A_293 {add = true, strides = array<i32>} : memref<32x768xf32, #tpu.memory_space<vmem>>, vector<1x16xf32>,
        %parallel_loop3A_294 = arith.constant 0 : i32
        %parallel_loop3A_295 = arith.addi %parallel_loop3A_294, %parallel_loop3A_150 : i32
        %parallel_loop3A_296 = arith.index_cast %parallel_loop3A_295 : i32 to index
        %parallel_loop3A_297 = arith.constant 208 : index
        %parallel_loop3A_298 = tpu.vector_load %arg7[%parallel_loop3A_296, %parallel_loop3A_297] {strides = array<i32>} : memref<64x768xf32, #tpu.memory_space<vmem>>, vector<1x16xf32>,
        %parallel_loop3A_299 = vector.shape_cast %parallel_loop3A_298 : vector<1x16xf32> to vector<16xf32>
        %parallel_loop3A_300 = arith.index_cast %parallel_loop3A_150 : i32 to index
        %parallel_loop3A_301 = arith.constant 208 : index
        %parallel_loop3A_302 = tpu.vector_load %arg8[%parallel_loop3A_300, %parallel_loop3A_301] {strides = array<i32>} : memref<32x768xf32, #tpu.memory_space<vmem>>, vector<1x16xf32>,
        %parallel_loop3A_303 = vector.shape_cast %parallel_loop3A_302 : vector<1x16xf32> to vector<16xf32>
        %parallel_loop3A_304 = vector.shape_cast %parallel_loop3A_299 : vector<16xf32> to vector<1x16xf32>
        tpu.vector_store %arg8[%parallel_loop3A_300, %parallel_loop3A_301], %parallel_loop3A_304 {add = true, strides = array<i32>} : memref<32x768xf32, #tpu.memory_space<vmem>>, vector<1x16xf32>,
        %parallel_loop3A_305 = arith.constant 0 : i32
        %parallel_loop3A_306 = arith.addi %parallel_loop3A_305, %parallel_loop3A_150 : i32
        %parallel_loop3A_307 = arith.index_cast %parallel_loop3A_306 : i32 to index
        %parallel_loop3A_308 = arith.constant 224 : index
        %parallel_loop3A_309 = tpu.vector_load %arg7[%parallel_loop3A_307, %parallel_loop3A_308] {strides = array<i32>} : memref<64x768xf32, #tpu.memory_space<vmem>>, vector<1x16xf32>,
        %parallel_loop3A_310 = vector.shape_cast %parallel_loop3A_309 : vector<1x16xf32> to vector<16xf32>
        %parallel_loop3A_311 = arith.index_cast %parallel_loop3A_150 : i32 to index
        %parallel_loop3A_312 = arith.constant 224 : index
        %parallel_loop3A_313 = tpu.vector_load %arg8[%parallel_loop3A_311, %parallel_loop3A_312] {strides = array<i32>} : memref<32x768xf32, #tpu.memory_space<vmem>>, vector<1x16xf32>,
        %parallel_loop3A_314 = vector.shape_cast %parallel_loop3A_313 : vector<1x16xf32> to vector<16xf32>
        %parallel_loop3A_315 = vector.shape_cast %parallel_loop3A_310 : vector<16xf32> to vector<1x16xf32>
        tpu.vector_store %arg8[%parallel_loop3A_311, %parallel_loop3A_312], %parallel_loop3A_315 {add = true, strides = array<i32>} : memref<32x768xf32, #tpu.memory_space<vmem>>, vector<1x16xf32>,
        %parallel_loop3A_316 = arith.constant 0 : i32
        %parallel_loop3A_317 = arith.addi %parallel_loop3A_316, %parallel_loop3A_150 : i32
        %parallel_loop3A_318 = arith.index_cast %parallel_loop3A_317 : i32 to index
        %parallel_loop3A_319 = arith.constant 240 : index
        %parallel_loop3A_320 = tpu.vector_load %arg7[%parallel_loop3A_318, %parallel_loop3A_319] {strides = array<i32>} : memref<64x768xf32, #tpu.memory_space<vmem>>, vector<1x16xf32>,
        %parallel_loop3A_321 = vector.shape_cast %parallel_loop3A_320 : vector<1x16xf32> to vector<16xf32>
        %parallel_loop3A_322 = arith.index_cast %parallel_loop3A_150 : i32 to index
        %parallel_loop3A_323 = arith.constant 240 : index
        %parallel_loop3A_324 = tpu.vector_load %arg8[%parallel_loop3A_322, %parallel_loop3A_323] {strides = array<i32>} : memref<32x768xf32, #tpu.memory_space<vmem>>, vector<1x16xf32>,
        %parallel_loop3A_325 = vector.shape_cast %parallel_loop3A_324 : vector<1x16xf32> to vector<16xf32>
        %parallel_loop3A_326 = vector.shape_cast %parallel_loop3A_321 : vector<16xf32> to vector<1x16xf32>
        tpu.vector_store %arg8[%parallel_loop3A_322, %parallel_loop3A_323], %parallel_loop3A_326 {add = true, strides = array<i32>} : memref<32x768xf32, #tpu.memory_space<vmem>>, vector<1x16xf32>,
        %parallel_loop3A_327 = arith.constant 0 : i32
        %parallel_loop3A_328 = arith.addi %parallel_loop3A_327, %parallel_loop3A_150 : i32
        %parallel_loop3A_329 = arith.index_cast %parallel_loop3A_328 : i32 to index
        %parallel_loop3A_330 = arith.constant 256 : index
        %parallel_loop3A_331 = tpu.vector_load %arg7[%parallel_loop3A_329, %parallel_loop3A_330] {strides = array<i32>} : memref<64x768xf32, #tpu.memory_space<vmem>>, vector<1x16xf32>,
        %parallel_loop3A_332 = vector.shape_cast %parallel_loop3A_331 : vector<1x16xf32> to vector<16xf32>
        %parallel_loop3A_333 = arith.index_cast %parallel_loop3A_150 : i32 to index
        %parallel_loop3A_334 = arith.constant 256 : index
        %parallel_loop3A_335 = tpu.vector_load %arg8[%parallel_loop3A_333, %parallel_loop3A_334] {strides = array<i32>} : memref<32x768xf32, #tpu.memory_space<vmem>>, vector<1x16xf32>,
        %parallel_loop3A_336 = vector.shape_cast %parallel_loop3A_335 : vector<1x16xf32> to vector<16xf32>
        %parallel_loop3A_337 = vector.shape_cast %parallel_loop3A_332 : vector<16xf32> to vector<1x16xf32>
        tpu.vector_store %arg8[%parallel_loop3A_333, %parallel_loop3A_334], %parallel_loop3A_337 {add = true, strides = array<i32>} : memref<32x768xf32, #tpu.memory_space<vmem>>, vector<1x16xf32>,
        %parallel_loop3A_338 = arith.constant 0 : i32
        %parallel_loop3A_339 = arith.addi %parallel_loop3A_338, %parallel_loop3A_150 : i32
        %parallel_loop3A_340 = arith.index_cast %parallel_loop3A_339 : i32 to index
        %parallel_loop3A_341 = arith.constant 272 : index
        %parallel_loop3A_342 = tpu.vector_load %arg7[%parallel_loop3A_340, %parallel_loop3A_341] {strides = array<i32>} : memref<64x768xf32, #tpu.memory_space<vmem>>, vector<1x16xf32>,
        %parallel_loop3A_343 = vector.shape_cast %parallel_loop3A_342 : vector<1x16xf32> to vector<16xf32>
        %parallel_loop3A_344 = arith.index_cast %parallel_loop3A_150 : i32 to index
        %parallel_loop3A_345 = arith.constant 272 : index
        %parallel_loop3A_346 = tpu.vector_load %arg8[%parallel_loop3A_344, %parallel_loop3A_345] {strides = array<i32>} : memref<32x768xf32, #tpu.memory_space<vmem>>, vector<1x16xf32>,
        %parallel_loop3A_347 = vector.shape_cast %parallel_loop3A_346 : vector<1x16xf32> to vector<16xf32>
        %parallel_loop3A_348 = vector.shape_cast %parallel_loop3A_343 : vector<16xf32> to vector<1x16xf32>
        tpu.vector_store %arg8[%parallel_loop3A_344, %parallel_loop3A_345], %parallel_loop3A_348 {add = true, strides = array<i32>} : memref<32x768xf32, #tpu.memory_space<vmem>>, vector<1x16xf32>,
        %parallel_loop3A_349 = arith.constant 0 : i32
        %parallel_loop3A_350 = arith.addi %parallel_loop3A_349, %parallel_loop3A_150 : i32
        %parallel_loop3A_351 = arith.index_cast %parallel_loop3A_350 : i32 to index
        %parallel_loop3A_352 = arith.constant 288 : index
        %parallel_loop3A_353 = tpu.vector_load %arg7[%parallel_loop3A_351, %parallel_loop3A_352] {strides = array<i32>} : memref<64x768xf32, #tpu.memory_space<vmem>>, vector<1x16xf32>,
        %parallel_loop3A_354 = vector.shape_cast %parallel_loop3A_353 : vector<1x16xf32> to vector<16xf32>
        %parallel_loop3A_355 = arith.index_cast %parallel_loop3A_150 : i32 to index
        %parallel_loop3A_356 = arith.constant 288 : index
        %parallel_loop3A_357 = tpu.vector_load %arg8[%parallel_loop3A_355, %parallel_loop3A_356] {strides = array<i32>} : memref<32x768xf32, #tpu.memory_space<vmem>>, vector<1x16xf32>,
        %parallel_loop3A_358 = vector.shape_cast %parallel_loop3A_357 : vector<1x16xf32> to vector<16xf32>
        %parallel_loop3A_359 = vector.shape_cast %parallel_loop3A_354 : vector<16xf32> to vector<1x16xf32>
        tpu.vector_store %arg8[%parallel_loop3A_355, %parallel_loop3A_356], %parallel_loop3A_359 {add = true, strides = array<i32>} : memref<32x768xf32, #tpu.memory_space<vmem>>, vector<1x16xf32>,
        %parallel_loop3A_360 = arith.constant 0 : i32
        %parallel_loop3A_361 = arith.addi %parallel_loop3A_360, %parallel_loop3A_150 : i32
        %parallel_loop3A_362 = arith.index_cast %parallel_loop3A_361 : i32 to index
        %parallel_loop3A_363 = arith.constant 304 : index
        %parallel_loop3A_364 = tpu.vector_load %arg7[%parallel_loop3A_362, %parallel_loop3A_363] {strides = array<i32>} : memref<64x768xf32, #tpu.memory_space<vmem>>, vector<1x16xf32>,
        %parallel_loop3A_365 = vector.shape_cast %parallel_loop3A_364 : vector<1x16xf32> to vector<16xf32>
        %parallel_loop3A_366 = arith.index_cast %parallel_loop3A_150 : i32 to index
        %parallel_loop3A_367 = arith.constant 304 : index
        %parallel_loop3A_368 = tpu.vector_load %arg8[%parallel_loop3A_366, %parallel_loop3A_367] {strides = array<i32>} : memref<32x768xf32, #tpu.memory_space<vmem>>, vector<1x16xf32>,
        %parallel_loop3A_369 = vector.shape_cast %parallel_loop3A_368 : vector<1x16xf32> to vector<16xf32>
        %parallel_loop3A_370 = vector.shape_cast %parallel_loop3A_365 : vector<16xf32> to vector<1x16xf32>
        tpu.vector_store %arg8[%parallel_loop3A_366, %parallel_loop3A_367], %parallel_loop3A_370 {add = true, strides = array<i32>} : memref<32x768xf32, #tpu.memory_space<vmem>>, vector<1x16xf32>,
        %parallel_loop3A_371 = arith.constant 0 : i32
        %parallel_loop3A_372 = arith.addi %parallel_loop3A_371, %parallel_loop3A_150 : i32
        %parallel_loop3A_373 = arith.index_cast %parallel_loop3A_372 : i32 to index
        %parallel_loop3A_374 = arith.constant 320 : index
        %parallel_loop3A_375 = tpu.vector_load %arg7[%parallel_loop3A_373, %parallel_loop3A_374] {strides = array<i32>} : memref<64x768xf32, #tpu.memory_space<vmem>>, vector<1x16xf32>,
        %parallel_loop3A_376 = vector.shape_cast %parallel_loop3A_375 : vector<1x16xf32> to vector<16xf32>
        %parallel_loop3A_377 = arith.index_cast %parallel_loop3A_150 : i32 to index
        %parallel_loop3A_378 = arith.constant 320 : index
        %parallel_loop3A_379 = tpu.vector_load %arg8[%parallel_loop3A_377, %parallel_loop3A_378] {strides = array<i32>} : memref<32x768xf32, #tpu.memory_space<vmem>>, vector<1x16xf32>,
        %parallel_loop3A_380 = vector.shape_cast %parallel_loop3A_379 : vector<1x16xf32> to vector<16xf32>
        %parallel_loop3A_381 = vector.shape_cast %parallel_loop3A_376 : vector<16xf32> to vector<1x16xf32>
        tpu.vector_store %arg8[%parallel_loop3A_377, %parallel_loop3A_378], %parallel_loop3A_381 {add = true, strides = array<i32>} : memref<32x768xf32, #tpu.memory_space<vmem>>, vector<1x16xf32>,
        %parallel_loop3A_382 = arith.constant 0 : i32
        %parallel_loop3A_383 = arith.addi %parallel_loop3A_382, %parallel_loop3A_150 : i32
        %parallel_loop3A_384 = arith.index_cast %parallel_loop3A_383 : i32 to index
        %parallel_loop3A_385 = arith.constant 336 : index
        %parallel_loop3A_386 = tpu.vector_load %arg7[%parallel_loop3A_384, %parallel_loop3A_385] {strides = array<i32>} : memref<64x768xf32, #tpu.memory_space<vmem>>, vector<1x16xf32>,
        %parallel_loop3A_387 = vector.shape_cast %parallel_loop3A_386 : vector<1x16xf32> to vector<16xf32>
        %parallel_loop3A_388 = arith.index_cast %parallel_loop3A_150 : i32 to index
        %parallel_loop3A_389 = arith.constant 336 : index
        %parallel_loop3A_390 = tpu.vector_load %arg8[%parallel_loop3A_388, %parallel_loop3A_389] {strides = array<i32>} : memref<32x768xf32, #tpu.memory_space<vmem>>, vector<1x16xf32>,
        %parallel_loop3A_391 = vector.shape_cast %parallel_loop3A_390 : vector<1x16xf32> to vector<16xf32>
        %parallel_loop3A_392 = vector.shape_cast %parallel_loop3A_387 : vector<16xf32> to vector<1x16xf32>
        tpu.vector_store %arg8[%parallel_loop3A_388, %parallel_loop3A_389], %parallel_loop3A_392 {add = true, strides = array<i32>} : memref<32x768xf32, #tpu.memory_space<vmem>>, vector<1x16xf32>,
        %parallel_loop3A_393 = arith.constant 0 : i32
        %parallel_loop3A_394 = arith.addi %parallel_loop3A_393, %parallel_loop3A_150 : i32
        %parallel_loop3A_395 = arith.index_cast %parallel_loop3A_394 : i32 to index
        %parallel_loop3A_396 = arith.constant 352 : index
        %parallel_loop3A_397 = tpu.vector_load %arg7[%parallel_loop3A_395, %parallel_loop3A_396] {strides = array<i32>} : memref<64x768xf32, #tpu.memory_space<vmem>>, vector<1x16xf32>,
        %parallel_loop3A_398 = vector.shape_cast %parallel_loop3A_397 : vector<1x16xf32> to vector<16xf32>
        %parallel_loop3A_399 = arith.index_cast %parallel_loop3A_150 : i32 to index
        %parallel_loop3A_400 = arith.constant 352 : index
        %parallel_loop3A_401 = tpu.vector_load %arg8[%parallel_loop3A_399, %parallel_loop3A_400] {strides = array<i32>} : memref<32x768xf32, #tpu.memory_space<vmem>>, vector<1x16xf32>,
        %parallel_loop3A_402 = vector.shape_cast %parallel_loop3A_401 : vector<1x16xf32> to vector<16xf32>
        %parallel_loop3A_403 = vector.shape_cast %parallel_loop3A_398 : vector<16xf32> to vector<1x16xf32>
        tpu.vector_store %arg8[%parallel_loop3A_399, %parallel_loop3A_400], %parallel_loop3A_403 {add = true, strides = array<i32>} : memref<32x768xf32, #tpu.memory_space<vmem>>, vector<1x16xf32>,
        %parallel_loop3A_404 = arith.constant 0 : i32
        %parallel_loop3A_405 = arith.addi %parallel_loop3A_404, %parallel_loop3A_150 : i32
        %parallel_loop3A_406 = arith.index_cast %parallel_loop3A_405 : i32 to index
        %parallel_loop3A_407 = arith.constant 368 : index
        %parallel_loop3A_408 = tpu.vector_load %arg7[%parallel_loop3A_406, %parallel_loop3A_407] {strides = array<i32>} : memref<64x768xf32, #tpu.memory_space<vmem>>, vector<1x16xf32>,
        %parallel_loop3A_409 = vector.shape_cast %parallel_loop3A_408 : vector<1x16xf32> to vector<16xf32>
        %parallel_loop3A_410 = arith.index_cast %parallel_loop3A_150 : i32 to index
        %parallel_loop3A_411 = arith.constant 368 : index
        %parallel_loop3A_412 = tpu.vector_load %arg8[%parallel_loop3A_410, %parallel_loop3A_411] {strides = array<i32>} : memref<32x768xf32, #tpu.memory_space<vmem>>, vector<1x16xf32>,
        %parallel_loop3A_413 = vector.shape_cast %parallel_loop3A_412 : vector<1x16xf32> to vector<16xf32>
        %parallel_loop3A_414 = vector.shape_cast %parallel_loop3A_409 : vector<16xf32> to vector<1x16xf32>
        tpu.vector_store %arg8[%parallel_loop3A_410, %parallel_loop3A_411], %parallel_loop3A_414 {add = true, strides = array<i32>} : memref<32x768xf32, #tpu.memory_space<vmem>>, vector<1x16xf32>,
        %parallel_loop3A_415 = arith.constant 0 : i32
        %parallel_loop3A_416 = arith.addi %parallel_loop3A_415, %parallel_loop3A_150 : i32
        %parallel_loop3A_417 = arith.index_cast %parallel_loop3A_416 : i32 to index
        %parallel_loop3A_418 = arith.constant 384 : index
        %parallel_loop3A_419 = tpu.vector_load %arg7[%parallel_loop3A_417, %parallel_loop3A_418] {strides = array<i32>} : memref<64x768xf32, #tpu.memory_space<vmem>>, vector<1x16xf32>,
        %parallel_loop3A_420 = vector.shape_cast %parallel_loop3A_419 : vector<1x16xf32> to vector<16xf32>
        %parallel_loop3A_421 = arith.index_cast %parallel_loop3A_150 : i32 to index
        %parallel_loop3A_422 = arith.constant 384 : index
        %parallel_loop3A_423 = tpu.vector_load %arg8[%parallel_loop3A_421, %parallel_loop3A_422] {strides = array<i32>} : memref<32x768xf32, #tpu.memory_space<vmem>>, vector<1x16xf32>,
        %parallel_loop3A_424 = vector.shape_cast %parallel_loop3A_423 : vector<1x16xf32> to vector<16xf32>
        %parallel_loop3A_425 = vector.shape_cast %parallel_loop3A_420 : vector<16xf32> to vector<1x16xf32>
        tpu.vector_store %arg8[%parallel_loop3A_421, %parallel_loop3A_422], %parallel_loop3A_425 {add = true, strides = array<i32>} : memref<32x768xf32, #tpu.memory_space<vmem>>, vector<1x16xf32>,
        %parallel_loop3A_426 = arith.constant 0 : i32
        %parallel_loop3A_427 = arith.addi %parallel_loop3A_426, %parallel_loop3A_150 : i32
        %parallel_loop3A_428 = arith.index_cast %parallel_loop3A_427 : i32 to index
        %parallel_loop3A_429 = arith.constant 400 : index
        %parallel_loop3A_430 = tpu.vector_load %arg7[%parallel_loop3A_428, %parallel_loop3A_429] {strides = array<i32>} : memref<64x768xf32, #tpu.memory_space<vmem>>, vector<1x16xf32>,
        %parallel_loop3A_431 = vector.shape_cast %parallel_loop3A_430 : vector<1x16xf32> to vector<16xf32>
        %parallel_loop3A_432 = arith.index_cast %parallel_loop3A_150 : i32 to index
        %parallel_loop3A_433 = arith.constant 400 : index
        %parallel_loop3A_434 = tpu.vector_load %arg8[%parallel_loop3A_432, %parallel_loop3A_433] {strides = array<i32>} : memref<32x768xf32, #tpu.memory_space<vmem>>, vector<1x16xf32>,
        %parallel_loop3A_435 = vector.shape_cast %parallel_loop3A_434 : vector<1x16xf32> to vector<16xf32>
        %parallel_loop3A_436 = vector.shape_cast %parallel_loop3A_431 : vector<16xf32> to vector<1x16xf32>
        tpu.vector_store %arg8[%parallel_loop3A_432, %parallel_loop3A_433], %parallel_loop3A_436 {add = true, strides = array<i32>} : memref<32x768xf32, #tpu.memory_space<vmem>>, vector<1x16xf32>,
        %parallel_loop3A_437 = arith.constant 0 : i32
        %parallel_loop3A_438 = arith.addi %parallel_loop3A_437, %parallel_loop3A_150 : i32
        %parallel_loop3A_439 = arith.index_cast %parallel_loop3A_438 : i32 to index
        %parallel_loop3A_440 = arith.constant 416 : index
        %parallel_loop3A_441 = tpu.vector_load %arg7[%parallel_loop3A_439, %parallel_loop3A_440] {strides = array<i32>} : memref<64x768xf32, #tpu.memory_space<vmem>>, vector<1x16xf32>,
        %parallel_loop3A_442 = vector.shape_cast %parallel_loop3A_441 : vector<1x16xf32> to vector<16xf32>
        %parallel_loop3A_443 = arith.index_cast %parallel_loop3A_150 : i32 to index
        %parallel_loop3A_444 = arith.constant 416 : index
        %parallel_loop3A_445 = tpu.vector_load %arg8[%parallel_loop3A_443, %parallel_loop3A_444] {strides = array<i32>} : memref<32x768xf32, #tpu.memory_space<vmem>>, vector<1x16xf32>,
        %parallel_loop3A_446 = vector.shape_cast %parallel_loop3A_445 : vector<1x16xf32> to vector<16xf32>
        %parallel_loop3A_447 = vector.shape_cast %parallel_loop3A_442 : vector<16xf32> to vector<1x16xf32>
        tpu.vector_store %arg8[%parallel_loop3A_443, %parallel_loop3A_444], %parallel_loop3A_447 {add = true, strides = array<i32>} : memref<32x768xf32, #tpu.memory_space<vmem>>, vector<1x16xf32>,
        %parallel_loop3A_448 = arith.constant 0 : i32
        %parallel_loop3A_449 = arith.addi %parallel_loop3A_448, %parallel_loop3A_150 : i32
        %parallel_loop3A_450 = arith.index_cast %parallel_loop3A_449 : i32 to index
        %parallel_loop3A_451 = arith.constant 432 : index
        %parallel_loop3A_452 = tpu.vector_load %arg7[%parallel_loop3A_450, %parallel_loop3A_451] {strides = array<i32>} : memref<64x768xf32, #tpu.memory_space<vmem>>, vector<1x16xf32>,
        %parallel_loop3A_453 = vector.shape_cast %parallel_loop3A_452 : vector<1x16xf32> to vector<16xf32>
        %parallel_loop3A_454 = arith.index_cast %parallel_loop3A_150 : i32 to index
        %parallel_loop3A_455 = arith.constant 432 : index
        %parallel_loop3A_456 = tpu.vector_load %arg8[%parallel_loop3A_454, %parallel_loop3A_455] {strides = array<i32>} : memref<32x768xf32, #tpu.memory_space<vmem>>, vector<1x16xf32>,
        %parallel_loop3A_457 = vector.shape_cast %parallel_loop3A_456 : vector<1x16xf32> to vector<16xf32>
        %parallel_loop3A_458 = vector.shape_cast %parallel_loop3A_453 : vector<16xf32> to vector<1x16xf32>
        tpu.vector_store %arg8[%parallel_loop3A_454, %parallel_loop3A_455], %parallel_loop3A_458 {add = true, strides = array<i32>} : memref<32x768xf32, #tpu.memory_space<vmem>>, vector<1x16xf32>,
        %parallel_loop3A_459 = arith.constant 0 : i32
        %parallel_loop3A_460 = arith.addi %parallel_loop3A_459, %parallel_loop3A_150 : i32
        %parallel_loop3A_461 = arith.index_cast %parallel_loop3A_460 : i32 to index
        %parallel_loop3A_462 = arith.constant 448 : index
        %parallel_loop3A_463 = tpu.vector_load %arg7[%parallel_loop3A_461, %parallel_loop3A_462] {strides = array<i32>} : memref<64x768xf32, #tpu.memory_space<vmem>>, vector<1x16xf32>,
        %parallel_loop3A_464 = vector.shape_cast %parallel_loop3A_463 : vector<1x16xf32> to vector<16xf32>
        %parallel_loop3A_465 = arith.index_cast %parallel_loop3A_150 : i32 to index
        %parallel_loop3A_466 = arith.constant 448 : index
        %parallel_loop3A_467 = tpu.vector_load %arg8[%parallel_loop3A_465, %parallel_loop3A_466] {strides = array<i32>} : memref<32x768xf32, #tpu.memory_space<vmem>>, vector<1x16xf32>,
        %parallel_loop3A_468 = vector.shape_cast %parallel_loop3A_467 : vector<1x16xf32> to vector<16xf32>
        %parallel_loop3A_469 = vector.shape_cast %parallel_loop3A_464 : vector<16xf32> to vector<1x16xf32>
        tpu.vector_store %arg8[%parallel_loop3A_465, %parallel_loop3A_466], %parallel_loop3A_469 {add = true, strides = array<i32>} : memref<32x768xf32, #tpu.memory_space<vmem>>, vector<1x16xf32>,
        %parallel_loop3A_470 = arith.constant 0 : i32
        %parallel_loop3A_471 = arith.addi %parallel_loop3A_470, %parallel_loop3A_150 : i32
        %parallel_loop3A_472 = arith.index_cast %parallel_loop3A_471 : i32 to index
        %parallel_loop3A_473 = arith.constant 464 : index
        %parallel_loop3A_474 = tpu.vector_load %arg7[%parallel_loop3A_472, %parallel_loop3A_473] {strides = array<i32>} : memref<64x768xf32, #tpu.memory_space<vmem>>, vector<1x16xf32>,
        %parallel_loop3A_475 = vector.shape_cast %parallel_loop3A_474 : vector<1x16xf32> to vector<16xf32>
        %parallel_loop3A_476 = arith.index_cast %parallel_loop3A_150 : i32 to index
        %parallel_loop3A_477 = arith.constant 464 : index
        %parallel_loop3A_478 = tpu.vector_load %arg8[%parallel_loop3A_476, %parallel_loop3A_477] {strides = array<i32>} : memref<32x768xf32, #tpu.memory_space<vmem>>, vector<1x16xf32>,
        %parallel_loop3A_479 = vector.shape_cast %parallel_loop3A_478 : vector<1x16xf32> to vector<16xf32>
        %parallel_loop3A_480 = vector.shape_cast %parallel_loop3A_475 : vector<16xf32> to vector<1x16xf32>
        tpu.vector_store %arg8[%parallel_loop3A_476, %parallel_loop3A_477], %parallel_loop3A_480 {add = true, strides = array<i32>} : memref<32x768xf32, #tpu.memory_space<vmem>>, vector<1x16xf32>,
        %parallel_loop3A_481 = arith.constant 0 : i32
        %parallel_loop3A_482 = arith.addi %parallel_loop3A_481, %parallel_loop3A_150 : i32
        %parallel_loop3A_483 = arith.index_cast %parallel_loop3A_482 : i32 to index
        %parallel_loop3A_484 = arith.constant 480 : index
        %parallel_loop3A_485 = tpu.vector_load %arg7[%parallel_loop3A_483, %parallel_loop3A_484] {strides = array<i32>} : memref<64x768xf32, #tpu.memory_space<vmem>>, vector<1x16xf32>,
        %parallel_loop3A_486 = vector.shape_cast %parallel_loop3A_485 : vector<1x16xf32> to vector<16xf32>
        %parallel_loop3A_487 = arith.index_cast %parallel_loop3A_150 : i32 to index
        %parallel_loop3A_488 = arith.constant 480 : index
        %parallel_loop3A_489 = tpu.vector_load %arg8[%parallel_loop3A_487, %parallel_loop3A_488] {strides = array<i32>} : memref<32x768xf32, #tpu.memory_space<vmem>>, vector<1x16xf32>,
        %parallel_loop3A_490 = vector.shape_cast %parallel_loop3A_489 : vector<1x16xf32> to vector<16xf32>
        %parallel_loop3A_491 = vector.shape_cast %parallel_loop3A_486 : vector<16xf32> to vector<1x16xf32>
        tpu.vector_store %arg8[%parallel_loop3A_487, %parallel_loop3A_488], %parallel_loop3A_491 {add = true, strides = array<i32>} : memref<32x768xf32, #tpu.memory_space<vmem>>, vector<1x16xf32>,
        %parallel_loop3A_492 = arith.constant 0 : i32
        %parallel_loop3A_493 = arith.addi %parallel_loop3A_492, %parallel_loop3A_150 : i32
        %parallel_loop3A_494 = arith.index_cast %parallel_loop3A_493 : i32 to index
        %parallel_loop3A_495 = arith.constant 496 : index
        %parallel_loop3A_496 = tpu.vector_load %arg7[%parallel_loop3A_494, %parallel_loop3A_495] {strides = array<i32>} : memref<64x768xf32, #tpu.memory_space<vmem>>, vector<1x16xf32>,
        %parallel_loop3A_497 = vector.shape_cast %parallel_loop3A_496 : vector<1x16xf32> to vector<16xf32>
        %parallel_loop3A_498 = arith.index_cast %parallel_loop3A_150 : i32 to index
        %parallel_loop3A_499 = arith.constant 496 : index
        %parallel_loop3A_500 = tpu.vector_load %arg8[%parallel_loop3A_498, %parallel_loop3A_499] {strides = array<i32>} : memref<32x768xf32, #tpu.memory_space<vmem>>, vector<1x16xf32>,
        %parallel_loop3A_501 = vector.shape_cast %parallel_loop3A_500 : vector<1x16xf32> to vector<16xf32>
        %parallel_loop3A_502 = vector.shape_cast %parallel_loop3A_497 : vector<16xf32> to vector<1x16xf32>
        tpu.vector_store %arg8[%parallel_loop3A_498, %parallel_loop3A_499], %parallel_loop3A_502 {add = true, strides = array<i32>} : memref<32x768xf32, #tpu.memory_space<vmem>>, vector<1x16xf32>,
        %parallel_loop3A_503 = arith.constant 0 : i32
        %parallel_loop3A_504 = arith.addi %parallel_loop3A_503, %parallel_loop3A_150 : i32
        %parallel_loop3A_505 = arith.index_cast %parallel_loop3A_504 : i32 to index
        %parallel_loop3A_506 = arith.constant 512 : index
        %parallel_loop3A_507 = tpu.vector_load %arg7[%parallel_loop3A_505, %parallel_loop3A_506] {strides = array<i32>} : memref<64x768xf32, #tpu.memory_space<vmem>>, vector<1x16xf32>,
        %parallel_loop3A_508 = vector.shape_cast %parallel_loop3A_507 : vector<1x16xf32> to vector<16xf32>
        %parallel_loop3A_509 = arith.index_cast %parallel_loop3A_150 : i32 to index
        %parallel_loop3A_510 = arith.constant 512 : index
        %parallel_loop3A_511 = tpu.vector_load %arg8[%parallel_loop3A_509, %parallel_loop3A_510] {strides = array<i32>} : memref<32x768xf32, #tpu.memory_space<vmem>>, vector<1x16xf32>,
        %parallel_loop3A_512 = vector.shape_cast %parallel_loop3A_511 : vector<1x16xf32> to vector<16xf32>
        %parallel_loop3A_513 = vector.shape_cast %parallel_loop3A_508 : vector<16xf32> to vector<1x16xf32>
        tpu.vector_store %arg8[%parallel_loop3A_509, %parallel_loop3A_510], %parallel_loop3A_513 {add = true, strides = array<i32>} : memref<32x768xf32, #tpu.memory_space<vmem>>, vector<1x16xf32>,
        %parallel_loop3A_514 = arith.constant 0 : i32
        %parallel_loop3A_515 = arith.addi %parallel_loop3A_514, %parallel_loop3A_150 : i32
        %parallel_loop3A_516 = arith.index_cast %parallel_loop3A_515 : i32 to index
        %parallel_loop3A_517 = arith.constant 528 : index
        %parallel_loop3A_518 = tpu.vector_load %arg7[%parallel_loop3A_516, %parallel_loop3A_517] {strides = array<i32>} : memref<64x768xf32, #tpu.memory_space<vmem>>, vector<1x16xf32>,
        %parallel_loop3A_519 = vector.shape_cast %parallel_loop3A_518 : vector<1x16xf32> to vector<16xf32>
        %parallel_loop3A_520 = arith.index_cast %parallel_loop3A_150 : i32 to index
        %parallel_loop3A_521 = arith.constant 528 : index
        %parallel_loop3A_522 = tpu.vector_load %arg8[%parallel_loop3A_520, %parallel_loop3A_521] {strides = array<i32>} : memref<32x768xf32, #tpu.memory_space<vmem>>, vector<1x16xf32>,
        %parallel_loop3A_523 = vector.shape_cast %parallel_loop3A_522 : vector<1x16xf32> to vector<16xf32>
        %parallel_loop3A_524 = vector.shape_cast %parallel_loop3A_519 : vector<16xf32> to vector<1x16xf32>
        tpu.vector_store %arg8[%parallel_loop3A_520, %parallel_loop3A_521], %parallel_loop3A_524 {add = true, strides = array<i32>} : memref<32x768xf32, #tpu.memory_space<vmem>>, vector<1x16xf32>,
        %parallel_loop3A_525 = arith.constant 0 : i32
        %parallel_loop3A_526 = arith.addi %parallel_loop3A_525, %parallel_loop3A_150 : i32
        %parallel_loop3A_527 = arith.index_cast %parallel_loop3A_526 : i32 to index
        %parallel_loop3A_528 = arith.constant 544 : index
        %parallel_loop3A_529 = tpu.vector_load %arg7[%parallel_loop3A_527, %parallel_loop3A_528] {strides = array<i32>} : memref<64x768xf32, #tpu.memory_space<vmem>>, vector<1x16xf32>,
        %parallel_loop3A_530 = vector.shape_cast %parallel_loop3A_529 : vector<1x16xf32> to vector<16xf32>
        %parallel_loop3A_531 = arith.index_cast %parallel_loop3A_150 : i32 to index
        %parallel_loop3A_532 = arith.constant 544 : index
        %parallel_loop3A_533 = tpu.vector_load %arg8[%parallel_loop3A_531, %parallel_loop3A_532] {strides = array<i32>} : memref<32x768xf32, #tpu.memory_space<vmem>>, vector<1x16xf32>,
        %parallel_loop3A_534 = vector.shape_cast %parallel_loop3A_533 : vector<1x16xf32> to vector<16xf32>
        %parallel_loop3A_535 = vector.shape_cast %parallel_loop3A_530 : vector<16xf32> to vector<1x16xf32>
        tpu.vector_store %arg8[%parallel_loop3A_531, %parallel_loop3A_532], %parallel_loop3A_535 {add = true, strides = array<i32>} : memref<32x768xf32, #tpu.memory_space<vmem>>, vector<1x16xf32>,
        %parallel_loop3A_536 = arith.constant 0 : i32
        %parallel_loop3A_537 = arith.addi %parallel_loop3A_536, %parallel_loop3A_150 : i32
        %parallel_loop3A_538 = arith.index_cast %parallel_loop3A_537 : i32 to index
        %parallel_loop3A_539 = arith.constant 560 : index
        %parallel_loop3A_540 = tpu.vector_load %arg7[%parallel_loop3A_538, %parallel_loop3A_539] {strides = array<i32>} : memref<64x768xf32, #tpu.memory_space<vmem>>, vector<1x16xf32>,
        %parallel_loop3A_541 = vector.shape_cast %parallel_loop3A_540 : vector<1x16xf32> to vector<16xf32>
        %parallel_loop3A_542 = arith.index_cast %parallel_loop3A_150 : i32 to index
        %parallel_loop3A_543 = arith.constant 560 : index
        %parallel_loop3A_544 = tpu.vector_load %arg8[%parallel_loop3A_542, %parallel_loop3A_543] {strides = array<i32>} : memref<32x768xf32, #tpu.memory_space<vmem>>, vector<1x16xf32>,
        %parallel_loop3A_545 = vector.shape_cast %parallel_loop3A_544 : vector<1x16xf32> to vector<16xf32>
        %parallel_loop3A_546 = vector.shape_cast %parallel_loop3A_541 : vector<16xf32> to vector<1x16xf32>
        tpu.vector_store %arg8[%parallel_loop3A_542, %parallel_loop3A_543], %parallel_loop3A_546 {add = true, strides = array<i32>} : memref<32x768xf32, #tpu.memory_space<vmem>>, vector<1x16xf32>,
        %parallel_loop3A_547 = arith.constant 0 : i32
        %parallel_loop3A_548 = arith.addi %parallel_loop3A_547, %parallel_loop3A_150 : i32
        %parallel_loop3A_549 = arith.index_cast %parallel_loop3A_548 : i32 to index
        %parallel_loop3A_550 = arith.constant 576 : index
        %parallel_loop3A_551 = tpu.vector_load %arg7[%parallel_loop3A_549, %parallel_loop3A_550] {strides = array<i32>} : memref<64x768xf32, #tpu.memory_space<vmem>>, vector<1x16xf32>,
        %parallel_loop3A_552 = vector.shape_cast %parallel_loop3A_551 : vector<1x16xf32> to vector<16xf32>
        %parallel_loop3A_553 = arith.index_cast %parallel_loop3A_150 : i32 to index
        %parallel_loop3A_554 = arith.constant 576 : index
        %parallel_loop3A_555 = tpu.vector_load %arg8[%parallel_loop3A_553, %parallel_loop3A_554] {strides = array<i32>} : memref<32x768xf32, #tpu.memory_space<vmem>>, vector<1x16xf32>,
        %parallel_loop3A_556 = vector.shape_cast %parallel_loop3A_555 : vector<1x16xf32> to vector<16xf32>
        %parallel_loop3A_557 = vector.shape_cast %parallel_loop3A_552 : vector<16xf32> to vector<1x16xf32>
        tpu.vector_store %arg8[%parallel_loop3A_553, %parallel_loop3A_554], %parallel_loop3A_557 {add = true, strides = array<i32>} : memref<32x768xf32, #tpu.memory_space<vmem>>, vector<1x16xf32>,
        %parallel_loop3A_558 = arith.constant 0 : i32
        %parallel_loop3A_559 = arith.addi %parallel_loop3A_558, %parallel_loop3A_150 : i32
        %parallel_loop3A_560 = arith.index_cast %parallel_loop3A_559 : i32 to index
        %parallel_loop3A_561 = arith.constant 592 : index
        %parallel_loop3A_562 = tpu.vector_load %arg7[%parallel_loop3A_560, %parallel_loop3A_561] {strides = array<i32>} : memref<64x768xf32, #tpu.memory_space<vmem>>, vector<1x16xf32>,
        %parallel_loop3A_563 = vector.shape_cast %parallel_loop3A_562 : vector<1x16xf32> to vector<16xf32>
        %parallel_loop3A_564 = arith.index_cast %parallel_loop3A_150 : i32 to index
        %parallel_loop3A_565 = arith.constant 592 : index
        %parallel_loop3A_566 = tpu.vector_load %arg8[%parallel_loop3A_564, %parallel_loop3A_565] {strides = array<i32>} : memref<32x768xf32, #tpu.memory_space<vmem>>, vector<1x16xf32>,
        %parallel_loop3A_567 = vector.shape_cast %parallel_loop3A_566 : vector<1x16xf32> to vector<16xf32>
        %parallel_loop3A_568 = vector.shape_cast %parallel_loop3A_563 : vector<16xf32> to vector<1x16xf32>
        tpu.vector_store %arg8[%parallel_loop3A_564, %parallel_loop3A_565], %parallel_loop3A_568 {add = true, strides = array<i32>} : memref<32x768xf32, #tpu.memory_space<vmem>>, vector<1x16xf32>,
        %parallel_loop3A_569 = arith.constant 0 : i32
        %parallel_loop3A_570 = arith.addi %parallel_loop3A_569, %parallel_loop3A_150 : i32
        %parallel_loop3A_571 = arith.index_cast %parallel_loop3A_570 : i32 to index
        %parallel_loop3A_572 = arith.constant 608 : index
        %parallel_loop3A_573 = tpu.vector_load %arg7[%parallel_loop3A_571, %parallel_loop3A_572] {strides = array<i32>} : memref<64x768xf32, #tpu.memory_space<vmem>>, vector<1x16xf32>,
        %parallel_loop3A_574 = vector.shape_cast %parallel_loop3A_573 : vector<1x16xf32> to vector<16xf32>
        %parallel_loop3A_575 = arith.index_cast %parallel_loop3A_150 : i32 to index
        %parallel_loop3A_576 = arith.constant 608 : index
        %parallel_loop3A_577 = tpu.vector_load %arg8[%parallel_loop3A_575, %parallel_loop3A_576] {strides = array<i32>} : memref<32x768xf32, #tpu.memory_space<vmem>>, vector<1x16xf32>,
        %parallel_loop3A_578 = vector.shape_cast %parallel_loop3A_577 : vector<1x16xf32> to vector<16xf32>
        %parallel_loop3A_579 = vector.shape_cast %parallel_loop3A_574 : vector<16xf32> to vector<1x16xf32>
        tpu.vector_store %arg8[%parallel_loop3A_575, %parallel_loop3A_576], %parallel_loop3A_579 {add = true, strides = array<i32>} : memref<32x768xf32, #tpu.memory_space<vmem>>, vector<1x16xf32>,
        %parallel_loop3A_580 = arith.constant 0 : i32
        %parallel_loop3A_581 = arith.addi %parallel_loop3A_580, %parallel_loop3A_150 : i32
        %parallel_loop3A_582 = arith.index_cast %parallel_loop3A_581 : i32 to index
        %parallel_loop3A_583 = arith.constant 624 : index
        %parallel_loop3A_584 = tpu.vector_load %arg7[%parallel_loop3A_582, %parallel_loop3A_583] {strides = array<i32>} : memref<64x768xf32, #tpu.memory_space<vmem>>, vector<1x16xf32>,
        %parallel_loop3A_585 = vector.shape_cast %parallel_loop3A_584 : vector<1x16xf32> to vector<16xf32>
        %parallel_loop3A_586 = arith.index_cast %parallel_loop3A_150 : i32 to index
        %parallel_loop3A_587 = arith.constant 624 : index
        %parallel_loop3A_588 = tpu.vector_load %arg8[%parallel_loop3A_586, %parallel_loop3A_587] {strides = array<i32>} : memref<32x768xf32, #tpu.memory_space<vmem>>, vector<1x16xf32>,
        %parallel_loop3A_589 = vector.shape_cast %parallel_loop3A_588 : vector<1x16xf32> to vector<16xf32>
        %parallel_loop3A_590 = vector.shape_cast %parallel_loop3A_585 : vector<16xf32> to vector<1x16xf32>
        tpu.vector_store %arg8[%parallel_loop3A_586, %parallel_loop3A_587], %parallel_loop3A_590 {add = true, strides = array<i32>} : memref<32x768xf32, #tpu.memory_space<vmem>>, vector<1x16xf32>,
        %parallel_loop3A_591 = arith.constant 0 : i32
        %parallel_loop3A_592 = arith.addi %parallel_loop3A_591, %parallel_loop3A_150 : i32
        %parallel_loop3A_593 = arith.index_cast %parallel_loop3A_592 : i32 to index
        %parallel_loop3A_594 = arith.constant 640 : index
        %parallel_loop3A_595 = tpu.vector_load %arg7[%parallel_loop3A_593, %parallel_loop3A_594] {strides = array<i32>} : memref<64x768xf32, #tpu.memory_space<vmem>>, vector<1x16xf32>,
        %parallel_loop3A_596 = vector.shape_cast %parallel_loop3A_595 : vector<1x16xf32> to vector<16xf32>
        %parallel_loop3A_597 = arith.index_cast %parallel_loop3A_150 : i32 to index
        %parallel_loop3A_598 = arith.constant 640 : index
        %parallel_loop3A_599 = tpu.vector_load %arg8[%parallel_loop3A_597, %parallel_loop3A_598] {strides = array<i32>} : memref<32x768xf32, #tpu.memory_space<vmem>>, vector<1x16xf32>,
        %parallel_loop3A_600 = vector.shape_cast %parallel_loop3A_599 : vector<1x16xf32> to vector<16xf32>
        %parallel_loop3A_601 = vector.shape_cast %parallel_loop3A_596 : vector<16xf32> to vector<1x16xf32>
        tpu.vector_store %arg8[%parallel_loop3A_597, %parallel_loop3A_598], %parallel_loop3A_601 {add = true, strides = array<i32>} : memref<32x768xf32, #tpu.memory_space<vmem>>, vector<1x16xf32>,
        %parallel_loop3A_602 = arith.constant 0 : i32
        %parallel_loop3A_603 = arith.addi %parallel_loop3A_602, %parallel_loop3A_150 : i32
        %parallel_loop3A_604 = arith.index_cast %parallel_loop3A_603 : i32 to index
        %parallel_loop3A_605 = arith.constant 656 : index
        %parallel_loop3A_606 = tpu.vector_load %arg7[%parallel_loop3A_604, %parallel_loop3A_605] {strides = array<i32>} : memref<64x768xf32, #tpu.memory_space<vmem>>, vector<1x16xf32>,
        %parallel_loop3A_607 = vector.shape_cast %parallel_loop3A_606 : vector<1x16xf32> to vector<16xf32>
        %parallel_loop3A_608 = arith.index_cast %parallel_loop3A_150 : i32 to index
        %parallel_loop3A_609 = arith.constant 656 : index
        %parallel_loop3A_610 = tpu.vector_load %arg8[%parallel_loop3A_608, %parallel_loop3A_609] {strides = array<i32>} : memref<32x768xf32, #tpu.memory_space<vmem>>, vector<1x16xf32>,
        %parallel_loop3A_611 = vector.shape_cast %parallel_loop3A_610 : vector<1x16xf32> to vector<16xf32>
        %parallel_loop3A_612 = vector.shape_cast %parallel_loop3A_607 : vector<16xf32> to vector<1x16xf32>
        tpu.vector_store %arg8[%parallel_loop3A_608, %parallel_loop3A_609], %parallel_loop3A_612 {add = true, strides = array<i32>} : memref<32x768xf32, #tpu.memory_space<vmem>>, vector<1x16xf32>,
        %parallel_loop3A_613 = arith.constant 0 : i32
        %parallel_loop3A_614 = arith.addi %parallel_loop3A_613, %parallel_loop3A_150 : i32
        %parallel_loop3A_615 = arith.index_cast %parallel_loop3A_614 : i32 to index
        %parallel_loop3A_616 = arith.constant 672 : index
        %parallel_loop3A_617 = tpu.vector_load %arg7[%parallel_loop3A_615, %parallel_loop3A_616] {strides = array<i32>} : memref<64x768xf32, #tpu.memory_space<vmem>>, vector<1x16xf32>,
        %parallel_loop3A_618 = vector.shape_cast %parallel_loop3A_617 : vector<1x16xf32> to vector<16xf32>
        %parallel_loop3A_619 = arith.index_cast %parallel_loop3A_150 : i32 to index
        %parallel_loop3A_620 = arith.constant 672 : index
        %parallel_loop3A_621 = tpu.vector_load %arg8[%parallel_loop3A_619, %parallel_loop3A_620] {strides = array<i32>} : memref<32x768xf32, #tpu.memory_space<vmem>>, vector<1x16xf32>,
        %parallel_loop3A_622 = vector.shape_cast %parallel_loop3A_621 : vector<1x16xf32> to vector<16xf32>
        %parallel_loop3A_623 = vector.shape_cast %parallel_loop3A_618 : vector<16xf32> to vector<1x16xf32>
        tpu.vector_store %arg8[%parallel_loop3A_619, %parallel_loop3A_620], %parallel_loop3A_623 {add = true, strides = array<i32>} : memref<32x768xf32, #tpu.memory_space<vmem>>, vector<1x16xf32>,
        %parallel_loop3A_624 = arith.constant 0 : i32
        %parallel_loop3A_625 = arith.addi %parallel_loop3A_624, %parallel_loop3A_150 : i32
        %parallel_loop3A_626 = arith.index_cast %parallel_loop3A_625 : i32 to index
        %parallel_loop3A_627 = arith.constant 688 : index
        %parallel_loop3A_628 = tpu.vector_load %arg7[%parallel_loop3A_626, %parallel_loop3A_627] {strides = array<i32>} : memref<64x768xf32, #tpu.memory_space<vmem>>, vector<1x16xf32>,
        %parallel_loop3A_629 = vector.shape_cast %parallel_loop3A_628 : vector<1x16xf32> to vector<16xf32>
        %parallel_loop3A_630 = arith.index_cast %parallel_loop3A_150 : i32 to index
        %parallel_loop3A_631 = arith.constant 688 : index
        %parallel_loop3A_632 = tpu.vector_load %arg8[%parallel_loop3A_630, %parallel_loop3A_631] {strides = array<i32>} : memref<32x768xf32, #tpu.memory_space<vmem>>, vector<1x16xf32>,
        %parallel_loop3A_633 = vector.shape_cast %parallel_loop3A_632 : vector<1x16xf32> to vector<16xf32>
        %parallel_loop3A_634 = vector.shape_cast %parallel_loop3A_629 : vector<16xf32> to vector<1x16xf32>
        tpu.vector_store %arg8[%parallel_loop3A_630, %parallel_loop3A_631], %parallel_loop3A_634 {add = true, strides = array<i32>} : memref<32x768xf32, #tpu.memory_space<vmem>>, vector<1x16xf32>,
        %parallel_loop3A_635 = arith.constant 0 : i32
        %parallel_loop3A_636 = arith.addi %parallel_loop3A_635, %parallel_loop3A_150 : i32
        %parallel_loop3A_637 = arith.index_cast %parallel_loop3A_636 : i32 to index
        %parallel_loop3A_638 = arith.constant 704 : index
        %parallel_loop3A_639 = tpu.vector_load %arg7[%parallel_loop3A_637, %parallel_loop3A_638] {strides = array<i32>} : memref<64x768xf32, #tpu.memory_space<vmem>>, vector<1x16xf32>,
        %parallel_loop3A_640 = vector.shape_cast %parallel_loop3A_639 : vector<1x16xf32> to vector<16xf32>
        %parallel_loop3A_641 = arith.index_cast %parallel_loop3A_150 : i32 to index
        %parallel_loop3A_642 = arith.constant 704 : index
        %parallel_loop3A_643 = tpu.vector_load %arg8[%parallel_loop3A_641, %parallel_loop3A_642] {strides = array<i32>} : memref<32x768xf32, #tpu.memory_space<vmem>>, vector<1x16xf32>,
        %parallel_loop3A_644 = vector.shape_cast %parallel_loop3A_643 : vector<1x16xf32> to vector<16xf32>
        %parallel_loop3A_645 = vector.shape_cast %parallel_loop3A_640 : vector<16xf32> to vector<1x16xf32>
        tpu.vector_store %arg8[%parallel_loop3A_641, %parallel_loop3A_642], %parallel_loop3A_645 {add = true, strides = array<i32>} : memref<32x768xf32, #tpu.memory_space<vmem>>, vector<1x16xf32>,
        %parallel_loop3A_646 = arith.constant 0 : i32
        %parallel_loop3A_647 = arith.addi %parallel_loop3A_646, %parallel_loop3A_150 : i32
        %parallel_loop3A_648 = arith.index_cast %parallel_loop3A_647 : i32 to index
        %parallel_loop3A_649 = arith.constant 720 : index
        %parallel_loop3A_650 = tpu.vector_load %arg7[%parallel_loop3A_648, %parallel_loop3A_649] {strides = array<i32>} : memref<64x768xf32, #tpu.memory_space<vmem>>, vector<1x16xf32>,
        %parallel_loop3A_651 = vector.shape_cast %parallel_loop3A_650 : vector<1x16xf32> to vector<16xf32>
        %parallel_loop3A_652 = arith.index_cast %parallel_loop3A_150 : i32 to index
        %parallel_loop3A_653 = arith.constant 720 : index
        %parallel_loop3A_654 = tpu.vector_load %arg8[%parallel_loop3A_652, %parallel_loop3A_653] {strides = array<i32>} : memref<32x768xf32, #tpu.memory_space<vmem>>, vector<1x16xf32>,
        %parallel_loop3A_655 = vector.shape_cast %parallel_loop3A_654 : vector<1x16xf32> to vector<16xf32>
        %parallel_loop3A_656 = vector.shape_cast %parallel_loop3A_651 : vector<16xf32> to vector<1x16xf32>
        tpu.vector_store %arg8[%parallel_loop3A_652, %parallel_loop3A_653], %parallel_loop3A_656 {add = true, strides = array<i32>} : memref<32x768xf32, #tpu.memory_space<vmem>>, vector<1x16xf32>,
        %parallel_loop3A_657 = arith.constant 0 : i32
        %parallel_loop3A_658 = arith.addi %parallel_loop3A_657, %parallel_loop3A_150 : i32
        %parallel_loop3A_659 = arith.index_cast %parallel_loop3A_658 : i32 to index
        %parallel_loop3A_660 = arith.constant 736 : index
        %parallel_loop3A_661 = tpu.vector_load %arg7[%parallel_loop3A_659, %parallel_loop3A_660] {strides = array<i32>} : memref<64x768xf32, #tpu.memory_space<vmem>>, vector<1x16xf32>,
        %parallel_loop3A_662 = vector.shape_cast %parallel_loop3A_661 : vector<1x16xf32> to vector<16xf32>
        %parallel_loop3A_663 = arith.index_cast %parallel_loop3A_150 : i32 to index
        %parallel_loop3A_664 = arith.constant 736 : index
        %parallel_loop3A_665 = tpu.vector_load %arg8[%parallel_loop3A_663, %parallel_loop3A_664] {strides = array<i32>} : memref<32x768xf32, #tpu.memory_space<vmem>>, vector<1x16xf32>,
        %parallel_loop3A_666 = vector.shape_cast %parallel_loop3A_665 : vector<1x16xf32> to vector<16xf32>
        %parallel_loop3A_667 = vector.shape_cast %parallel_loop3A_662 : vector<16xf32> to vector<1x16xf32>
        tpu.vector_store %arg8[%parallel_loop3A_663, %parallel_loop3A_664], %parallel_loop3A_667 {add = true, strides = array<i32>} : memref<32x768xf32, #tpu.memory_space<vmem>>, vector<1x16xf32>,
        %parallel_loop3A_668 = arith.constant 0 : i32
        %parallel_loop3A_669 = arith.addi %parallel_loop3A_668, %parallel_loop3A_150 : i32
        %parallel_loop3A_670 = arith.index_cast %parallel_loop3A_669 : i32 to index
        %parallel_loop3A_671 = arith.constant 752 : index
        %parallel_loop3A_672 = tpu.vector_load %arg7[%parallel_loop3A_670, %parallel_loop3A_671] {strides = array<i32>} : memref<64x768xf32, #tpu.memory_space<vmem>>, vector<1x16xf32>,
        %parallel_loop3A_673 = vector.shape_cast %parallel_loop3A_672 : vector<1x16xf32> to vector<16xf32>
        %parallel_loop3A_674 = arith.index_cast %parallel_loop3A_150 : i32 to index
        %parallel_loop3A_675 = arith.constant 752 : index
        %parallel_loop3A_676 = tpu.vector_load %arg8[%parallel_loop3A_674, %parallel_loop3A_675] {strides = array<i32>} : memref<32x768xf32, #tpu.memory_space<vmem>>, vector<1x16xf32>,
        %parallel_loop3A_677 = vector.shape_cast %parallel_loop3A_676 : vector<1x16xf32> to vector<16xf32>
        %parallel_loop3A_678 = vector.shape_cast %parallel_loop3A_673 : vector<16xf32> to vector<1x16xf32>
        tpu.vector_store %arg8[%parallel_loop3A_674, %parallel_loop3A_675], %parallel_loop3A_678 {add = true, strides = array<i32>} : memref<32x768xf32, #tpu.memory_space<vmem>>, vector<1x16xf32>,
      } {sc.loop_unroll_factor = 1 : i64, sc.parallel_access}
      %dma_start3A_127 = arith.constant 0 : i32
      %dma_start3A_128 = tpu.memref_slice %arg5[%add3A_102, %dma_start3A_127] : memref<8192x768xf32, #tpu.memory_space<hbm>> -> memref<32x768xf32, #tpu.memory_space<hbm>>
      %dma_start3A_129 = arith.constant 0 : i32
      %dma_start3A_130 = tpu.memref_slice %arg5[%add3A_102, %dma_start3A_129] : memref<8192x768xf32, #tpu.memory_space<hbm>> -> memref<32x768xf32, #tpu.memory_space<hbm>>
      tpu.enqueue_dma source(%arg8 : memref<32x768xf32, #tpu.memory_space<vmem>>) target(%dma_start3A_130 : memref<32x768xf32, #tpu.memory_space<hbm>>) target_semaphore(%arg14 : memref<!tpu.dma_semaphore, #tpu.memory_space<semaphore_mem>>)
      %lt3A = arith.constant 3 : i32
      %lt3A_131 = arith.cmpi slt, %scan3A_99, %lt3A : i32
      %convert_element_type3A_132 = arith.extui %lt3A_131 : i1 to i32
      %cond3A_133 = arith.constant 0 : i32
      %cond3A_134 = arith.cmpi ne, %convert_element_type3A_132, %cond3A_133 : i32
      scf.if %cond3A_134 {
        %dma_wait3A_150 = arith.constant 0 : i32
        %dma_wait3A_151 = arith.constant 0 : i32
        %dma_wait3A_152 = tpu.memref_slice %arg5[%dma_wait3A_150, %dma_wait3A_151] : memref<8192x768xf32, #tpu.memory_space<hbm>> -> memref<32x768xf32, #tpu.memory_space<hbm>>
        %dma_wait3A_153 = arith.constant 0 : i32
        %dma_wait3A_154 = arith.constant 0 : i32
        %dma_wait3A_155 = tpu.memref_slice %arg5[%dma_wait3A_153, %dma_wait3A_154] : memref<8192x768xf32, #tpu.memory_space<hbm>> -> memref<32x768xf32, #tpu.memory_space<hbm>>
        tpu.wait_dma2 semaphore(%arg14 : memref<!tpu.dma_semaphore, #tpu.memory_space<semaphore_mem>>) src(%arg8 : memref<32x768xf32, #tpu.memory_space<vmem>>) dst(%dma_wait3A_155 : memref<32x768xf32, #tpu.memory_space<hbm>>)
        %mul3A_156 = arith.constant 2 : i32
        %mul3A_157 = arith.muli %mul3A_156, %scan3A_99 : i32
        %add3A_158 = arith.constant 2 : i32
        %add3A_159 = arith.addi %mul3A_157, %add3A_158 : i32
        %mul3A_160 = arith.constant 32 : i32
        %mul3A_161 = arith.muli %add3A_159, %mul3A_160 : i32
        %dma_start3A_162 = tpu.memref_slice %arg6[%mul3A_161] : memref<256xi32, #tpu.memory_space<vmem>> -> memref<32xi32, #tpu.memory_space<vmem>>
        %dma_start3A_163 = arith.constant 0 : i32
        %dma_start3A_164 = arith.constant 0 : i32
        %dma_start3A_165 = tpu.memref_slice %arg3[%dma_start3A_163, %dma_start3A_164] : memref<100000x768xf32, #tpu.memory_space<hbm>> -> memref<100000x768xf32, #tpu.memory_space<hbm>>
        tpu.enqueue_indirect_dma source(%dma_start3A_165 : memref<100000x768xf32, #tpu.memory_space<hbm>>) target(%arg8 : memref<32x768xf32, #tpu.memory_space<vmem>>) offsets(%dma_start3A_162 : memref<32xi32, #tpu.memory_space<vmem>>) semaphore(%arg12 : memref<!tpu.dma_semaphore, #tpu.memory_space<semaphore_mem>>)
      } else {
      }
      %dma_wait3A_135 = arith.constant 0 : i32
      %dma_wait3A_136 = arith.constant 0 : i32
      %dma_wait3A_137 = tpu.memref_slice %arg3[%dma_wait3A_135, %dma_wait3A_136] : memref<100000x768xf32, #tpu.memory_space<hbm>> -> memref<32x768xf32, #tpu.memory_space<hbm>>
      %dma_wait3A_138 = arith.constant 0 : i32
      %dma_wait3A_139 = arith.constant 0 : i32
      %dma_wait3A_140 = tpu.memref_slice %arg3[%dma_wait3A_138, %dma_wait3A_139] : memref<100000x768xf32, #tpu.memory_space<hbm>> -> memref<32x768xf32, #tpu.memory_space<hbm>>
      tpu.wait_dma2 semaphore(%arg13 : memref<!tpu.dma_semaphore, #tpu.memory_space<semaphore_mem>>) src(%dma_wait3A_140 : memref<32x768xf32, #tpu.memory_space<hbm>>) dst(%arg9 : memref<32x768xf32, #tpu.memory_space<vmem>>)
      %parallel_loop3A_141 = arith.constant 0 : i32
      %parallel_loop3A_142 = arith.constant 32 : i32
      %parallel_loop3A_143 = arith.constant 1 : i32
      scf.for %parallel_loop3A_150 = %parallel_loop3A_141 to %parallel_loop3A_142 step %parallel_loop3A_143  : i32 {
        %parallel_loop3A_151 = arith.constant 32 : i32
        %parallel_loop3A_152 = arith.addi %parallel_loop3A_151, %parallel_loop3A_150 : i32
        %parallel_loop3A_153 = arith.index_cast %parallel_loop3A_152 : i32 to index
        %parallel_loop3A_154 = arith.constant 0 : index
        %parallel_loop3A_155 = tpu.vector_load %arg7[%parallel_loop3A_153, %parallel_loop3A_154] {strides = array<i32>} : memref<64x768xf32, #tpu.memory_space<vmem>>, vector<1x16xf32>,
        %parallel_loop3A_156 = vector.shape_cast %parallel_loop3A_155 : vector<1x16xf32> to vector<16xf32>
        %parallel_loop3A_157 = arith.index_cast %parallel_loop3A_150 : i32 to index
        %parallel_loop3A_158 = arith.constant 0 : index
        %parallel_loop3A_159 = tpu.vector_load %arg9[%parallel_loop3A_157, %parallel_loop3A_158] {strides = array<i32>} : memref<32x768xf32, #tpu.memory_space<vmem>>, vector<1x16xf32>,
        %parallel_loop3A_160 = vector.shape_cast %parallel_loop3A_159 : vector<1x16xf32> to vector<16xf32>
        %parallel_loop3A_161 = vector.shape_cast %parallel_loop3A_156 : vector<16xf32> to vector<1x16xf32>
        tpu.vector_store %arg9[%parallel_loop3A_157, %parallel_loop3A_158], %parallel_loop3A_161 {add = true, strides = array<i32>} : memref<32x768xf32, #tpu.memory_space<vmem>>, vector<1x16xf32>,
        %parallel_loop3A_162 = arith.constant 32 : i32
        %parallel_loop3A_163 = arith.addi %parallel_loop3A_162, %parallel_loop3A_150 : i32
        %parallel_loop3A_164 = arith.index_cast %parallel_loop3A_163 : i32 to index
        %parallel_loop3A_165 = arith.constant 16 : index
        %parallel_loop3A_166 = tpu.vector_load %arg7[%parallel_loop3A_164, %parallel_loop3A_165] {strides = array<i32>} : memref<64x768xf32, #tpu.memory_space<vmem>>, vector<1x16xf32>,
        %parallel_loop3A_167 = vector.shape_cast %parallel_loop3A_166 : vector<1x16xf32> to vector<16xf32>
        %parallel_loop3A_168 = arith.index_cast %parallel_loop3A_150 : i32 to index
        %parallel_loop3A_169 = arith.constant 16 : index
        %parallel_loop3A_170 = tpu.vector_load %arg9[%parallel_loop3A_168, %parallel_loop3A_169] {strides = array<i32>} : memref<32x768xf32, #tpu.memory_space<vmem>>, vector<1x16xf32>,
        %parallel_loop3A_171 = vector.shape_cast %parallel_loop3A_170 : vector<1x16xf32> to vector<16xf32>
        %parallel_loop3A_172 = vector.shape_cast %parallel_loop3A_167 : vector<16xf32> to vector<1x16xf32>
        tpu.vector_store %arg9[%parallel_loop3A_168, %parallel_loop3A_169], %parallel_loop3A_172 {add = true, strides = array<i32>} : memref<32x768xf32, #tpu.memory_space<vmem>>, vector<1x16xf32>,
        %parallel_loop3A_173 = arith.constant 32 : i32
        %parallel_loop3A_174 = arith.addi %parallel_loop3A_173, %parallel_loop3A_150 : i32
        %parallel_loop3A_175 = arith.index_cast %parallel_loop3A_174 : i32 to index
        %parallel_loop3A_176 = arith.constant 32 : index
        %parallel_loop3A_177 = tpu.vector_load %arg7[%parallel_loop3A_175, %parallel_loop3A_176] {strides = array<i32>} : memref<64x768xf32, #tpu.memory_space<vmem>>, vector<1x16xf32>,
        %parallel_loop3A_178 = vector.shape_cast %parallel_loop3A_177 : vector<1x16xf32> to vector<16xf32>
        %parallel_loop3A_179 = arith.index_cast %parallel_loop3A_150 : i32 to index
        %parallel_loop3A_180 = arith.constant 32 : index
        %parallel_loop3A_181 = tpu.vector_load %arg9[%parallel_loop3A_179, %parallel_loop3A_180] {strides = array<i32>} : memref<32x768xf32, #tpu.memory_space<vmem>>, vector<1x16xf32>,
        %parallel_loop3A_182 = vector.shape_cast %parallel_loop3A_181 : vector<1x16xf32> to vector<16xf32>
        %parallel_loop3A_183 = vector.shape_cast %parallel_loop3A_178 : vector<16xf32> to vector<1x16xf32>
        tpu.vector_store %arg9[%parallel_loop3A_179, %parallel_loop3A_180], %parallel_loop3A_183 {add = true, strides = array<i32>} : memref<32x768xf32, #tpu.memory_space<vmem>>, vector<1x16xf32>,
        %parallel_loop3A_184 = arith.constant 32 : i32
        %parallel_loop3A_185 = arith.addi %parallel_loop3A_184, %parallel_loop3A_150 : i32
        %parallel_loop3A_186 = arith.index_cast %parallel_loop3A_185 : i32 to index
        %parallel_loop3A_187 = arith.constant 48 : index
        %parallel_loop3A_188 = tpu.vector_load %arg7[%parallel_loop3A_186, %parallel_loop3A_187] {strides = array<i32>} : memref<64x768xf32, #tpu.memory_space<vmem>>, vector<1x16xf32>,
        %parallel_loop3A_189 = vector.shape_cast %parallel_loop3A_188 : vector<1x16xf32> to vector<16xf32>
        %parallel_loop3A_190 = arith.index_cast %parallel_loop3A_150 : i32 to index
        %parallel_loop3A_191 = arith.constant 48 : index
        %parallel_loop3A_192 = tpu.vector_load %arg9[%parallel_loop3A_190, %parallel_loop3A_191] {strides = array<i32>} : memref<32x768xf32, #tpu.memory_space<vmem>>, vector<1x16xf32>,
        %parallel_loop3A_193 = vector.shape_cast %parallel_loop3A_192 : vector<1x16xf32> to vector<16xf32>
        %parallel_loop3A_194 = vector.shape_cast %parallel_loop3A_189 : vector<16xf32> to vector<1x16xf32>
        tpu.vector_store %arg9[%parallel_loop3A_190, %parallel_loop3A_191], %parallel_loop3A_194 {add = true, strides = array<i32>} : memref<32x768xf32, #tpu.memory_space<vmem>>, vector<1x16xf32>,
        %parallel_loop3A_195 = arith.constant 32 : i32
        %parallel_loop3A_196 = arith.addi %parallel_loop3A_195, %parallel_loop3A_150 : i32
        %parallel_loop3A_197 = arith.index_cast %parallel_loop3A_196 : i32 to index
        %parallel_loop3A_198 = arith.constant 64 : index
        %parallel_loop3A_199 = tpu.vector_load %arg7[%parallel_loop3A_197, %parallel_loop3A_198] {strides = array<i32>} : memref<64x768xf32, #tpu.memory_space<vmem>>, vector<1x16xf32>,
        %parallel_loop3A_200 = vector.shape_cast %parallel_loop3A_199 : vector<1x16xf32> to vector<16xf32>
        %parallel_loop3A_201 = arith.index_cast %parallel_loop3A_150 : i32 to index
        %parallel_loop3A_202 = arith.constant 64 : index
        %parallel_loop3A_203 = tpu.vector_load %arg9[%parallel_loop3A_201, %parallel_loop3A_202] {strides = array<i32>} : memref<32x768xf32, #tpu.memory_space<vmem>>, vector<1x16xf32>,
        %parallel_loop3A_204 = vector.shape_cast %parallel_loop3A_203 : vector<1x16xf32> to vector<16xf32>
        %parallel_loop3A_205 = vector.shape_cast %parallel_loop3A_200 : vector<16xf32> to vector<1x16xf32>
        tpu.vector_store %arg9[%parallel_loop3A_201, %parallel_loop3A_202], %parallel_loop3A_205 {add = true, strides = array<i32>} : memref<32x768xf32, #tpu.memory_space<vmem>>, vector<1x16xf32>,
        %parallel_loop3A_206 = arith.constant 32 : i32
        %parallel_loop3A_207 = arith.addi %parallel_loop3A_206, %parallel_loop3A_150 : i32
        %parallel_loop3A_208 = arith.index_cast %parallel_loop3A_207 : i32 to index
        %parallel_loop3A_209 = arith.constant 80 : index
        %parallel_loop3A_210 = tpu.vector_load %arg7[%parallel_loop3A_208, %parallel_loop3A_209] {strides = array<i32>} : memref<64x768xf32, #tpu.memory_space<vmem>>, vector<1x16xf32>,
        %parallel_loop3A_211 = vector.shape_cast %parallel_loop3A_210 : vector<1x16xf32> to vector<16xf32>
        %parallel_loop3A_212 = arith.index_cast %parallel_loop3A_150 : i32 to index
        %parallel_loop3A_213 = arith.constant 80 : index
        %parallel_loop3A_214 = tpu.vector_load %arg9[%parallel_loop3A_212, %parallel_loop3A_213] {strides = array<i32>} : memref<32x768xf32, #tpu.memory_space<vmem>>, vector<1x16xf32>,
        %parallel_loop3A_215 = vector.shape_cast %parallel_loop3A_214 : vector<1x16xf32> to vector<16xf32>
        %parallel_loop3A_216 = vector.shape_cast %parallel_loop3A_211 : vector<16xf32> to vector<1x16xf32>
        tpu.vector_store %arg9[%parallel_loop3A_212, %parallel_loop3A_213], %parallel_loop3A_216 {add = true, strides = array<i32>} : memref<32x768xf32, #tpu.memory_space<vmem>>, vector<1x16xf32>,
        %parallel_loop3A_217 = arith.constant 32 : i32
        %parallel_loop3A_218 = arith.addi %parallel_loop3A_217, %parallel_loop3A_150 : i32
        %parallel_loop3A_219 = arith.index_cast %parallel_loop3A_218 : i32 to index
        %parallel_loop3A_220 = arith.constant 96 : index
        %parallel_loop3A_221 = tpu.vector_load %arg7[%parallel_loop3A_219, %parallel_loop3A_220] {strides = array<i32>} : memref<64x768xf32, #tpu.memory_space<vmem>>, vector<1x16xf32>,
        %parallel_loop3A_222 = vector.shape_cast %parallel_loop3A_221 : vector<1x16xf32> to vector<16xf32>
        %parallel_loop3A_223 = arith.index_cast %parallel_loop3A_150 : i32 to index
        %parallel_loop3A_224 = arith.constant 96 : index
        %parallel_loop3A_225 = tpu.vector_load %arg9[%parallel_loop3A_223, %parallel_loop3A_224] {strides = array<i32>} : memref<32x768xf32, #tpu.memory_space<vmem>>, vector<1x16xf32>,
        %parallel_loop3A_226 = vector.shape_cast %parallel_loop3A_225 : vector<1x16xf32> to vector<16xf32>
        %parallel_loop3A_227 = vector.shape_cast %parallel_loop3A_222 : vector<16xf32> to vector<1x16xf32>
        tpu.vector_store %arg9[%parallel_loop3A_223, %parallel_loop3A_224], %parallel_loop3A_227 {add = true, strides = array<i32>} : memref<32x768xf32, #tpu.memory_space<vmem>>, vector<1x16xf32>,
        %parallel_loop3A_228 = arith.constant 32 : i32
        %parallel_loop3A_229 = arith.addi %parallel_loop3A_228, %parallel_loop3A_150 : i32
        %parallel_loop3A_230 = arith.index_cast %parallel_loop3A_229 : i32 to index
        %parallel_loop3A_231 = arith.constant 112 : index
        %parallel_loop3A_232 = tpu.vector_load %arg7[%parallel_loop3A_230, %parallel_loop3A_231] {strides = array<i32>} : memref<64x768xf32, #tpu.memory_space<vmem>>, vector<1x16xf32>,
        %parallel_loop3A_233 = vector.shape_cast %parallel_loop3A_232 : vector<1x16xf32> to vector<16xf32>
        %parallel_loop3A_234 = arith.index_cast %parallel_loop3A_150 : i32 to index
        %parallel_loop3A_235 = arith.constant 112 : index
        %parallel_loop3A_236 = tpu.vector_load %arg9[%parallel_loop3A_234, %parallel_loop3A_235] {strides = array<i32>} : memref<32x768xf32, #tpu.memory_space<vmem>>, vector<1x16xf32>,
        %parallel_loop3A_237 = vector.shape_cast %parallel_loop3A_236 : vector<1x16xf32> to vector<16xf32>
        %parallel_loop3A_238 = vector.shape_cast %parallel_loop3A_233 : vector<16xf32> to vector<1x16xf32>
        tpu.vector_store %arg9[%parallel_loop3A_234, %parallel_loop3A_235], %parallel_loop3A_238 {add = true, strides = array<i32>} : memref<32x768xf32, #tpu.memory_space<vmem>>, vector<1x16xf32>,
        %parallel_loop3A_239 = arith.constant 32 : i32
        %parallel_loop3A_240 = arith.addi %parallel_loop3A_239, %parallel_loop3A_150 : i32
        %parallel_loop3A_241 = arith.index_cast %parallel_loop3A_240 : i32 to index
        %parallel_loop3A_242 = arith.constant 128 : index
        %parallel_loop3A_243 = tpu.vector_load %arg7[%parallel_loop3A_241, %parallel_loop3A_242] {strides = array<i32>} : memref<64x768xf32, #tpu.memory_space<vmem>>, vector<1x16xf32>,
        %parallel_loop3A_244 = vector.shape_cast %parallel_loop3A_243 : vector<1x16xf32> to vector<16xf32>
        %parallel_loop3A_245 = arith.index_cast %parallel_loop3A_150 : i32 to index
        %parallel_loop3A_246 = arith.constant 128 : index
        %parallel_loop3A_247 = tpu.vector_load %arg9[%parallel_loop3A_245, %parallel_loop3A_246] {strides = array<i32>} : memref<32x768xf32, #tpu.memory_space<vmem>>, vector<1x16xf32>,
        %parallel_loop3A_248 = vector.shape_cast %parallel_loop3A_247 : vector<1x16xf32> to vector<16xf32>
        %parallel_loop3A_249 = vector.shape_cast %parallel_loop3A_244 : vector<16xf32> to vector<1x16xf32>
        tpu.vector_store %arg9[%parallel_loop3A_245, %parallel_loop3A_246], %parallel_loop3A_249 {add = true, strides = array<i32>} : memref<32x768xf32, #tpu.memory_space<vmem>>, vector<1x16xf32>,
        %parallel_loop3A_250 = arith.constant 32 : i32
        %parallel_loop3A_251 = arith.addi %parallel_loop3A_250, %parallel_loop3A_150 : i32
        %parallel_loop3A_252 = arith.index_cast %parallel_loop3A_251 : i32 to index
        %parallel_loop3A_253 = arith.constant 144 : index
        %parallel_loop3A_254 = tpu.vector_load %arg7[%parallel_loop3A_252, %parallel_loop3A_253] {strides = array<i32>} : memref<64x768xf32, #tpu.memory_space<vmem>>, vector<1x16xf32>,
        %parallel_loop3A_255 = vector.shape_cast %parallel_loop3A_254 : vector<1x16xf32> to vector<16xf32>
        %parallel_loop3A_256 = arith.index_cast %parallel_loop3A_150 : i32 to index
        %parallel_loop3A_257 = arith.constant 144 : index
        %parallel_loop3A_258 = tpu.vector_load %arg9[%parallel_loop3A_256, %parallel_loop3A_257] {strides = array<i32>} : memref<32x768xf32, #tpu.memory_space<vmem>>, vector<1x16xf32>,
        %parallel_loop3A_259 = vector.shape_cast %parallel_loop3A_258 : vector<1x16xf32> to vector<16xf32>
        %parallel_loop3A_260 = vector.shape_cast %parallel_loop3A_255 : vector<16xf32> to vector<1x16xf32>
        tpu.vector_store %arg9[%parallel_loop3A_256, %parallel_loop3A_257], %parallel_loop3A_260 {add = true, strides = array<i32>} : memref<32x768xf32, #tpu.memory_space<vmem>>, vector<1x16xf32>,
        %parallel_loop3A_261 = arith.constant 32 : i32
        %parallel_loop3A_262 = arith.addi %parallel_loop3A_261, %parallel_loop3A_150 : i32
        %parallel_loop3A_263 = arith.index_cast %parallel_loop3A_262 : i32 to index
        %parallel_loop3A_264 = arith.constant 160 : index
        %parallel_loop3A_265 = tpu.vector_load %arg7[%parallel_loop3A_263, %parallel_loop3A_264] {strides = array<i32>} : memref<64x768xf32, #tpu.memory_space<vmem>>, vector<1x16xf32>,
        %parallel_loop3A_266 = vector.shape_cast %parallel_loop3A_265 : vector<1x16xf32> to vector<16xf32>
        %parallel_loop3A_267 = arith.index_cast %parallel_loop3A_150 : i32 to index
        %parallel_loop3A_268 = arith.constant 160 : index
        %parallel_loop3A_269 = tpu.vector_load %arg9[%parallel_loop3A_267, %parallel_loop3A_268] {strides = array<i32>} : memref<32x768xf32, #tpu.memory_space<vmem>>, vector<1x16xf32>,
        %parallel_loop3A_270 = vector.shape_cast %parallel_loop3A_269 : vector<1x16xf32> to vector<16xf32>
        %parallel_loop3A_271 = vector.shape_cast %parallel_loop3A_266 : vector<16xf32> to vector<1x16xf32>
        tpu.vector_store %arg9[%parallel_loop3A_267, %parallel_loop3A_268], %parallel_loop3A_271 {add = true, strides = array<i32>} : memref<32x768xf32, #tpu.memory_space<vmem>>, vector<1x16xf32>,
        %parallel_loop3A_272 = arith.constant 32 : i32
        %parallel_loop3A_273 = arith.addi %parallel_loop3A_272, %parallel_loop3A_150 : i32
        %parallel_loop3A_274 = arith.index_cast %parallel_loop3A_273 : i32 to index
        %parallel_loop3A_275 = arith.constant 176 : index
        %parallel_loop3A_276 = tpu.vector_load %arg7[%parallel_loop3A_274, %parallel_loop3A_275] {strides = array<i32>} : memref<64x768xf32, #tpu.memory_space<vmem>>, vector<1x16xf32>,
        %parallel_loop3A_277 = vector.shape_cast %parallel_loop3A_276 : vector<1x16xf32> to vector<16xf32>
        %parallel_loop3A_278 = arith.index_cast %parallel_loop3A_150 : i32 to index
        %parallel_loop3A_279 = arith.constant 176 : index
        %parallel_loop3A_280 = tpu.vector_load %arg9[%parallel_loop3A_278, %parallel_loop3A_279] {strides = array<i32>} : memref<32x768xf32, #tpu.memory_space<vmem>>, vector<1x16xf32>,
        %parallel_loop3A_281 = vector.shape_cast %parallel_loop3A_280 : vector<1x16xf32> to vector<16xf32>
        %parallel_loop3A_282 = vector.shape_cast %parallel_loop3A_277 : vector<16xf32> to vector<1x16xf32>
        tpu.vector_store %arg9[%parallel_loop3A_278, %parallel_loop3A_279], %parallel_loop3A_282 {add = true, strides = array<i32>} : memref<32x768xf32, #tpu.memory_space<vmem>>, vector<1x16xf32>,
        %parallel_loop3A_283 = arith.constant 32 : i32
        %parallel_loop3A_284 = arith.addi %parallel_loop3A_283, %parallel_loop3A_150 : i32
        %parallel_loop3A_285 = arith.index_cast %parallel_loop3A_284 : i32 to index
        %parallel_loop3A_286 = arith.constant 192 : index
        %parallel_loop3A_287 = tpu.vector_load %arg7[%parallel_loop3A_285, %parallel_loop3A_286] {strides = array<i32>} : memref<64x768xf32, #tpu.memory_space<vmem>>, vector<1x16xf32>,
        %parallel_loop3A_288 = vector.shape_cast %parallel_loop3A_287 : vector<1x16xf32> to vector<16xf32>
        %parallel_loop3A_289 = arith.index_cast %parallel_loop3A_150 : i32 to index
        %parallel_loop3A_290 = arith.constant 192 : index
        %parallel_loop3A_291 = tpu.vector_load %arg9[%parallel_loop3A_289, %parallel_loop3A_290] {strides = array<i32>} : memref<32x768xf32, #tpu.memory_space<vmem>>, vector<1x16xf32>,
        %parallel_loop3A_292 = vector.shape_cast %parallel_loop3A_291 : vector<1x16xf32> to vector<16xf32>
        %parallel_loop3A_293 = vector.shape_cast %parallel_loop3A_288 : vector<16xf32> to vector<1x16xf32>
        tpu.vector_store %arg9[%parallel_loop3A_289, %parallel_loop3A_290], %parallel_loop3A_293 {add = true, strides = array<i32>} : memref<32x768xf32, #tpu.memory_space<vmem>>, vector<1x16xf32>,
        %parallel_loop3A_294 = arith.constant 32 : i32
        %parallel_loop3A_295 = arith.addi %parallel_loop3A_294, %parallel_loop3A_150 : i32
        %parallel_loop3A_296 = arith.index_cast %parallel_loop3A_295 : i32 to index
        %parallel_loop3A_297 = arith.constant 208 : index
        %parallel_loop3A_298 = tpu.vector_load %arg7[%parallel_loop3A_296, %parallel_loop3A_297] {strides = array<i32>} : memref<64x768xf32, #tpu.memory_space<vmem>>, vector<1x16xf32>,
        %parallel_loop3A_299 = vector.shape_cast %parallel_loop3A_298 : vector<1x16xf32> to vector<16xf32>
        %parallel_loop3A_300 = arith.index_cast %parallel_loop3A_150 : i32 to index
        %parallel_loop3A_301 = arith.constant 208 : index
        %parallel_loop3A_302 = tpu.vector_load %arg9[%parallel_loop3A_300, %parallel_loop3A_301] {strides = array<i32>} : memref<32x768xf32, #tpu.memory_space<vmem>>, vector<1x16xf32>,
        %parallel_loop3A_303 = vector.shape_cast %parallel_loop3A_302 : vector<1x16xf32> to vector<16xf32>
        %parallel_loop3A_304 = vector.shape_cast %parallel_loop3A_299 : vector<16xf32> to vector<1x16xf32>
        tpu.vector_store %arg9[%parallel_loop3A_300, %parallel_loop3A_301], %parallel_loop3A_304 {add = true, strides = array<i32>} : memref<32x768xf32, #tpu.memory_space<vmem>>, vector<1x16xf32>,
        %parallel_loop3A_305 = arith.constant 32 : i32
        %parallel_loop3A_306 = arith.addi %parallel_loop3A_305, %parallel_loop3A_150 : i32
        %parallel_loop3A_307 = arith.index_cast %parallel_loop3A_306 : i32 to index
        %parallel_loop3A_308 = arith.constant 224 : index
        %parallel_loop3A_309 = tpu.vector_load %arg7[%parallel_loop3A_307, %parallel_loop3A_308] {strides = array<i32>} : memref<64x768xf32, #tpu.memory_space<vmem>>, vector<1x16xf32>,
        %parallel_loop3A_310 = vector.shape_cast %parallel_loop3A_309 : vector<1x16xf32> to vector<16xf32>
        %parallel_loop3A_311 = arith.index_cast %parallel_loop3A_150 : i32 to index
        %parallel_loop3A_312 = arith.constant 224 : index
        %parallel_loop3A_313 = tpu.vector_load %arg9[%parallel_loop3A_311, %parallel_loop3A_312] {strides = array<i32>} : memref<32x768xf32, #tpu.memory_space<vmem>>, vector<1x16xf32>,
        %parallel_loop3A_314 = vector.shape_cast %parallel_loop3A_313 : vector<1x16xf32> to vector<16xf32>
        %parallel_loop3A_315 = vector.shape_cast %parallel_loop3A_310 : vector<16xf32> to vector<1x16xf32>
        tpu.vector_store %arg9[%parallel_loop3A_311, %parallel_loop3A_312], %parallel_loop3A_315 {add = true, strides = array<i32>} : memref<32x768xf32, #tpu.memory_space<vmem>>, vector<1x16xf32>,
        %parallel_loop3A_316 = arith.constant 32 : i32
        %parallel_loop3A_317 = arith.addi %parallel_loop3A_316, %parallel_loop3A_150 : i32
        %parallel_loop3A_318 = arith.index_cast %parallel_loop3A_317 : i32 to index
        %parallel_loop3A_319 = arith.constant 240 : index
        %parallel_loop3A_320 = tpu.vector_load %arg7[%parallel_loop3A_318, %parallel_loop3A_319] {strides = array<i32>} : memref<64x768xf32, #tpu.memory_space<vmem>>, vector<1x16xf32>,
        %parallel_loop3A_321 = vector.shape_cast %parallel_loop3A_320 : vector<1x16xf32> to vector<16xf32>
        %parallel_loop3A_322 = arith.index_cast %parallel_loop3A_150 : i32 to index
        %parallel_loop3A_323 = arith.constant 240 : index
        %parallel_loop3A_324 = tpu.vector_load %arg9[%parallel_loop3A_322, %parallel_loop3A_323] {strides = array<i32>} : memref<32x768xf32, #tpu.memory_space<vmem>>, vector<1x16xf32>,
        %parallel_loop3A_325 = vector.shape_cast %parallel_loop3A_324 : vector<1x16xf32> to vector<16xf32>
        %parallel_loop3A_326 = vector.shape_cast %parallel_loop3A_321 : vector<16xf32> to vector<1x16xf32>
        tpu.vector_store %arg9[%parallel_loop3A_322, %parallel_loop3A_323], %parallel_loop3A_326 {add = true, strides = array<i32>} : memref<32x768xf32, #tpu.memory_space<vmem>>, vector<1x16xf32>,
        %parallel_loop3A_327 = arith.constant 32 : i32
        %parallel_loop3A_328 = arith.addi %parallel_loop3A_327, %parallel_loop3A_150 : i32
        %parallel_loop3A_329 = arith.index_cast %parallel_loop3A_328 : i32 to index
        %parallel_loop3A_330 = arith.constant 256 : index
        %parallel_loop3A_331 = tpu.vector_load %arg7[%parallel_loop3A_329, %parallel_loop3A_330] {strides = array<i32>} : memref<64x768xf32, #tpu.memory_space<vmem>>, vector<1x16xf32>,
        %parallel_loop3A_332 = vector.shape_cast %parallel_loop3A_331 : vector<1x16xf32> to vector<16xf32>
        %parallel_loop3A_333 = arith.index_cast %parallel_loop3A_150 : i32 to index
        %parallel_loop3A_334 = arith.constant 256 : index
        %parallel_loop3A_335 = tpu.vector_load %arg9[%parallel_loop3A_333, %parallel_loop3A_334] {strides = array<i32>} : memref<32x768xf32, #tpu.memory_space<vmem>>, vector<1x16xf32>,
        %parallel_loop3A_336 = vector.shape_cast %parallel_loop3A_335 : vector<1x16xf32> to vector<16xf32>
        %parallel_loop3A_337 = vector.shape_cast %parallel_loop3A_332 : vector<16xf32> to vector<1x16xf32>
        tpu.vector_store %arg9[%parallel_loop3A_333, %parallel_loop3A_334], %parallel_loop3A_337 {add = true, strides = array<i32>} : memref<32x768xf32, #tpu.memory_space<vmem>>, vector<1x16xf32>,
        %parallel_loop3A_338 = arith.constant 32 : i32
        %parallel_loop3A_339 = arith.addi %parallel_loop3A_338, %parallel_loop3A_150 : i32
        %parallel_loop3A_340 = arith.index_cast %parallel_loop3A_339 : i32 to index
        %parallel_loop3A_341 = arith.constant 272 : index
        %parallel_loop3A_342 = tpu.vector_load %arg7[%parallel_loop3A_340, %parallel_loop3A_341] {strides = array<i32>} : memref<64x768xf32, #tpu.memory_space<vmem>>, vector<1x16xf32>,
        %parallel_loop3A_343 = vector.shape_cast %parallel_loop3A_342 : vector<1x16xf32> to vector<16xf32>
        %parallel_loop3A_344 = arith.index_cast %parallel_loop3A_150 : i32 to index
        %parallel_loop3A_345 = arith.constant 272 : index
        %parallel_loop3A_346 = tpu.vector_load %arg9[%parallel_loop3A_344, %parallel_loop3A_345] {strides = array<i32>} : memref<32x768xf32, #tpu.memory_space<vmem>>, vector<1x16xf32>,
        %parallel_loop3A_347 = vector.shape_cast %parallel_loop3A_346 : vector<1x16xf32> to vector<16xf32>
        %parallel_loop3A_348 = vector.shape_cast %parallel_loop3A_343 : vector<16xf32> to vector<1x16xf32>
        tpu.vector_store %arg9[%parallel_loop3A_344, %parallel_loop3A_345], %parallel_loop3A_348 {add = true, strides = array<i32>} : memref<32x768xf32, #tpu.memory_space<vmem>>, vector<1x16xf32>,
        %parallel_loop3A_349 = arith.constant 32 : i32
        %parallel_loop3A_350 = arith.addi %parallel_loop3A_349, %parallel_loop3A_150 : i32
        %parallel_loop3A_351 = arith.index_cast %parallel_loop3A_350 : i32 to index
        %parallel_loop3A_352 = arith.constant 288 : index
        %parallel_loop3A_353 = tpu.vector_load %arg7[%parallel_loop3A_351, %parallel_loop3A_352] {strides = array<i32>} : memref<64x768xf32, #tpu.memory_space<vmem>>, vector<1x16xf32>,
        %parallel_loop3A_354 = vector.shape_cast %parallel_loop3A_353 : vector<1x16xf32> to vector<16xf32>
        %parallel_loop3A_355 = arith.index_cast %parallel_loop3A_150 : i32 to index
        %parallel_loop3A_356 = arith.constant 288 : index
        %parallel_loop3A_357 = tpu.vector_load %arg9[%parallel_loop3A_355, %parallel_loop3A_356] {strides = array<i32>} : memref<32x768xf32, #tpu.memory_space<vmem>>, vector<1x16xf32>,
        %parallel_loop3A_358 = vector.shape_cast %parallel_loop3A_357 : vector<1x16xf32> to vector<16xf32>
        %parallel_loop3A_359 = vector.shape_cast %parallel_loop3A_354 : vector<16xf32> to vector<1x16xf32>
        tpu.vector_store %arg9[%parallel_loop3A_355, %parallel_loop3A_356], %parallel_loop3A_359 {add = true, strides = array<i32>} : memref<32x768xf32, #tpu.memory_space<vmem>>, vector<1x16xf32>,
        %parallel_loop3A_360 = arith.constant 32 : i32
        %parallel_loop3A_361 = arith.addi %parallel_loop3A_360, %parallel_loop3A_150 : i32
        %parallel_loop3A_362 = arith.index_cast %parallel_loop3A_361 : i32 to index
        %parallel_loop3A_363 = arith.constant 304 : index
        %parallel_loop3A_364 = tpu.vector_load %arg7[%parallel_loop3A_362, %parallel_loop3A_363] {strides = array<i32>} : memref<64x768xf32, #tpu.memory_space<vmem>>, vector<1x16xf32>,
        %parallel_loop3A_365 = vector.shape_cast %parallel_loop3A_364 : vector<1x16xf32> to vector<16xf32>
        %parallel_loop3A_366 = arith.index_cast %parallel_loop3A_150 : i32 to index
        %parallel_loop3A_367 = arith.constant 304 : index
        %parallel_loop3A_368 = tpu.vector_load %arg9[%parallel_loop3A_366, %parallel_loop3A_367] {strides = array<i32>} : memref<32x768xf32, #tpu.memory_space<vmem>>, vector<1x16xf32>,
        %parallel_loop3A_369 = vector.shape_cast %parallel_loop3A_368 : vector<1x16xf32> to vector<16xf32>
        %parallel_loop3A_370 = vector.shape_cast %parallel_loop3A_365 : vector<16xf32> to vector<1x16xf32>
        tpu.vector_store %arg9[%parallel_loop3A_366, %parallel_loop3A_367], %parallel_loop3A_370 {add = true, strides = array<i32>} : memref<32x768xf32, #tpu.memory_space<vmem>>, vector<1x16xf32>,
        %parallel_loop3A_371 = arith.constant 32 : i32
        %parallel_loop3A_372 = arith.addi %parallel_loop3A_371, %parallel_loop3A_150 : i32
        %parallel_loop3A_373 = arith.index_cast %parallel_loop3A_372 : i32 to index
        %parallel_loop3A_374 = arith.constant 320 : index
        %parallel_loop3A_375 = tpu.vector_load %arg7[%parallel_loop3A_373, %parallel_loop3A_374] {strides = array<i32>} : memref<64x768xf32, #tpu.memory_space<vmem>>, vector<1x16xf32>,
        %parallel_loop3A_376 = vector.shape_cast %parallel_loop3A_375 : vector<1x16xf32> to vector<16xf32>
        %parallel_loop3A_377 = arith.index_cast %parallel_loop3A_150 : i32 to index
        %parallel_loop3A_378 = arith.constant 320 : index
        %parallel_loop3A_379 = tpu.vector_load %arg9[%parallel_loop3A_377, %parallel_loop3A_378] {strides = array<i32>} : memref<32x768xf32, #tpu.memory_space<vmem>>, vector<1x16xf32>,
        %parallel_loop3A_380 = vector.shape_cast %parallel_loop3A_379 : vector<1x16xf32> to vector<16xf32>
        %parallel_loop3A_381 = vector.shape_cast %parallel_loop3A_376 : vector<16xf32> to vector<1x16xf32>
        tpu.vector_store %arg9[%parallel_loop3A_377, %parallel_loop3A_378], %parallel_loop3A_381 {add = true, strides = array<i32>} : memref<32x768xf32, #tpu.memory_space<vmem>>, vector<1x16xf32>,
        %parallel_loop3A_382 = arith.constant 32 : i32
        %parallel_loop3A_383 = arith.addi %parallel_loop3A_382, %parallel_loop3A_150 : i32
        %parallel_loop3A_384 = arith.index_cast %parallel_loop3A_383 : i32 to index
        %parallel_loop3A_385 = arith.constant 336 : index
        %parallel_loop3A_386 = tpu.vector_load %arg7[%parallel_loop3A_384, %parallel_loop3A_385] {strides = array<i32>} : memref<64x768xf32, #tpu.memory_space<vmem>>, vector<1x16xf32>,
        %parallel_loop3A_387 = vector.shape_cast %parallel_loop3A_386 : vector<1x16xf32> to vector<16xf32>
        %parallel_loop3A_388 = arith.index_cast %parallel_loop3A_150 : i32 to index
        %parallel_loop3A_389 = arith.constant 336 : index
        %parallel_loop3A_390 = tpu.vector_load %arg9[%parallel_loop3A_388, %parallel_loop3A_389] {strides = array<i32>} : memref<32x768xf32, #tpu.memory_space<vmem>>, vector<1x16xf32>,
        %parallel_loop3A_391 = vector.shape_cast %parallel_loop3A_390 : vector<1x16xf32> to vector<16xf32>
        %parallel_loop3A_392 = vector.shape_cast %parallel_loop3A_387 : vector<16xf32> to vector<1x16xf32>
        tpu.vector_store %arg9[%parallel_loop3A_388, %parallel_loop3A_389], %parallel_loop3A_392 {add = true, strides = array<i32>} : memref<32x768xf32, #tpu.memory_space<vmem>>, vector<1x16xf32>,
        %parallel_loop3A_393 = arith.constant 32 : i32
        %parallel_loop3A_394 = arith.addi %parallel_loop3A_393, %parallel_loop3A_150 : i32
        %parallel_loop3A_395 = arith.index_cast %parallel_loop3A_394 : i32 to index
        %parallel_loop3A_396 = arith.constant 352 : index
        %parallel_loop3A_397 = tpu.vector_load %arg7[%parallel_loop3A_395, %parallel_loop3A_396] {strides = array<i32>} : memref<64x768xf32, #tpu.memory_space<vmem>>, vector<1x16xf32>,
        %parallel_loop3A_398 = vector.shape_cast %parallel_loop3A_397 : vector<1x16xf32> to vector<16xf32>
        %parallel_loop3A_399 = arith.index_cast %parallel_loop3A_150 : i32 to index
        %parallel_loop3A_400 = arith.constant 352 : index
        %parallel_loop3A_401 = tpu.vector_load %arg9[%parallel_loop3A_399, %parallel_loop3A_400] {strides = array<i32>} : memref<32x768xf32, #tpu.memory_space<vmem>>, vector<1x16xf32>,
        %parallel_loop3A_402 = vector.shape_cast %parallel_loop3A_401 : vector<1x16xf32> to vector<16xf32>
        %parallel_loop3A_403 = vector.shape_cast %parallel_loop3A_398 : vector<16xf32> to vector<1x16xf32>
        tpu.vector_store %arg9[%parallel_loop3A_399, %parallel_loop3A_400], %parallel_loop3A_403 {add = true, strides = array<i32>} : memref<32x768xf32, #tpu.memory_space<vmem>>, vector<1x16xf32>,
        %parallel_loop3A_404 = arith.constant 32 : i32
        %parallel_loop3A_405 = arith.addi %parallel_loop3A_404, %parallel_loop3A_150 : i32
        %parallel_loop3A_406 = arith.index_cast %parallel_loop3A_405 : i32 to index
        %parallel_loop3A_407 = arith.constant 368 : index
        %parallel_loop3A_408 = tpu.vector_load %arg7[%parallel_loop3A_406, %parallel_loop3A_407] {strides = array<i32>} : memref<64x768xf32, #tpu.memory_space<vmem>>, vector<1x16xf32>,
        %parallel_loop3A_409 = vector.shape_cast %parallel_loop3A_408 : vector<1x16xf32> to vector<16xf32>
        %parallel_loop3A_410 = arith.index_cast %parallel_loop3A_150 : i32 to index
        %parallel_loop3A_411 = arith.constant 368 : index
        %parallel_loop3A_412 = tpu.vector_load %arg9[%parallel_loop3A_410, %parallel_loop3A_411] {strides = array<i32>} : memref<32x768xf32, #tpu.memory_space<vmem>>, vector<1x16xf32>,
        %parallel_loop3A_413 = vector.shape_cast %parallel_loop3A_412 : vector<1x16xf32> to vector<16xf32>
        %parallel_loop3A_414 = vector.shape_cast %parallel_loop3A_409 : vector<16xf32> to vector<1x16xf32>
        tpu.vector_store %arg9[%parallel_loop3A_410, %parallel_loop3A_411], %parallel_loop3A_414 {add = true, strides = array<i32>} : memref<32x768xf32, #tpu.memory_space<vmem>>, vector<1x16xf32>,
        %parallel_loop3A_415 = arith.constant 32 : i32
        %parallel_loop3A_416 = arith.addi %parallel_loop3A_415, %parallel_loop3A_150 : i32
        %parallel_loop3A_417 = arith.index_cast %parallel_loop3A_416 : i32 to index
        %parallel_loop3A_418 = arith.constant 384 : index
        %parallel_loop3A_419 = tpu.vector_load %arg7[%parallel_loop3A_417, %parallel_loop3A_418] {strides = array<i32>} : memref<64x768xf32, #tpu.memory_space<vmem>>, vector<1x16xf32>,
        %parallel_loop3A_420 = vector.shape_cast %parallel_loop3A_419 : vector<1x16xf32> to vector<16xf32>
        %parallel_loop3A_421 = arith.index_cast %parallel_loop3A_150 : i32 to index
        %parallel_loop3A_422 = arith.constant 384 : index
        %parallel_loop3A_423 = tpu.vector_load %arg9[%parallel_loop3A_421, %parallel_loop3A_422] {strides = array<i32>} : memref<32x768xf32, #tpu.memory_space<vmem>>, vector<1x16xf32>,
        %parallel_loop3A_424 = vector.shape_cast %parallel_loop3A_423 : vector<1x16xf32> to vector<16xf32>
        %parallel_loop3A_425 = vector.shape_cast %parallel_loop3A_420 : vector<16xf32> to vector<1x16xf32>
        tpu.vector_store %arg9[%parallel_loop3A_421, %parallel_loop3A_422], %parallel_loop3A_425 {add = true, strides = array<i32>} : memref<32x768xf32, #tpu.memory_space<vmem>>, vector<1x16xf32>,
        %parallel_loop3A_426 = arith.constant 32 : i32
        %parallel_loop3A_427 = arith.addi %parallel_loop3A_426, %parallel_loop3A_150 : i32
        %parallel_loop3A_428 = arith.index_cast %parallel_loop3A_427 : i32 to index
        %parallel_loop3A_429 = arith.constant 400 : index
        %parallel_loop3A_430 = tpu.vector_load %arg7[%parallel_loop3A_428, %parallel_loop3A_429] {strides = array<i32>} : memref<64x768xf32, #tpu.memory_space<vmem>>, vector<1x16xf32>,
        %parallel_loop3A_431 = vector.shape_cast %parallel_loop3A_430 : vector<1x16xf32> to vector<16xf32>
        %parallel_loop3A_432 = arith.index_cast %parallel_loop3A_150 : i32 to index
        %parallel_loop3A_433 = arith.constant 400 : index
        %parallel_loop3A_434 = tpu.vector_load %arg9[%parallel_loop3A_432, %parallel_loop3A_433] {strides = array<i32>} : memref<32x768xf32, #tpu.memory_space<vmem>>, vector<1x16xf32>,
        %parallel_loop3A_435 = vector.shape_cast %parallel_loop3A_434 : vector<1x16xf32> to vector<16xf32>
        %parallel_loop3A_436 = vector.shape_cast %parallel_loop3A_431 : vector<16xf32> to vector<1x16xf32>
        tpu.vector_store %arg9[%parallel_loop3A_432, %parallel_loop3A_433], %parallel_loop3A_436 {add = true, strides = array<i32>} : memref<32x768xf32, #tpu.memory_space<vmem>>, vector<1x16xf32>,
        %parallel_loop3A_437 = arith.constant 32 : i32
        %parallel_loop3A_438 = arith.addi %parallel_loop3A_437, %parallel_loop3A_150 : i32
        %parallel_loop3A_439 = arith.index_cast %parallel_loop3A_438 : i32 to index
        %parallel_loop3A_440 = arith.constant 416 : index
        %parallel_loop3A_441 = tpu.vector_load %arg7[%parallel_loop3A_439, %parallel_loop3A_440] {strides = array<i32>} : memref<64x768xf32, #tpu.memory_space<vmem>>, vector<1x16xf32>,
        %parallel_loop3A_442 = vector.shape_cast %parallel_loop3A_441 : vector<1x16xf32> to vector<16xf32>
        %parallel_loop3A_443 = arith.index_cast %parallel_loop3A_150 : i32 to index
        %parallel_loop3A_444 = arith.constant 416 : index
        %parallel_loop3A_445 = tpu.vector_load %arg9[%parallel_loop3A_443, %parallel_loop3A_444] {strides = array<i32>} : memref<32x768xf32, #tpu.memory_space<vmem>>, vector<1x16xf32>,
        %parallel_loop3A_446 = vector.shape_cast %parallel_loop3A_445 : vector<1x16xf32> to vector<16xf32>
        %parallel_loop3A_447 = vector.shape_cast %parallel_loop3A_442 : vector<16xf32> to vector<1x16xf32>
        tpu.vector_store %arg9[%parallel_loop3A_443, %parallel_loop3A_444], %parallel_loop3A_447 {add = true, strides = array<i32>} : memref<32x768xf32, #tpu.memory_space<vmem>>, vector<1x16xf32>,
        %parallel_loop3A_448 = arith.constant 32 : i32
        %parallel_loop3A_449 = arith.addi %parallel_loop3A_448, %parallel_loop3A_150 : i32
        %parallel_loop3A_450 = arith.index_cast %parallel_loop3A_449 : i32 to index
        %parallel_loop3A_451 = arith.constant 432 : index
        %parallel_loop3A_452 = tpu.vector_load %arg7[%parallel_loop3A_450, %parallel_loop3A_451] {strides = array<i32>} : memref<64x768xf32, #tpu.memory_space<vmem>>, vector<1x16xf32>,
        %parallel_loop3A_453 = vector.shape_cast %parallel_loop3A_452 : vector<1x16xf32> to vector<16xf32>
        %parallel_loop3A_454 = arith.index_cast %parallel_loop3A_150 : i32 to index
        %parallel_loop3A_455 = arith.constant 432 : index
        %parallel_loop3A_456 = tpu.vector_load %arg9[%parallel_loop3A_454, %parallel_loop3A_455] {strides = array<i32>} : memref<32x768xf32, #tpu.memory_space<vmem>>, vector<1x16xf32>,
        %parallel_loop3A_457 = vector.shape_cast %parallel_loop3A_456 : vector<1x16xf32> to vector<16xf32>
        %parallel_loop3A_458 = vector.shape_cast %parallel_loop3A_453 : vector<16xf32> to vector<1x16xf32>
        tpu.vector_store %arg9[%parallel_loop3A_454, %parallel_loop3A_455], %parallel_loop3A_458 {add = true, strides = array<i32>} : memref<32x768xf32, #tpu.memory_space<vmem>>, vector<1x16xf32>,
        %parallel_loop3A_459 = arith.constant 32 : i32
        %parallel_loop3A_460 = arith.addi %parallel_loop3A_459, %parallel_loop3A_150 : i32
        %parallel_loop3A_461 = arith.index_cast %parallel_loop3A_460 : i32 to index
        %parallel_loop3A_462 = arith.constant 448 : index
        %parallel_loop3A_463 = tpu.vector_load %arg7[%parallel_loop3A_461, %parallel_loop3A_462] {strides = array<i32>} : memref<64x768xf32, #tpu.memory_space<vmem>>, vector<1x16xf32>,
        %parallel_loop3A_464 = vector.shape_cast %parallel_loop3A_463 : vector<1x16xf32> to vector<16xf32>
        %parallel_loop3A_465 = arith.index_cast %parallel_loop3A_150 : i32 to index
        %parallel_loop3A_466 = arith.constant 448 : index
        %parallel_loop3A_467 = tpu.vector_load %arg9[%parallel_loop3A_465, %parallel_loop3A_466] {strides = array<i32>} : memref<32x768xf32, #tpu.memory_space<vmem>>, vector<1x16xf32>,
        %parallel_loop3A_468 = vector.shape_cast %parallel_loop3A_467 : vector<1x16xf32> to vector<16xf32>
        %parallel_loop3A_469 = vector.shape_cast %parallel_loop3A_464 : vector<16xf32> to vector<1x16xf32>
        tpu.vector_store %arg9[%parallel_loop3A_465, %parallel_loop3A_466], %parallel_loop3A_469 {add = true, strides = array<i32>} : memref<32x768xf32, #tpu.memory_space<vmem>>, vector<1x16xf32>,
        %parallel_loop3A_470 = arith.constant 32 : i32
        %parallel_loop3A_471 = arith.addi %parallel_loop3A_470, %parallel_loop3A_150 : i32
        %parallel_loop3A_472 = arith.index_cast %parallel_loop3A_471 : i32 to index
        %parallel_loop3A_473 = arith.constant 464 : index
        %parallel_loop3A_474 = tpu.vector_load %arg7[%parallel_loop3A_472, %parallel_loop3A_473] {strides = array<i32>} : memref<64x768xf32, #tpu.memory_space<vmem>>, vector<1x16xf32>,
        %parallel_loop3A_475 = vector.shape_cast %parallel_loop3A_474 : vector<1x16xf32> to vector<16xf32>
        %parallel_loop3A_476 = arith.index_cast %parallel_loop3A_150 : i32 to index
        %parallel_loop3A_477 = arith.constant 464 : index
        %parallel_loop3A_478 = tpu.vector_load %arg9[%parallel_loop3A_476, %parallel_loop3A_477] {strides = array<i32>} : memref<32x768xf32, #tpu.memory_space<vmem>>, vector<1x16xf32>,
        %parallel_loop3A_479 = vector.shape_cast %parallel_loop3A_478 : vector<1x16xf32> to vector<16xf32>
        %parallel_loop3A_480 = vector.shape_cast %parallel_loop3A_475 : vector<16xf32> to vector<1x16xf32>
        tpu.vector_store %arg9[%parallel_loop3A_476, %parallel_loop3A_477], %parallel_loop3A_480 {add = true, strides = array<i32>} : memref<32x768xf32, #tpu.memory_space<vmem>>, vector<1x16xf32>,
        %parallel_loop3A_481 = arith.constant 32 : i32
        %parallel_loop3A_482 = arith.addi %parallel_loop3A_481, %parallel_loop3A_150 : i32
        %parallel_loop3A_483 = arith.index_cast %parallel_loop3A_482 : i32 to index
        %parallel_loop3A_484 = arith.constant 480 : index
        %parallel_loop3A_485 = tpu.vector_load %arg7[%parallel_loop3A_483, %parallel_loop3A_484] {strides = array<i32>} : memref<64x768xf32, #tpu.memory_space<vmem>>, vector<1x16xf32>,
        %parallel_loop3A_486 = vector.shape_cast %parallel_loop3A_485 : vector<1x16xf32> to vector<16xf32>
        %parallel_loop3A_487 = arith.index_cast %parallel_loop3A_150 : i32 to index
        %parallel_loop3A_488 = arith.constant 480 : index
        %parallel_loop3A_489 = tpu.vector_load %arg9[%parallel_loop3A_487, %parallel_loop3A_488] {strides = array<i32>} : memref<32x768xf32, #tpu.memory_space<vmem>>, vector<1x16xf32>,
        %parallel_loop3A_490 = vector.shape_cast %parallel_loop3A_489 : vector<1x16xf32> to vector<16xf32>
        %parallel_loop3A_491 = vector.shape_cast %parallel_loop3A_486 : vector<16xf32> to vector<1x16xf32>
        tpu.vector_store %arg9[%parallel_loop3A_487, %parallel_loop3A_488], %parallel_loop3A_491 {add = true, strides = array<i32>} : memref<32x768xf32, #tpu.memory_space<vmem>>, vector<1x16xf32>,
        %parallel_loop3A_492 = arith.constant 32 : i32
        %parallel_loop3A_493 = arith.addi %parallel_loop3A_492, %parallel_loop3A_150 : i32
        %parallel_loop3A_494 = arith.index_cast %parallel_loop3A_493 : i32 to index
        %parallel_loop3A_495 = arith.constant 496 : index
        %parallel_loop3A_496 = tpu.vector_load %arg7[%parallel_loop3A_494, %parallel_loop3A_495] {strides = array<i32>} : memref<64x768xf32, #tpu.memory_space<vmem>>, vector<1x16xf32>,
        %parallel_loop3A_497 = vector.shape_cast %parallel_loop3A_496 : vector<1x16xf32> to vector<16xf32>
        %parallel_loop3A_498 = arith.index_cast %parallel_loop3A_150 : i32 to index
        %parallel_loop3A_499 = arith.constant 496 : index
        %parallel_loop3A_500 = tpu.vector_load %arg9[%parallel_loop3A_498, %parallel_loop3A_499] {strides = array<i32>} : memref<32x768xf32, #tpu.memory_space<vmem>>, vector<1x16xf32>,
        %parallel_loop3A_501 = vector.shape_cast %parallel_loop3A_500 : vector<1x16xf32> to vector<16xf32>
        %parallel_loop3A_502 = vector.shape_cast %parallel_loop3A_497 : vector<16xf32> to vector<1x16xf32>
        tpu.vector_store %arg9[%parallel_loop3A_498, %parallel_loop3A_499], %parallel_loop3A_502 {add = true, strides = array<i32>} : memref<32x768xf32, #tpu.memory_space<vmem>>, vector<1x16xf32>,
        %parallel_loop3A_503 = arith.constant 32 : i32
        %parallel_loop3A_504 = arith.addi %parallel_loop3A_503, %parallel_loop3A_150 : i32
        %parallel_loop3A_505 = arith.index_cast %parallel_loop3A_504 : i32 to index
        %parallel_loop3A_506 = arith.constant 512 : index
        %parallel_loop3A_507 = tpu.vector_load %arg7[%parallel_loop3A_505, %parallel_loop3A_506] {strides = array<i32>} : memref<64x768xf32, #tpu.memory_space<vmem>>, vector<1x16xf32>,
        %parallel_loop3A_508 = vector.shape_cast %parallel_loop3A_507 : vector<1x16xf32> to vector<16xf32>
        %parallel_loop3A_509 = arith.index_cast %parallel_loop3A_150 : i32 to index
        %parallel_loop3A_510 = arith.constant 512 : index
        %parallel_loop3A_511 = tpu.vector_load %arg9[%parallel_loop3A_509, %parallel_loop3A_510] {strides = array<i32>} : memref<32x768xf32, #tpu.memory_space<vmem>>, vector<1x16xf32>,
        %parallel_loop3A_512 = vector.shape_cast %parallel_loop3A_511 : vector<1x16xf32> to vector<16xf32>
        %parallel_loop3A_513 = vector.shape_cast %parallel_loop3A_508 : vector<16xf32> to vector<1x16xf32>
        tpu.vector_store %arg9[%parallel_loop3A_509, %parallel_loop3A_510], %parallel_loop3A_513 {add = true, strides = array<i32>} : memref<32x768xf32, #tpu.memory_space<vmem>>, vector<1x16xf32>,
        %parallel_loop3A_514 = arith.constant 32 : i32
        %parallel_loop3A_515 = arith.addi %parallel_loop3A_514, %parallel_loop3A_150 : i32
        %parallel_loop3A_516 = arith.index_cast %parallel_loop3A_515 : i32 to index
        %parallel_loop3A_517 = arith.constant 528 : index
        %parallel_loop3A_518 = tpu.vector_load %arg7[%parallel_loop3A_516, %parallel_loop3A_517] {strides = array<i32>} : memref<64x768xf32, #tpu.memory_space<vmem>>, vector<1x16xf32>,
        %parallel_loop3A_519 = vector.shape_cast %parallel_loop3A_518 : vector<1x16xf32> to vector<16xf32>
        %parallel_loop3A_520 = arith.index_cast %parallel_loop3A_150 : i32 to index
        %parallel_loop3A_521 = arith.constant 528 : index
        %parallel_loop3A_522 = tpu.vector_load %arg9[%parallel_loop3A_520, %parallel_loop3A_521] {strides = array<i32>} : memref<32x768xf32, #tpu.memory_space<vmem>>, vector<1x16xf32>,
        %parallel_loop3A_523 = vector.shape_cast %parallel_loop3A_522 : vector<1x16xf32> to vector<16xf32>
        %parallel_loop3A_524 = vector.shape_cast %parallel_loop3A_519 : vector<16xf32> to vector<1x16xf32>
        tpu.vector_store %arg9[%parallel_loop3A_520, %parallel_loop3A_521], %parallel_loop3A_524 {add = true, strides = array<i32>} : memref<32x768xf32, #tpu.memory_space<vmem>>, vector<1x16xf32>,
        %parallel_loop3A_525 = arith.constant 32 : i32
        %parallel_loop3A_526 = arith.addi %parallel_loop3A_525, %parallel_loop3A_150 : i32
        %parallel_loop3A_527 = arith.index_cast %parallel_loop3A_526 : i32 to index
        %parallel_loop3A_528 = arith.constant 544 : index
        %parallel_loop3A_529 = tpu.vector_load %arg7[%parallel_loop3A_527, %parallel_loop3A_528] {strides = array<i32>} : memref<64x768xf32, #tpu.memory_space<vmem>>, vector<1x16xf32>,
        %parallel_loop3A_530 = vector.shape_cast %parallel_loop3A_529 : vector<1x16xf32> to vector<16xf32>
        %parallel_loop3A_531 = arith.index_cast %parallel_loop3A_150 : i32 to index
        %parallel_loop3A_532 = arith.constant 544 : index
        %parallel_loop3A_533 = tpu.vector_load %arg9[%parallel_loop3A_531, %parallel_loop3A_532] {strides = array<i32>} : memref<32x768xf32, #tpu.memory_space<vmem>>, vector<1x16xf32>,
        %parallel_loop3A_534 = vector.shape_cast %parallel_loop3A_533 : vector<1x16xf32> to vector<16xf32>
        %parallel_loop3A_535 = vector.shape_cast %parallel_loop3A_530 : vector<16xf32> to vector<1x16xf32>
        tpu.vector_store %arg9[%parallel_loop3A_531, %parallel_loop3A_532], %parallel_loop3A_535 {add = true, strides = array<i32>} : memref<32x768xf32, #tpu.memory_space<vmem>>, vector<1x16xf32>,
        %parallel_loop3A_536 = arith.constant 32 : i32
        %parallel_loop3A_537 = arith.addi %parallel_loop3A_536, %parallel_loop3A_150 : i32
        %parallel_loop3A_538 = arith.index_cast %parallel_loop3A_537 : i32 to index
        %parallel_loop3A_539 = arith.constant 560 : index
        %parallel_loop3A_540 = tpu.vector_load %arg7[%parallel_loop3A_538, %parallel_loop3A_539] {strides = array<i32>} : memref<64x768xf32, #tpu.memory_space<vmem>>, vector<1x16xf32>,
        %parallel_loop3A_541 = vector.shape_cast %parallel_loop3A_540 : vector<1x16xf32> to vector<16xf32>
        %parallel_loop3A_542 = arith.index_cast %parallel_loop3A_150 : i32 to index
        %parallel_loop3A_543 = arith.constant 560 : index
        %parallel_loop3A_544 = tpu.vector_load %arg9[%parallel_loop3A_542, %parallel_loop3A_543] {strides = array<i32>} : memref<32x768xf32, #tpu.memory_space<vmem>>, vector<1x16xf32>,
        %parallel_loop3A_545 = vector.shape_cast %parallel_loop3A_544 : vector<1x16xf32> to vector<16xf32>
        %parallel_loop3A_546 = vector.shape_cast %parallel_loop3A_541 : vector<16xf32> to vector<1x16xf32>
        tpu.vector_store %arg9[%parallel_loop3A_542, %parallel_loop3A_543], %parallel_loop3A_546 {add = true, strides = array<i32>} : memref<32x768xf32, #tpu.memory_space<vmem>>, vector<1x16xf32>,
        %parallel_loop3A_547 = arith.constant 32 : i32
        %parallel_loop3A_548 = arith.addi %parallel_loop3A_547, %parallel_loop3A_150 : i32
        %parallel_loop3A_549 = arith.index_cast %parallel_loop3A_548 : i32 to index
        %parallel_loop3A_550 = arith.constant 576 : index
        %parallel_loop3A_551 = tpu.vector_load %arg7[%parallel_loop3A_549, %parallel_loop3A_550] {strides = array<i32>} : memref<64x768xf32, #tpu.memory_space<vmem>>, vector<1x16xf32>,
        %parallel_loop3A_552 = vector.shape_cast %parallel_loop3A_551 : vector<1x16xf32> to vector<16xf32>
        %parallel_loop3A_553 = arith.index_cast %parallel_loop3A_150 : i32 to index
        %parallel_loop3A_554 = arith.constant 576 : index
        %parallel_loop3A_555 = tpu.vector_load %arg9[%parallel_loop3A_553, %parallel_loop3A_554] {strides = array<i32>} : memref<32x768xf32, #tpu.memory_space<vmem>>, vector<1x16xf32>,
        %parallel_loop3A_556 = vector.shape_cast %parallel_loop3A_555 : vector<1x16xf32> to vector<16xf32>
        %parallel_loop3A_557 = vector.shape_cast %parallel_loop3A_552 : vector<16xf32> to vector<1x16xf32>
        tpu.vector_store %arg9[%parallel_loop3A_553, %parallel_loop3A_554], %parallel_loop3A_557 {add = true, strides = array<i32>} : memref<32x768xf32, #tpu.memory_space<vmem>>, vector<1x16xf32>,
        %parallel_loop3A_558 = arith.constant 32 : i32
        %parallel_loop3A_559 = arith.addi %parallel_loop3A_558, %parallel_loop3A_150 : i32
        %parallel_loop3A_560 = arith.index_cast %parallel_loop3A_559 : i32 to index
        %parallel_loop3A_561 = arith.constant 592 : index
        %parallel_loop3A_562 = tpu.vector_load %arg7[%parallel_loop3A_560, %parallel_loop3A_561] {strides = array<i32>} : memref<64x768xf32, #tpu.memory_space<vmem>>, vector<1x16xf32>,
        %parallel_loop3A_563 = vector.shape_cast %parallel_loop3A_562 : vector<1x16xf32> to vector<16xf32>
        %parallel_loop3A_564 = arith.index_cast %parallel_loop3A_150 : i32 to index
        %parallel_loop3A_565 = arith.constant 592 : index
        %parallel_loop3A_566 = tpu.vector_load %arg9[%parallel_loop3A_564, %parallel_loop3A_565] {strides = array<i32>} : memref<32x768xf32, #tpu.memory_space<vmem>>, vector<1x16xf32>,
        %parallel_loop3A_567 = vector.shape_cast %parallel_loop3A_566 : vector<1x16xf32> to vector<16xf32>
        %parallel_loop3A_568 = vector.shape_cast %parallel_loop3A_563 : vector<16xf32> to vector<1x16xf32>
        tpu.vector_store %arg9[%parallel_loop3A_564, %parallel_loop3A_565], %parallel_loop3A_568 {add = true, strides = array<i32>} : memref<32x768xf32, #tpu.memory_space<vmem>>, vector<1x16xf32>,
        %parallel_loop3A_569 = arith.constant 32 : i32
        %parallel_loop3A_570 = arith.addi %parallel_loop3A_569, %parallel_loop3A_150 : i32
        %parallel_loop3A_571 = arith.index_cast %parallel_loop3A_570 : i32 to index
        %parallel_loop3A_572 = arith.constant 608 : index
        %parallel_loop3A_573 = tpu.vector_load %arg7[%parallel_loop3A_571, %parallel_loop3A_572] {strides = array<i32>} : memref<64x768xf32, #tpu.memory_space<vmem>>, vector<1x16xf32>,
        %parallel_loop3A_574 = vector.shape_cast %parallel_loop3A_573 : vector<1x16xf32> to vector<16xf32>
        %parallel_loop3A_575 = arith.index_cast %parallel_loop3A_150 : i32 to index
        %parallel_loop3A_576 = arith.constant 608 : index
        %parallel_loop3A_577 = tpu.vector_load %arg9[%parallel_loop3A_575, %parallel_loop3A_576] {strides = array<i32>} : memref<32x768xf32, #tpu.memory_space<vmem>>, vector<1x16xf32>,
        %parallel_loop3A_578 = vector.shape_cast %parallel_loop3A_577 : vector<1x16xf32> to vector<16xf32>
        %parallel_loop3A_579 = vector.shape_cast %parallel_loop3A_574 : vector<16xf32> to vector<1x16xf32>
        tpu.vector_store %arg9[%parallel_loop3A_575, %parallel_loop3A_576], %parallel_loop3A_579 {add = true, strides = array<i32>} : memref<32x768xf32, #tpu.memory_space<vmem>>, vector<1x16xf32>,
        %parallel_loop3A_580 = arith.constant 32 : i32
        %parallel_loop3A_581 = arith.addi %parallel_loop3A_580, %parallel_loop3A_150 : i32
        %parallel_loop3A_582 = arith.index_cast %parallel_loop3A_581 : i32 to index
        %parallel_loop3A_583 = arith.constant 624 : index
        %parallel_loop3A_584 = tpu.vector_load %arg7[%parallel_loop3A_582, %parallel_loop3A_583] {strides = array<i32>} : memref<64x768xf32, #tpu.memory_space<vmem>>, vector<1x16xf32>,
        %parallel_loop3A_585 = vector.shape_cast %parallel_loop3A_584 : vector<1x16xf32> to vector<16xf32>
        %parallel_loop3A_586 = arith.index_cast %parallel_loop3A_150 : i32 to index
        %parallel_loop3A_587 = arith.constant 624 : index
        %parallel_loop3A_588 = tpu.vector_load %arg9[%parallel_loop3A_586, %parallel_loop3A_587] {strides = array<i32>} : memref<32x768xf32, #tpu.memory_space<vmem>>, vector<1x16xf32>,
        %parallel_loop3A_589 = vector.shape_cast %parallel_loop3A_588 : vector<1x16xf32> to vector<16xf32>
        %parallel_loop3A_590 = vector.shape_cast %parallel_loop3A_585 : vector<16xf32> to vector<1x16xf32>
        tpu.vector_store %arg9[%parallel_loop3A_586, %parallel_loop3A_587], %parallel_loop3A_590 {add = true, strides = array<i32>} : memref<32x768xf32, #tpu.memory_space<vmem>>, vector<1x16xf32>,
        %parallel_loop3A_591 = arith.constant 32 : i32
        %parallel_loop3A_592 = arith.addi %parallel_loop3A_591, %parallel_loop3A_150 : i32
        %parallel_loop3A_593 = arith.index_cast %parallel_loop3A_592 : i32 to index
        %parallel_loop3A_594 = arith.constant 640 : index
        %parallel_loop3A_595 = tpu.vector_load %arg7[%parallel_loop3A_593, %parallel_loop3A_594] {strides = array<i32>} : memref<64x768xf32, #tpu.memory_space<vmem>>, vector<1x16xf32>,
        %parallel_loop3A_596 = vector.shape_cast %parallel_loop3A_595 : vector<1x16xf32> to vector<16xf32>
        %parallel_loop3A_597 = arith.index_cast %parallel_loop3A_150 : i32 to index
        %parallel_loop3A_598 = arith.constant 640 : index
        %parallel_loop3A_599 = tpu.vector_load %arg9[%parallel_loop3A_597, %parallel_loop3A_598] {strides = array<i32>} : memref<32x768xf32, #tpu.memory_space<vmem>>, vector<1x16xf32>,
        %parallel_loop3A_600 = vector.shape_cast %parallel_loop3A_599 : vector<1x16xf32> to vector<16xf32>
        %parallel_loop3A_601 = vector.shape_cast %parallel_loop3A_596 : vector<16xf32> to vector<1x16xf32>
        tpu.vector_store %arg9[%parallel_loop3A_597, %parallel_loop3A_598], %parallel_loop3A_601 {add = true, strides = array<i32>} : memref<32x768xf32, #tpu.memory_space<vmem>>, vector<1x16xf32>,
        %parallel_loop3A_602 = arith.constant 32 : i32
        %parallel_loop3A_603 = arith.addi %parallel_loop3A_602, %parallel_loop3A_150 : i32
        %parallel_loop3A_604 = arith.index_cast %parallel_loop3A_603 : i32 to index
        %parallel_loop3A_605 = arith.constant 656 : index
        %parallel_loop3A_606 = tpu.vector_load %arg7[%parallel_loop3A_604, %parallel_loop3A_605] {strides = array<i32>} : memref<64x768xf32, #tpu.memory_space<vmem>>, vector<1x16xf32>,
        %parallel_loop3A_607 = vector.shape_cast %parallel_loop3A_606 : vector<1x16xf32> to vector<16xf32>
        %parallel_loop3A_608 = arith.index_cast %parallel_loop3A_150 : i32 to index
        %parallel_loop3A_609 = arith.constant 656 : index
        %parallel_loop3A_610 = tpu.vector_load %arg9[%parallel_loop3A_608, %parallel_loop3A_609] {strides = array<i32>} : memref<32x768xf32, #tpu.memory_space<vmem>>, vector<1x16xf32>,
        %parallel_loop3A_611 = vector.shape_cast %parallel_loop3A_610 : vector<1x16xf32> to vector<16xf32>
        %parallel_loop3A_612 = vector.shape_cast %parallel_loop3A_607 : vector<16xf32> to vector<1x16xf32>
        tpu.vector_store %arg9[%parallel_loop3A_608, %parallel_loop3A_609], %parallel_loop3A_612 {add = true, strides = array<i32>} : memref<32x768xf32, #tpu.memory_space<vmem>>, vector<1x16xf32>,
        %parallel_loop3A_613 = arith.constant 32 : i32
        %parallel_loop3A_614 = arith.addi %parallel_loop3A_613, %parallel_loop3A_150 : i32
        %parallel_loop3A_615 = arith.index_cast %parallel_loop3A_614 : i32 to index
        %parallel_loop3A_616 = arith.constant 672 : index
        %parallel_loop3A_617 = tpu.vector_load %arg7[%parallel_loop3A_615, %parallel_loop3A_616] {strides = array<i32>} : memref<64x768xf32, #tpu.memory_space<vmem>>, vector<1x16xf32>,
        %parallel_loop3A_618 = vector.shape_cast %parallel_loop3A_617 : vector<1x16xf32> to vector<16xf32>
        %parallel_loop3A_619 = arith.index_cast %parallel_loop3A_150 : i32 to index
        %parallel_loop3A_620 = arith.constant 672 : index
        %parallel_loop3A_621 = tpu.vector_load %arg9[%parallel_loop3A_619, %parallel_loop3A_620] {strides = array<i32>} : memref<32x768xf32, #tpu.memory_space<vmem>>, vector<1x16xf32>,
        %parallel_loop3A_622 = vector.shape_cast %parallel_loop3A_621 : vector<1x16xf32> to vector<16xf32>
        %parallel_loop3A_623 = vector.shape_cast %parallel_loop3A_618 : vector<16xf32> to vector<1x16xf32>
        tpu.vector_store %arg9[%parallel_loop3A_619, %parallel_loop3A_620], %parallel_loop3A_623 {add = true, strides = array<i32>} : memref<32x768xf32, #tpu.memory_space<vmem>>, vector<1x16xf32>,
        %parallel_loop3A_624 = arith.constant 32 : i32
        %parallel_loop3A_625 = arith.addi %parallel_loop3A_624, %parallel_loop3A_150 : i32
        %parallel_loop3A_626 = arith.index_cast %parallel_loop3A_625 : i32 to index
        %parallel_loop3A_627 = arith.constant 688 : index
        %parallel_loop3A_628 = tpu.vector_load %arg7[%parallel_loop3A_626, %parallel_loop3A_627] {strides = array<i32>} : memref<64x768xf32, #tpu.memory_space<vmem>>, vector<1x16xf32>,
        %parallel_loop3A_629 = vector.shape_cast %parallel_loop3A_628 : vector<1x16xf32> to vector<16xf32>
        %parallel_loop3A_630 = arith.index_cast %parallel_loop3A_150 : i32 to index
        %parallel_loop3A_631 = arith.constant 688 : index
        %parallel_loop3A_632 = tpu.vector_load %arg9[%parallel_loop3A_630, %parallel_loop3A_631] {strides = array<i32>} : memref<32x768xf32, #tpu.memory_space<vmem>>, vector<1x16xf32>,
        %parallel_loop3A_633 = vector.shape_cast %parallel_loop3A_632 : vector<1x16xf32> to vector<16xf32>
        %parallel_loop3A_634 = vector.shape_cast %parallel_loop3A_629 : vector<16xf32> to vector<1x16xf32>
        tpu.vector_store %arg9[%parallel_loop3A_630, %parallel_loop3A_631], %parallel_loop3A_634 {add = true, strides = array<i32>} : memref<32x768xf32, #tpu.memory_space<vmem>>, vector<1x16xf32>,
        %parallel_loop3A_635 = arith.constant 32 : i32
        %parallel_loop3A_636 = arith.addi %parallel_loop3A_635, %parallel_loop3A_150 : i32
        %parallel_loop3A_637 = arith.index_cast %parallel_loop3A_636 : i32 to index
        %parallel_loop3A_638 = arith.constant 704 : index
        %parallel_loop3A_639 = tpu.vector_load %arg7[%parallel_loop3A_637, %parallel_loop3A_638] {strides = array<i32>} : memref<64x768xf32, #tpu.memory_space<vmem>>, vector<1x16xf32>,
        %parallel_loop3A_640 = vector.shape_cast %parallel_loop3A_639 : vector<1x16xf32> to vector<16xf32>
        %parallel_loop3A_641 = arith.index_cast %parallel_loop3A_150 : i32 to index
        %parallel_loop3A_642 = arith.constant 704 : index
        %parallel_loop3A_643 = tpu.vector_load %arg9[%parallel_loop3A_641, %parallel_loop3A_642] {strides = array<i32>} : memref<32x768xf32, #tpu.memory_space<vmem>>, vector<1x16xf32>,
        %parallel_loop3A_644 = vector.shape_cast %parallel_loop3A_643 : vector<1x16xf32> to vector<16xf32>
        %parallel_loop3A_645 = vector.shape_cast %parallel_loop3A_640 : vector<16xf32> to vector<1x16xf32>
        tpu.vector_store %arg9[%parallel_loop3A_641, %parallel_loop3A_642], %parallel_loop3A_645 {add = true, strides = array<i32>} : memref<32x768xf32, #tpu.memory_space<vmem>>, vector<1x16xf32>,
        %parallel_loop3A_646 = arith.constant 32 : i32
        %parallel_loop3A_647 = arith.addi %parallel_loop3A_646, %parallel_loop3A_150 : i32
        %parallel_loop3A_648 = arith.index_cast %parallel_loop3A_647 : i32 to index
        %parallel_loop3A_649 = arith.constant 720 : index
        %parallel_loop3A_650 = tpu.vector_load %arg7[%parallel_loop3A_648, %parallel_loop3A_649] {strides = array<i32>} : memref<64x768xf32, #tpu.memory_space<vmem>>, vector<1x16xf32>,
        %parallel_loop3A_651 = vector.shape_cast %parallel_loop3A_650 : vector<1x16xf32> to vector<16xf32>
        %parallel_loop3A_652 = arith.index_cast %parallel_loop3A_150 : i32 to index
        %parallel_loop3A_653 = arith.constant 720 : index
        %parallel_loop3A_654 = tpu.vector_load %arg9[%parallel_loop3A_652, %parallel_loop3A_653] {strides = array<i32>} : memref<32x768xf32, #tpu.memory_space<vmem>>, vector<1x16xf32>,
        %parallel_loop3A_655 = vector.shape_cast %parallel_loop3A_654 : vector<1x16xf32> to vector<16xf32>
        %parallel_loop3A_656 = vector.shape_cast %parallel_loop3A_651 : vector<16xf32> to vector<1x16xf32>
        tpu.vector_store %arg9[%parallel_loop3A_652, %parallel_loop3A_653], %parallel_loop3A_656 {add = true, strides = array<i32>} : memref<32x768xf32, #tpu.memory_space<vmem>>, vector<1x16xf32>,
        %parallel_loop3A_657 = arith.constant 32 : i32
        %parallel_loop3A_658 = arith.addi %parallel_loop3A_657, %parallel_loop3A_150 : i32
        %parallel_loop3A_659 = arith.index_cast %parallel_loop3A_658 : i32 to index
        %parallel_loop3A_660 = arith.constant 736 : index
        %parallel_loop3A_661 = tpu.vector_load %arg7[%parallel_loop3A_659, %parallel_loop3A_660] {strides = array<i32>} : memref<64x768xf32, #tpu.memory_space<vmem>>, vector<1x16xf32>,
        %parallel_loop3A_662 = vector.shape_cast %parallel_loop3A_661 : vector<1x16xf32> to vector<16xf32>
        %parallel_loop3A_663 = arith.index_cast %parallel_loop3A_150 : i32 to index
        %parallel_loop3A_664 = arith.constant 736 : index
        %parallel_loop3A_665 = tpu.vector_load %arg9[%parallel_loop3A_663, %parallel_loop3A_664] {strides = array<i32>} : memref<32x768xf32, #tpu.memory_space<vmem>>, vector<1x16xf32>,
        %parallel_loop3A_666 = vector.shape_cast %parallel_loop3A_665 : vector<1x16xf32> to vector<16xf32>
        %parallel_loop3A_667 = vector.shape_cast %parallel_loop3A_662 : vector<16xf32> to vector<1x16xf32>
        tpu.vector_store %arg9[%parallel_loop3A_663, %parallel_loop3A_664], %parallel_loop3A_667 {add = true, strides = array<i32>} : memref<32x768xf32, #tpu.memory_space<vmem>>, vector<1x16xf32>,
        %parallel_loop3A_668 = arith.constant 32 : i32
        %parallel_loop3A_669 = arith.addi %parallel_loop3A_668, %parallel_loop3A_150 : i32
        %parallel_loop3A_670 = arith.index_cast %parallel_loop3A_669 : i32 to index
        %parallel_loop3A_671 = arith.constant 752 : index
        %parallel_loop3A_672 = tpu.vector_load %arg7[%parallel_loop3A_670, %parallel_loop3A_671] {strides = array<i32>} : memref<64x768xf32, #tpu.memory_space<vmem>>, vector<1x16xf32>,
        %parallel_loop3A_673 = vector.shape_cast %parallel_loop3A_672 : vector<1x16xf32> to vector<16xf32>
        %parallel_loop3A_674 = arith.index_cast %parallel_loop3A_150 : i32 to index
        %parallel_loop3A_675 = arith.constant 752 : index
        %parallel_loop3A_676 = tpu.vector_load %arg9[%parallel_loop3A_674, %parallel_loop3A_675] {strides = array<i32>} : memref<32x768xf32, #tpu.memory_space<vmem>>, vector<1x16xf32>,
        %parallel_loop3A_677 = vector.shape_cast %parallel_loop3A_676 : vector<1x16xf32> to vector<16xf32>
        %parallel_loop3A_678 = vector.shape_cast %parallel_loop3A_673 : vector<16xf32> to vector<1x16xf32>
        tpu.vector_store %arg9[%parallel_loop3A_674, %parallel_loop3A_675], %parallel_loop3A_678 {add = true, strides = array<i32>} : memref<32x768xf32, #tpu.memory_space<vmem>>, vector<1x16xf32>,
      } {sc.loop_unroll_factor = 1 : i64, sc.parallel_access}
      %add3A_144 = arith.constant 32 : i32
      %add3A_145 = arith.addi %add3A_102, %add3A_144 : i32
      %dma_start3A_146 = arith.constant 0 : i32
      %dma_start3A_147 = tpu.memref_slice %arg5[%add3A_145, %dma_start3A_146] : memref<8192x768xf32, #tpu.memory_space<hbm>> -> memref<32x768xf32, #tpu.memory_space<hbm>>
      %dma_start3A_148 = arith.constant 0 : i32
      %dma_start3A_149 = tpu.memref_slice %arg5[%add3A_145, %dma_start3A_148] : memref<8192x768xf32, #tpu.memory_space<hbm>> -> memref<32x768xf32, #tpu.memory_space<hbm>>
      tpu.enqueue_dma source(%arg9 : memref<32x768xf32, #tpu.memory_space<vmem>>) target(%dma_start3A_149 : memref<32x768xf32, #tpu.memory_space<hbm>>) target_semaphore(%arg15 : memref<!tpu.dma_semaphore, #tpu.memory_space<semaphore_mem>>)
    }
    %scan3A_86 = arith.constant 4 : i32
    %dma_wait3A_87 = arith.constant 0 : i32
    %dma_wait3A_88 = arith.constant 0 : i32
    %dma_wait3A_89 = tpu.memref_slice %arg5[%dma_wait3A_87, %dma_wait3A_88] : memref<8192x768xf32, #tpu.memory_space<hbm>> -> memref<32x768xf32, #tpu.memory_space<hbm>>
    %dma_wait3A_90 = arith.constant 0 : i32
    %dma_wait3A_91 = arith.constant 0 : i32
    %dma_wait3A_92 = tpu.memref_slice %arg5[%dma_wait3A_90, %dma_wait3A_91] : memref<8192x768xf32, #tpu.memory_space<hbm>> -> memref<32x768xf32, #tpu.memory_space<hbm>>
    tpu.wait_dma2 semaphore(%arg14 : memref<!tpu.dma_semaphore, #tpu.memory_space<semaphore_mem>>) src(%arg8 : memref<32x768xf32, #tpu.memory_space<vmem>>) dst(%dma_wait3A_92 : memref<32x768xf32, #tpu.memory_space<hbm>>)
    %dma_wait3A_93 = arith.constant 0 : i32
    %dma_wait3A_94 = arith.constant 0 : i32
    %dma_wait3A_95 = tpu.memref_slice %arg5[%dma_wait3A_93, %dma_wait3A_94] : memref<8192x768xf32, #tpu.memory_space<hbm>> -> memref<32x768xf32, #tpu.memory_space<hbm>>
    %dma_wait3A_96 = arith.constant 0 : i32
    %dma_wait3A_97 = arith.constant 0 : i32
    %dma_wait3A_98 = tpu.memref_slice %arg5[%dma_wait3A_96, %dma_wait3A_97] : memref<8192x768xf32, #tpu.memory_space<hbm>> -> memref<32x768xf32, #tpu.memory_space<hbm>>
    tpu.wait_dma2 semaphore(%arg15 : memref<!tpu.dma_semaphore, #tpu.memory_space<semaphore_mem>>) src(%arg9 : memref<32x768xf32, #tpu.memory_space<vmem>>) dst(%dma_wait3A_98 : memref<32x768xf32, #tpu.memory_space<hbm>>)
    return
  }
}

</mosaic_0001>

<sc_bundles>
// kernel: _embed.3.cloned.1.call-start
scs
__scs_entry_jumppad:
0x0: {  	(pc) =	sbr.rel $0x88, $3  }
0x1: {  	(tag) =	ssettag $0x0;
	lr =	simm.s32 $0x1  }
0x2: {  	[smem:$0x3F9E] =	sst lr;
	_ =	strace $0xD0000000  }
0x3: {  	_ = 	snop  }
0x4: {  	_ = 	snop  }
0x5: {  	_ = 	snop  }
0x6: {  	_ = 	snop  }
0x7: {  	_ = 	snop  }
__scs_overlays_trampoline_lowered:
0x8: {  	[smem:$0x3FAD] =	sst s0  }
0x9: {  	[smem:$0x3FAE] =	sst s1  }
0xa: {  	[smem:$0x3FAF] =	sst s2  }
0xb: {  	[smem:$0x3FB0] =	sst s3  }
0xc: {  	[smem:$0x3FB1] =	sst s4  }
0xd: {  	[smem:$0x3FB2] =	sst s5  }
0xe: {  	[smem:$0x3FB3] =	sst s6  }
0xf: {  	[smem:$0x3FB4] =	sst s7  }
0x10: {  	[smem:$0x3FB5] =	sst s8  }
0x11: {  	[smem:$0x3FB6] =	sst s9;
	s0 =	simm.s32 @!p0 $0x0  }
0x12: {  	s1 =	sld [smem:$0x3F9C];
	s0 =	simm.s32 @p0 $0x1  }
0x13: {  	[smem:$0x3FB7] =	sst s0;
	s0 =	simm.s32 @!p1 $0x0  }
0x14: {  	s2 =	sld [smem:$0x3F9B];
	s0 =	simm.s32 @p1 $0x1  }
0x15: {  	[smem:$0x3FB8] =	sst s0;
	s0 =	simm.s32 @!p2 $0x0  }
0x16: {  	s3 =	sld [smem:$0x3FDB];
	s0 =	simm.s32 @p2 $0x1  }
0x17: {  	s4 =	simm.s32 $0x1BF5;
	[smem:$0x3FBA] =	sst s0  }
0x18: {  	s0 =	sld [smem:$0x3F9D];
	_ =	swait.ge [sflag:s4], $0x0  }
0x19: {  	s7 =	sld [smem:$0x3F9E]  }
0x1a: {  	s8 =	sadd.s32 $0xFFFFE003, lr  }
0x1b: {  	s9 =	sadd.s32 $0xFFFFFEF7, lr;
	s5 =	simm.s32 $0xFFFFFFFF;
	p2 =	slt.u32 s8, $0xFFFFF086  }
0x1c: {  	p1 =	slt.u32 s9, $0xF7A;
	s5 =	simm.s32 @!p2 $0x0  }
0x1d: {  	s5 =	simm.s32 @p1 $0x1;
	p0 =	seq.s32 s7, s2  }
0x1e: {  	s7 =	smul.u32 @!p0 $0xF7A, s2;
	p2 =	seq.s32 @!p0 s5, $0x0  }
0x1f: {  	s9 =	smul.u32 $0xF7A, s1;
	s8 =	simm.s32 @!p0 $0x1BF5;
	p2 =	por !p2, p0  }
0x20: {  	[sflag:s8] =	ssyncset.s32 @!p0 $0xFFFFF086;
	s6 =	sadd.s32 @!p0 s3, s7;
	s7 =	simm.s32 @!p0 $0x108  }
0x21: {  	s3 =	sadd.s32 s3, s9;
	s6 =	sadd.s32 @!p0 $0x88, s6;
	s7 =	simm.s32 @p2 $0x1082  }
0x22: {  	[simem:s7], [sflag:s8] =	dma.local @!p0 [hbm:s6], $0xF7A  }
0x23: {  	s9 =	sor.u32 $0xD0000000, s2;
	s6 =	simm.s32 $0x108;
	_ =	swait.ge @!p0 [sflag:s8], $0x0  }
0x24: {  	s3 =	sadd.s32 $0x88, s3;
	s6 =	simm.s32 @!p1 $0x1082;
	[sflag:s4] =	ssyncset.s32 $0xFFFFF086  }
0x25: {  	[simem:s6], [sflag:s4] =	dma.local [hbm:s3], $0xF7A  }
0x26: {  	[smem:$0x3F9E] =	sst s1;
	(tag) =	ssettag s2;
	_ =	strace s9  }
0x27: {  	s1 =	sld [smem:$0x3FAE]  }
0x28: {  	s2 =	sld [smem:$0x3FAF]  }
0x29: {  	s4 =	sld [smem:$0x3FB1]  }
0x2a: {  	p0 =	seq.s32 s5, $0x0;
	s5 =	sld [smem:$0x3FB2]  }
0x2b: {  	s6 =	sld [smem:$0x3FB3]  }
0x2c: {  	s7 =	sld [smem:$0x3FB4]  }
0x2d: {  	s3 =	simm.s32 $0x108;
	s8 =	sld [smem:$0x3FB5]  }
0x2e: {  	s3 =	simm.s32 @!p0 $0x1082;
	s9 =	sld [smem:$0x3FB6]  }
0x2f: {  	lr =	sadd.s32 s0, s3;
	s0 =	sld [smem:$0x3FAD]  }
0x30: {  	s3 =	sld [smem:$0x3FB0]  }
0x31: {  	[smem:$0x3FB9] =	sst s10  }
0x32: {  	s10 =	sld [smem:$0x3FB7];
	_ =	sdelay $0x3  }
0x33: {  	p0 =	seq.s32 s10, $0x1;
	s10 =	sld [smem:$0x3FB9];
	_ =	sdelay $0x3  }
0x34: {  	[smem:$0x3FB9] =	sst s10  }
0x35: {  	s10 =	sld [smem:$0x3FB8];
	_ =	sdelay $0x3  }
0x36: {  	p1 =	seq.s32 s10, $0x1;
	s10 =	sld [smem:$0x3FB9];
	_ =	sdelay $0x3  }
0x37: {  	[smem:$0x3FB9] =	sst s10  }
0x38: {  	s10 =	sld [smem:$0x3FBA]  }
0x39: {  	_ = 	snop;
	(pc) =	sbr.ind lr, $3  }
0x3a: {  	_ = 	snop  }
0x3b: {  	_ = 	snop  }
0x3c: {  	p2 =	seq.s32 s10, $0x1;
	s10 =	sld [smem:$0x3FB9]  }
0x3d: {  	_ =	shalt  }
0x3e: {  	_ =	shalt  }
0x3f: {  	_ =	shalt  }
0x40: {  	_ =	shalt  }
0x41: {  	_ =	shalt  }
0x42: {  	_ =	shalt  }
0x43: {  	_ =	shalt  }
0x44: {  	_ =	shalt  }
0x45: {  	_ =	shalt  }
0x46: {  	_ =	shalt  }
0x47: {  	_ =	shalt  }
0x48: {  	_ =	shalt  }
0x49: {  	_ =	shalt  }
0x4a: {  	_ =	shalt  }
0x4b: {  	_ =	shalt  }
0x4c: {  	_ =	shalt  }
0x4d: {  	_ =	shalt  }
0x4e: {  	_ =	shalt  }
0x4f: {  	_ =	shalt  }
0x50: {  	_ =	shalt  }
0x51: {  	_ =	shalt  }
0x52: {  	_ =	shalt  }
0x53: {  	_ =	shalt  }
0x54: {  	_ =	shalt  }
0x55: {  	_ =	shalt  }
0x56: {  	_ =	shalt  }
0x57: {  	_ =	shalt  }
0x58: {  	_ =	shalt  }
0x59: {  	_ =	shalt  }
0x5a: {  	_ =	shalt  }
0x5b: {  	_ =	shalt  }
0x5c: {  	_ =	shalt  }
0x5d: {  	_ =	shalt  }
0x5e: {  	_ =	shalt  }
0x5f: {  	_ =	shalt  }
0x60: {  	_ =	shalt  }
0x61: {  	_ =	shalt  }
0x62: {  	_ =	shalt  }
0x63: {  	_ =	shalt  }
0x64: {  	_ =	shalt  }
0x65: {  	_ =	shalt  }
0x66: {  	_ =	shalt  }
0x67: {  	_ =	shalt  }
0x68: {  	_ =	shalt  }
0x69: {  	_ =	shalt  }
0x6a: {  	_ =	shalt  }
0x6b: {  	_ =	shalt  }
0x6c: {  	_ =	shalt  }
0x6d: {  	_ =	shalt  }
0x6e: {  	_ =	shalt  }
0x6f: {  	_ =	shalt  }
0x70: {  	_ =	shalt  }
0x71: {  	_ =	shalt  }
0x72: {  	_ =	shalt  }
0x73: {  	_ =	shalt  }
0x74: {  	_ =	shalt  }
0x75: {  	_ =	shalt  }
0x76: {  	_ =	shalt  }
0x77: {  	_ =	shalt  }
0x78: {  	_ =	shalt  }
0x79: {  	_ =	shalt  }
0x7a: {  	_ =	shalt  }
0x7b: {  	_ =	shalt  }
0x7c: {  	_ =	shalt  }
0x7d: {  	_ =	shalt  }
0x7e: {  	_ =	shalt  }
0x7f: {  	_ =	shalt  }
0x80: {  	_ =	shalt  }
0x81: {  	_ =	shalt  }
0x82: {  	_ =	shalt  }
0x83: {  	_ =	shalt  }
0x84: {  	_ =	shalt  }
0x85: {  	_ =	shalt  }
0x86: {  	_ =	shalt  }
0x87: {  	_ =	shalt  }
.Lfunc_end0:
.L_simem_size_0:
called_computation_lowered:
.L_overlay_start_0:
0x88: {  	s2 =	sld [smem:$0x3FD9]  }
0x89: {  	s3 =	sld [smem:$0x3FFE];
	_ =	sdelay $0x1  }
0x8a: {  	s1 =	srdreg.scid  }
0x8b: {  	s0 =	sand.u32 $0x1, s1  }
0x8c: {  	s18 =	sshll.u32 s0, $0xA;
	s2 =	sadd.s32 s3, s2  }
0x8d: {  	s2 =	sadd.s32 s2, s18  }
0x8e: {  	[smem:$0x3FC5] =	sst s2  }
0x8f: {  	_ = 	snop  }
0x90: {  	s2 =	sld [smem:$0x3FC9]  }
0x91: {  	s19 =	sld [smem:$0x3FC8]  }
0x92: {  	s4 =	sld [smem:$0x3FC7]  }
0x93: {  	s5 =	sld [smem:$0x3FD0];
	(tm) =	ssettm $0x1  }
0x94: {  	s6 =	sld [smem:$0x3FFB];
	_ =	sdelay $0x3  }
0x95: {  	_ =	strace s6  }
0x96: {  	s6 =	sld [smem:$0x3FFC];
	_ =	sdelay $0x3  }
0x97: {  	_ =	strace s6  }
0x98: {  	s6 =	sld [smem:$0x3FFD];
	_ =	sdelay $0x3  }
0x99: {  	_ =	strace s6  }
0x9a: {  	_ =	strace $0x8FFFFFFF  }
0x9b: {  	s20 =	sld [smem:$0x3FDB];
	_ =	sdelay $0x1  }
0x9c: {  	s7 =	simm.s32 $_scs_section_size  }
0x9d: {  	s8 =	simm.s32 $_size__tile_overlayer_lowered;
	s9 =	simm.s32 $_tile_overlayer_lowered  }
0x9e: {  	s23 =	simm.s32 $0x1BFF;
	s22 =	sshll.u32 s9, $0x1;
	s6 =	sadd.s32 s7, s20  }
0x9f: {  	s10 =	simm.s32 $0x0;
	s21 =	sshll.u32 s8, $0x1;
	s8 =	sadd.s32 s22, s6  }
0xa0: {  	[timem:s10], [sflag:s23] =	dma.local [hbm:s8], s21  }
0xa1: {  	_ =	swait.ge [sflag:s23], s21  }
0xa2: {  	s7 =	ssub.s32 $0x0, s21;
	[sflag:s23] =	ssyncset.done $0x0  }
0xa3: {  	[sflag:s23] =	ssyncadd.s32 s7;
	_ =	sdelay $0x1  }
0xa4: {  	s24 =	simm.s32 $0x1B8B  }
0xa5: {  	_ =	swait.ge [sflag:s24], $0x1  }
0xa6: {  	[sflag:s24] =	ssyncset.done $0x0  }
0xa7: {  	s25 =	simm.s32 $0x1B8E;
	[sflag:s24] =	ssyncadd.s32 $0xFFFFFFFF  }
0xa8: {  	s26 =	simm.s32 $execute0_lowered;
	[smem:$0x3FD2] =	sst s25  }
0xa9: {  	s7 =	sshll.u32 s26, $0x1;
	_ =	strace $0x80000046;
	[dreg:$0x1] =	wrdreg $0xFFFFFFFF  }
0xaa: {  	s28 =	simm.s32 $_size_execute0_lowered;
	s6 =	sadd.s32 s6, s7;
	[dreg:$0x0] =	wrdreg $0x0  }
0xab: {  	s7 =	sshll.u32 s28, $0x1;
	[dreg:$0x2] =	wrdreg s6  }
0xac: {  	[dreg:$0x3] =	wrdreg s7  }
0xad: {  	[dreg:$0x4] =	wrdreg $0xC0  }
0xae: {  	_ =	task [dreg:s10], $0x5FFFF  }
0xaf: {  	[dreg:$0x1] =	wrdreg $0xFFFFFFFF  }
0xb0: {  	[dreg:$0x0] =	wrdreg $0x60  }
0xb1: {  	[dreg:$0x2] =	wrdreg s2  }
0xb2: {  	[dreg:$0x3] =	wrdreg s19  }
0xb3: {  	[dreg:$0x4] =	wrdreg s4  }
0xb4: {  	[dreg:$0x5] =	wrdreg s5  }
0xb5: {  	[dreg:$0x6] =	wrdreg $0x9  }
0xb6: {  	_ =	task.clear_ibuf [dreg:s10], $0x7FFFF;
	_ =	strace $0x90000046  }
0xb7: {  	s29 =	simm.s32 $0x9;
	_ =	strace $0x80000048  }
0xb8: {  	_ =	swait.ge [sflag:s29], $0x1  }
0xb9: {  	[sflag:s29] =	ssyncadd.s32 $0xFFFFFFFF  }
0xba: {  	_ =	strace $0x90000048  }
0xbb: {  	_ =	sfence  }
0xbc: {  	s30 =	sld [smem:$0x0];
	_ =	sdelay $0x2  }
0xbd: {  	s31 =	sshll.u32 s1, $0xD;
	s1 =	sshrl.u32 s1, $0x2  }
0xbe: {  	s3 =	sand.u32 $0x4000, s31;
	s1 =	sadd.s32 s1, s30  }
0xbf: {  	s0 =	sor.u32 s3, s0;
	s1 =	sshll.u32 s1, $0x11  }
0xc0: {  	s0 =	sor.u32 s1, s0  }
0xc1: {  	s0 =	sadd.s32 $0x8F2B, s0  }
0xc2: {  	[sflag:s0] =	ssyncadd.remote.s32 $0x1  }
0xc3: {  	_ =	sfence.sel $0xFFFF  }
0xc4: {  	[dreg:$0x0] =	wrdreg $0xFFFFFFFF;
	(pc) =	sbr.abs _section_cstart, $3  }
0xc5: {  	[dreg:$0x1] =	wrdreg $0xFFFFFFFF  }
0xc6: {  	_ =	task.clear_ibuf [dreg:s10], $0x2FFFF;
	_ =	strace $0x9FFFFFFF  }
0xc7: {  	(tm) =	ssettm $0x7FFFFFFF  }
tec
execute0_lowered:
.L_overlay_start_1:
0x0: {  	(tag) =	ssettag $0x1  }
0x1: {  	s0 =	rddreg [dreg:$0x0]  }
0x2: {  	s1 =	rddreg [dreg:$0x1];
	s2 =	srdreg.scid  }
0x3: {  	s6 =	rddreg [dreg:$0x2];
	s4 =	stileid.u32  }
0x4: {  	s3 =	rddreg [dreg:$0x3];
	s19 =	simm.s32 $0xC100;
	s16 =	simm.s32 $0x14100  }
0x5: {  	s17 =	simm.s32 $0x14900;
	s20 =	simm.s32 $0x15100;
	s21 =	simm.s32 $0x15900  }
0x6: {  	s22 =	simm.s32 $0x16100;
	s28 =	simm.s32 $0x4;
	s2 =	sand.u32 $0x1, s2  }
0x7: {  	s5 =	sshll.u32 s4, $0x7;
	s4 =	simm.s32 $0x0;
	s11 =	sadd.s32 $0x100, s1  }
0x8: {  	s12 =	sadd.s32 $0x200, s1;
	s7 =	sshll.u32 s2, $0x6;
	[smem:$0x7FF] =	sst s4  }
0x9: {  	s2 =	ssub.s32 $0x2, s2;
	s5 =	sor.u32 s7, s5;
	_ =	strace $0x80000047  }
0xa: {  	s9 =	sshrl.u32 s2, $0x1;
	s8 =	sshll.u32 s5, $0x2;
	s25 =	sshrl.u32 s5, $0x3  }
0xb: {  	s2 =	ssub.s32 s2, s9;
	s10 =	sand.u32 $0x1E00, s8;
	s9 =	smul.u32 $0x300, s25  }
0xc: {  	s31 =	smax.u32 s2, $0x1;
	s2 =	simm.s32 $0x12100;
	s25 =	simm.s32 $0x17900  }
0xd: {  	s23 =	sor.u32 s7, s10;
	s7 =	sor.u32 s7, s8;
	[dreg:$0xa] =	wrdreg s31  }
0xe: {  	s24 =	sshrl.u32 s23, $0x3;
	s7 =	sshrl.u32 s7, $0x3;
	s30 =	sadd.s32 s6, s9  }
0xf: {  	s23 =	simm.s32 $0x16900;
	s26 =	sadd.s32 s0, s24;
	[dreg:$0x9] =	wrdreg s30  }
0x10: {  	s29 =	sor.u32 $0x20, s7;
	[dreg:$0x5] =	wrdreg s26;
	s10 =	sadd.s32 $0x10, s26  }
0x11: {  	v2 =	vlaneseq.u32;
	s7 =	sor.u32 $0x30, s7;
	s8 =	sadd.s32 s0, s29;
	[dreg:$0x6] =	wrdreg s10  }
0x12: {  	vm0 =	vmmov $0xffff;
	v1 =	vshrl.u32 v2, $0x3;
	s24 =	simm.s32 $0x17100;
	s0 =	sadd.s32 s0, s7;
	[dreg:$0x7] =	wrdreg s8  }
0x13: {  	v0 =	vand.u32 $0x7, v2;
	v2 =	vor.u32 $0x8, v2;
	v1 =	vmul.u32 $0x8, v1;
	s26 =	simm.s32 $0x3;
	s7 =	simm.s32 $0x0;
	[dreg:$0x8] =	wrdreg s0  }
.LBB2_1:
0x14: {  	[dreg:$0xb] =	wrdreg s7  }
0x15: {  	s0 =	rddreg [dreg:$0x5]  }
0x16: {  	[tilespmem:s4], [sflag:$0x1] =	stream.linear.gather [hbm4b:s0+s4], $0x40, $0x38;
	[tilespmem:$0x18100] =	vst v63  }
0x17: {  	s13 =	rddreg [dreg:$0x6];
	s6 =	simm.s32 $0x40  }
0x18: {  	[tilespmem:s6], [sflag:$0x1] =	stream.linear.gather [hbm4b:s13+s4], $0x40, $0x38;
	[tilespmem:$0x18100] =	vst v63  }
0x19: {  	s14 =	rddreg [dreg:$0x7];
	s15 =	simm.s32 $0x80  }
0x1a: {  	[tilespmem:s15], [sflag:$0x1] =	stream.linear.gather [hbm4b:s14+s4], $0x40, $0x38;
	[tilespmem:$0x18100] =	vst v63  }
0x1b: {  	s18 =	rddreg [dreg:$0x8];
	s29 =	simm.s32 $0xC0  }
0x1c: {  	[tilespmem:s29], [sflag:$0x1] =	stream.linear.gather [hbm4b:s18+s4], $0x40, $0x38;
	[tilespmem:$0x18100] =	vst v63  }
0x1d: {  	s30 =	rddreg [dreg:$0x9];
	s31 =	simm.s32 $0x100;
	s0 =	simm.s32 $0x1  }
0x1e: {  	[tilespmem:s31], [sflag:$0x2] =	stream.linear.gather [hbm4b:s30+s4], $0xC000, $0x38;
	[tilespmem:$0x18100] =	vst v63  }
0x1f: {  	_ =	swait.ge [sflag:s0], $0x40  }
0x20: {  	[sflag:s0] =	ssyncset.done $0x0  }
0x21: {  	[sflag:s0] =	ssyncadd.s32 $0xFFFFFFC0  }
0x22: {  	v3 =	vld [tilespmem:$0x0];
	_ =	sdelay $0x4  }
0x23: {  	v4 =	vshrl.u32 v3, $0x3  }
0x24: {  	v4 =	vmul.u32 $0x30, v4  }
0x25: {  	v3 =	vand.u32 $0x7, v3  }
0x26: {  	v3 =	vor.u32 v3, v4  }
0x27: {  	v4 =	vperm.xlane v3, v0;
	_ =	sdelay $0x1  }
0x28: {  	v4 =	vadd.s32 v1, v4;
	_ =	sdelay $0x3  }
0x29: {  	v3 =	vperm.xlane v3, v2  }
0x2a: {  	[tilespmem:s19], [sflag:$0x3] =	stream.indirect_vreg.gather [hbm4b:s1+s4], $0x80, v4, vm0, $0xb8;
	[tilespmem:$0x18100] =	vst v63  }
0x2b: {  	s7 =	simm.s32 $0xC900;
	v3 =	vadd.s32 v1, v3  }
0x2c: {  	[tilespmem:s7], [sflag:$0x3] =	stream.indirect_vreg.gather [hbm4b:s11+s4], $0x80, v4, vm0, $0xb8;
	[tilespmem:$0x18100] =	vst v63  }
0x2d: {  	s8 =	simm.s32 $0xD100  }
0x2e: {  	[tilespmem:s8], [sflag:$0x3] =	stream.indirect_vreg.gather [hbm4b:s12+s4], $0x80, v4, vm0, $0xb8;
	[tilespmem:$0x18100] =	vst v63  }
0x2f: {  	s9 =	simm.s32 $0xD900  }
0x30: {  	[tilespmem:s9], [sflag:$0x3] =	stream.indirect_vreg.gather [hbm4b:s1+s4], $0x80, v3, vm0, $0xb8;
	[tilespmem:$0x18100] =	vst v63  }
0x31: {  	s10 =	simm.s32 $0xE100  }
0x32: {  	[tilespmem:s10], [sflag:$0x3] =	stream.indirect_vreg.gather [hbm4b:s11+s4], $0x80, v3, vm0, $0xb8;
	[tilespmem:$0x18100] =	vst v63  }
0x33: {  	s13 =	simm.s32 $0xE900  }
0x34: {  	[tilespmem:s13], [sflag:$0x3] =	stream.indirect_vreg.gather [hbm4b:s12+s4], $0x80, v3, vm0, $0xb8;
	[tilespmem:$0x18100] =	vst v63  }
0x35: {  	v3 =	vld [tilespmem:$0x10];
	_ =	sdelay $0x4  }
0x36: {  	v63 =	vshrl.u32 v3, $0x3  }
0x37: {  	v4 =	vmul.u32 $0x30, v63  }
0x38: {  	v3 =	vand.u32 $0x7, v3  }
0x39: {  	v3 =	vor.u32 v3, v4  }
0x3a: {  	v4 =	vperm.xlane v3, v0;
	_ =	sdelay $0x1  }
0x3b: {  	v4 =	vadd.s32 v1, v4;
	_ =	sdelay $0x3  }
0x3c: {  	s14 =	simm.s32 $0xF100;
	v3 =	vperm.xlane v3, v2  }
0x3d: {  	[tilespmem:s14], [sflag:$0x3] =	stream.indirect_vreg.gather [hbm4b:s1+s4], $0x80, v4, vm0, $0xb8;
	[tilespmem:$0x18100] =	vst v63  }
0x3e: {  	s15 =	simm.s32 $0xF900;
	v3 =	vadd.s32 v1, v3  }
0x3f: {  	[tilespmem:s15], [sflag:$0x3] =	stream.indirect_vreg.gather [hbm4b:s11+s4], $0x80, v4, vm0, $0xb8;
	[tilespmem:$0x18100] =	vst v63  }
0x40: {  	s18 =	simm.s32 $0x10100  }
0x41: {  	[tilespmem:s18], [sflag:$0x3] =	stream.indirect_vreg.gather [hbm4b:s12+s4], $0x80, v4, vm0, $0xb8;
	[tilespmem:$0x18100] =	vst v63  }
0x42: {  	s29 =	simm.s32 $0x10900  }
0x43: {  	[tilespmem:s29], [sflag:$0x3] =	stream.indirect_vreg.gather [hbm4b:s1+s4], $0x80, v3, vm0, $0xb8;
	[tilespmem:$0x18100] =	vst v63  }
0x44: {  	s30 =	simm.s32 $0x11100  }
0x45: {  	[tilespmem:s30], [sflag:$0x3] =	stream.indirect_vreg.gather [hbm4b:s11+s4], $0x80, v3, vm0, $0xb8;
	[tilespmem:$0x18100] =	vst v63  }
0x46: {  	s31 =	simm.s32 $0x11900  }
0x47: {  	[tilespmem:s31], [sflag:$0x3] =	stream.indirect_vreg.gather [hbm4b:s12+s4], $0x80, v3, vm0, $0xb8;
	[tilespmem:$0x18100] =	vst v63  }
0x48: {  	_ =	swait.ge [sflag:s0], $0x40  }
0x49: {  	[sflag:s0] =	ssyncset.done $0x0  }
0x4a: {  	[sflag:s0] =	ssyncadd.s32 $0xFFFFFFC0  }
0x4b: {  	_ =	swait.ge [sflag:s0], $0x40  }
0x4c: {  	[sflag:s0] =	ssyncset.done $0x0  }
0x4d: {  	[sflag:s0] =	ssyncadd.s32 $0xFFFFFFC0  }
0x4e: {  	_ =	swait.ge [sflag:s0], $0x40  }
0x4f: {  	[sflag:s0] =	ssyncset.done $0x0  }
0x50: {  	s7 =	simm.s32 $0x0;
	[sflag:s0] =	ssyncadd.s32 $0xFFFFFFC0  }
.LBB2_2:
0x51: {  	p0 =	seq.s32 s7, $0x0  }
0x52: {  	s0 =	simm.s32 @!p0 $0x6  }
0x53: {  	_ =	swait.ge @!p0 [sflag:s0], $0x6000  }
0x54: {  	s6 =	sshll.u32 s7, $0x6;
	[sflag:s0] =	ssyncset.done @!p0 $0x0  }
0x55: {  	s9 =	sand.u32 $0x3FFFFFC0, s6;
	[sflag:s0] =	ssyncadd.s32 @!p0 $0xFFFFA000  }
0x56: {  	v3 =	vld [tilespmem:s9+$0x20];
	_ =	sdelay $0x4  }
0x57: {  	v4 =	vshrl.u32 v3, $0x3  }
0x58: {  	v4 =	vmul.u32 $0x30, v4  }
0x59: {  	v3 =	vand.u32 $0x7, v3  }
0x5a: {  	v3 =	vor.u32 v3, v4  }
0x5b: {  	v4 =	vperm.xlane v3, v0;
	_ =	sdelay $0x1  }
0x5c: {  	v4 =	vadd.s32 v1, v4;
	_ =	sdelay $0x3  }
0x5d: {  	v3 =	vperm.xlane v3, v2  }
0x5e: {  	[tilespmem:s2], [sflag:$0x4] =	stream.indirect_vreg.gather [hbm4b:s1+s4], $0x80, v4, vm0, $0xb8;
	[tilespmem:$0x18100] =	vst v63  }
0x5f: {  	s18 =	simm.s32 $0x12900;
	v3 =	vadd.s32 v1, v3  }
0x60: {  	[tilespmem:s18], [sflag:$0x4] =	stream.indirect_vreg.gather [hbm4b:s11+s4], $0x80, v4, vm0, $0xb8;
	[tilespmem:$0x18100] =	vst v63  }
0x61: {  	s29 =	simm.s32 $0x13100  }
0x62: {  	[tilespmem:s29], [sflag:$0x4] =	stream.indirect_vreg.gather [hbm4b:s12+s4], $0x80, v4, vm0, $0xb8;
	[tilespmem:$0x18100] =	vst v63  }
0x63: {  	s30 =	simm.s32 $0x13900  }
0x64: {  	[tilespmem:s30], [sflag:$0x4] =	stream.indirect_vreg.gather [hbm4b:s1+s4], $0x80, v3, vm0, $0xb8;
	[tilespmem:$0x18100] =	vst v63  }
0x65: {  	_ = 	snop  }
0x66: {  	[tilespmem:s16], [sflag:$0x4] =	stream.indirect_vreg.gather [hbm4b:s11+s4], $0x80, v3, vm0, $0xb8;
	[tilespmem:$0x18100] =	vst v63  }
0x67: {  	_ = 	snop  }
0x68: {  	[tilespmem:s17], [sflag:$0x4] =	stream.indirect_vreg.gather [hbm4b:s12+s4], $0x80, v3, vm0, $0xb8;
	[tilespmem:$0x18100] =	vst v63  }
0x69: {  	v3 =	vld [tilespmem:s9+$0x30];
	_ =	sdelay $0x4  }
0x6a: {  	v4 =	vshrl.u32 v3, $0x3  }
0x6b: {  	v4 =	vmul.u32 $0x30, v4  }
0x6c: {  	v3 =	vand.u32 $0x7, v3  }
0x6d: {  	v3 =	vor.u32 v3, v4  }
0x6e: {  	v4 =	vperm.xlane v3, v0;
	_ =	sdelay $0x1  }
0x6f: {  	v4 =	vadd.s32 v1, v4;
	_ =	sdelay $0x3  }
0x70: {  	v3 =	vperm.xlane v3, v2  }
0x71: {  	[tilespmem:s20], [sflag:$0x4] =	stream.indirect_vreg.gather [hbm4b:s1+s4], $0x80, v4, vm0, $0xb8;
	[tilespmem:$0x18100] =	vst v63  }
0x72: {  	v3 =	vadd.s32 v1, v3  }
0x73: {  	[tilespmem:s21], [sflag:$0x4] =	stream.indirect_vreg.gather [hbm4b:s11+s4], $0x80, v4, vm0, $0xb8;
	[tilespmem:$0x18100] =	vst v63  }
0x74: {  	_ = 	snop  }
0x75: {  	[tilespmem:s22], [sflag:$0x4] =	stream.indirect_vreg.gather [hbm4b:s12+s4], $0x80, v4, vm0, $0xb8;
	[tilespmem:$0x18100] =	vst v63  }
0x76: {  	_ = 	snop  }
0x77: {  	[tilespmem:s23], [sflag:$0x4] =	stream.indirect_vreg.gather [hbm4b:s1+s4], $0x80, v3, vm0, $0xb8;
	[tilespmem:$0x18100] =	vst v63  }
0x78: {  	_ = 	snop  }
0x79: {  	[tilespmem:s24], [sflag:$0x4] =	stream.indirect_vreg.gather [hbm4b:s11+s4], $0x80, v3, vm0, $0xb8;
	[tilespmem:$0x18100] =	vst v63  }
0x7a: {  	_ = 	snop  }
0x7b: {  	[tilespmem:s25], [sflag:$0x4] =	stream.indirect_vreg.gather [hbm4b:s12+s4], $0x80, v3, vm0, $0xb8;
	[tilespmem:$0x18100] =	vst v63  }
0x7c: {  	_ =	swait.ge [sflag:s26], $0x6000  }
0x7d: {  	p0 =	sne.s32 s7, $0x0;
	[sflag:s26] =	ssyncset.done $0x0  }
0x7e: {  	s8 =	simm.s32 $0x0;
	s0 =	simm.s32 @!p0 $0x2;
	[sflag:s26] =	ssyncadd.s32 $0xFFFFA000  }
0x7f: {  	s6 =	simm.s32 $0x0;
	s8 =	smul.u32 $0x1800, s8;
	_ =	swait.ge @!p0 [sflag:s0], $0xC000  }
0x80: {  	s10 =	sand.u32 $0x380, s6;
	[sflag:s0] =	ssyncset.done @!p0 $0x0  }
0x81: {  	s10 =	sor.u32 s10, s8;
	[sflag:s0] =	ssyncadd.s32 @!p0 $0xFFFF4000  }
0x82: {  	v3 =	vld [tilespmem:s10+$0x1570]  }
0x83: {  	v6 =	vld [tilespmem:s10+$0x100]  }
0x84: {  	v7 =	vld [tilespmem:s10+$0x110]  }
0x85: {  	v8 =	vld [tilespmem:s10+$0x120]  }
0x86: {  	v9 =	vld [tilespmem:s10+$0x130]  }
0x87: {  	v10 =	vld [tilespmem:s10+$0x140]  }
0x88: {  	v11 =	vld [tilespmem:s10+$0x150]  }
0x89: {  	v12 =	vld [tilespmem:s10+$0x160]  }
0x8a: {  	v13 =	vld [tilespmem:s10+$0x170]  }
0x8b: {  	v14 =	vld [tilespmem:s10+$0x500]  }
0x8c: {  	v15 =	vld [tilespmem:s10+$0x510]  }
0x8d: {  	v16 =	vld [tilespmem:s10+$0x520]  }
0x8e: {  	v17 =	vld [tilespmem:s10+$0x530]  }
0x8f: {  	v18 =	vld [tilespmem:s10+$0x540]  }
0x90: {  	v19 =	vld [tilespmem:s10+$0x550]  }
0x91: {  	v20 =	vld [tilespmem:s10+$0x560]  }
0x92: {  	v21 =	vld [tilespmem:s10+$0x570]  }
0x93: {  	v22 =	vld [tilespmem:s10+$0x900]  }
0x94: {  	v23 =	vld [tilespmem:s10+$0x910]  }
0x95: {  	v24 =	vld [tilespmem:s10+$0x920]  }
0x96: {  	v25 =	vld [tilespmem:s10+$0x930]  }
0x97: {  	v26 =	vld [tilespmem:s10+$0x940]  }
0x98: {  	v27 =	vld [tilespmem:s10+$0x950]  }
0x99: {  	v28 =	vld [tilespmem:s10+$0x960]  }
0x9a: {  	v29 =	vld [tilespmem:s10+$0x970]  }
0x9b: {  	v30 =	vld [tilespmem:s10+$0xD00]  }
0x9c: {  	v31 =	vld [tilespmem:s10+$0xD10]  }
0x9d: {  	v32 =	vld [tilespmem:s10+$0xD20]  }
0x9e: {  	v33 =	vld [tilespmem:s10+$0xD30]  }
0x9f: {  	v34 =	vld [tilespmem:s10+$0xD40]  }
0xa0: {  	v35 =	vld [tilespmem:s10+$0xD50]  }
0xa1: {  	v36 =	vld [tilespmem:s10+$0xD60]  }
0xa2: {  	v37 =	vld [tilespmem:s10+$0xD70]  }
0xa3: {  	v38 =	vld [tilespmem:s10+$0x1100]  }
0xa4: {  	v39 =	vld [tilespmem:s10+$0x1110]  }
0xa5: {  	v40 =	vld [tilespmem:s10+$0x1120]  }
0xa6: {  	v41 =	vld [tilespmem:s10+$0x1130]  }
0xa7: {  	v42 =	vld [tilespmem:s10+$0x1140]  }
0xa8: {  	v43 =	vld [tilespmem:s10+$0x1150]  }
0xa9: {  	v44 =	vld [tilespmem:s10+$0x1160]  }
0xaa: {  	v45 =	vld [tilespmem:s10+$0x1170]  }
0xab: {  	v46 =	vld [tilespmem:s10+$0x1500]  }
0xac: {  	v47 =	vld [tilespmem:s10+$0x1510]  }
0xad: {  	v48 =	vld [tilespmem:s10+$0x1520]  }
0xae: {  	v49 =	vld [tilespmem:s10+$0x1530]  }
0xaf: {  	v5 =	vld [tilespmem:s10+$0x1540]  }
0xb0: {  	v4 =	vld [tilespmem:s10+$0x1550]  }
0xb1: {  	[tilespmem:s10+$0xD570] =	vst.add.f32.msk $0xffff, v3  }
0xb2: {  	v3 =	vld [tilespmem:s10+$0x1560]  }
0xb3: {  	[tilespmem:s10+$0xC100] =	vst.add.f32.msk $0xffff, v6  }
0xb4: {  	[tilespmem:s10+$0xC110] =	vst.add.f32.msk $0xffff, v7  }
0xb5: {  	[tilespmem:s10+$0xC120] =	vst.add.f32.msk $0xffff, v8  }
0xb6: {  	[tilespmem:s10+$0xC130] =	vst.add.f32.msk $0xffff, v9  }
0xb7: {  	[tilespmem:s10+$0xC140] =	vst.add.f32.msk $0xffff, v10  }
0xb8: {  	[tilespmem:s10+$0xC150] =	vst.add.f32.msk $0xffff, v11  }
0xb9: {  	[tilespmem:s10+$0xC160] =	vst.add.f32.msk $0xffff, v12  }
0xba: {  	[tilespmem:s10+$0xC170] =	vst.add.f32.msk $0xffff, v13  }
0xbb: {  	[tilespmem:s10+$0xC500] =	vst.add.f32.msk $0xffff, v14  }
0xbc: {  	[tilespmem:s10+$0xC510] =	vst.add.f32.msk $0xffff, v15  }
0xbd: {  	[tilespmem:s10+$0xC520] =	vst.add.f32.msk $0xffff, v16  }
0xbe: {  	[tilespmem:s10+$0xC530] =	vst.add.f32.msk $0xffff, v17  }
0xbf: {  	[tilespmem:s10+$0xC540] =	vst.add.f32.msk $0xffff, v18  }
0xc0: {  	[tilespmem:s10+$0xC550] =	vst.add.f32.msk $0xffff, v19  }
0xc1: {  	[tilespmem:s10+$0xC560] =	vst.add.f32.msk $0xffff, v20  }
0xc2: {  	[tilespmem:s10+$0xC570] =	vst.add.f32.msk $0xffff, v21  }
0xc3: {  	[tilespmem:s10+$0xC900] =	vst.add.f32.msk $0xffff, v22  }
0xc4: {  	[tilespmem:s10+$0xC910] =	vst.add.f32.msk $0xffff, v23  }
0xc5: {  	[tilespmem:s10+$0xC920] =	vst.add.f32.msk $0xffff, v24  }
0xc6: {  	[tilespmem:s10+$0xC930] =	vst.add.f32.msk $0xffff, v25  }
0xc7: {  	[tilespmem:s10+$0xC940] =	vst.add.f32.msk $0xffff, v26  }
0xc8: {  	[tilespmem:s10+$0xC950] =	vst.add.f32.msk $0xffff, v27  }
0xc9: {  	[tilespmem:s10+$0xC960] =	vst.add.f32.msk $0xffff, v28  }
0xca: {  	[tilespmem:s10+$0xC970] =	vst.add.f32.msk $0xffff, v29  }
0xcb: {  	[tilespmem:s10+$0xCD00] =	vst.add.f32.msk $0xffff, v30  }
0xcc: {  	[tilespmem:s10+$0xCD10] =	vst.add.f32.msk $0xffff, v31  }
0xcd: {  	[tilespmem:s10+$0xCD20] =	vst.add.f32.msk $0xffff, v32  }
0xce: {  	[tilespmem:s10+$0xCD30] =	vst.add.f32.msk $0xffff, v33  }
0xcf: {  	[tilespmem:s10+$0xCD40] =	vst.add.f32.msk $0xffff, v34  }
0xd0: {  	[tilespmem:s10+$0xCD50] =	vst.add.f32.msk $0xffff, v35  }
0xd1: {  	[tilespmem:s10+$0xCD60] =	vst.add.f32.msk $0xffff, v36  }
0xd2: {  	[tilespmem:s10+$0xCD70] =	vst.add.f32.msk $0xffff, v37  }
0xd3: {  	[tilespmem:s10+$0xD100] =	vst.add.f32.msk $0xffff, v38  }
0xd4: {  	[tilespmem:s10+$0xD110] =	vst.add.f32.msk $0xffff, v39  }
0xd5: {  	[tilespmem:s10+$0xD120] =	vst.add.f32.msk $0xffff, v40  }
0xd6: {  	[tilespmem:s10+$0xD130] =	vst.add.f32.msk $0xffff, v41  }
0xd7: {  	[tilespmem:s10+$0xD140] =	vst.add.f32.msk $0xffff, v42  }
0xd8: {  	[tilespmem:s10+$0xD150] =	vst.add.f32.msk $0xffff, v43  }
0xd9: {  	[tilespmem:s10+$0xD160] =	vst.add.f32.msk $0xffff, v44  }
0xda: {  	[tilespmem:s10+$0xD170] =	vst.add.f32.msk $0xffff, v45  }
0xdb: {  	[tilespmem:s10+$0xD500] =	vst.add.f32.msk $0xffff, v46  }
0xdc: {  	[tilespmem:s10+$0xD510] =	vst.add.f32.msk $0xffff, v47  }
0xdd: {  	s31 =	sshll.u32 s7, $0xB;
	[tilespmem:s10+$0xD520] =	vst.add.f32.msk $0xffff, v48  }
0xde: {  	s13 =	simm.s32 $0x2;
	s8 =	sor.u32 s5, s31;
	s0 =	simm.s32 $0x0;
	[tilespmem:s10+$0xD530] =	vst.add.f32.msk $0xffff, v49  }
.LBB2_3:
0xdf: {  	p0 =	sne.s32 s13, $0x1F;
	s0 =	smul.u32 $0x1800, s0;
	[tilespmem:s10+$0xD540] =	vst.add.f32.msk $0xffff, v5;
	s6 =	sadd.s32 $0x80, s6  }
0xe0: {  	s18 =	sand.u32 $0x380, s6;
	[tilespmem:s10+$0xD550] =	vst.add.f32.msk $0xffff, v4  }
0xe1: {  	[tilespmem:s10+$0xD560] =	vst.add.f32.msk $0xffff, v3;
	s10 =	sor.u32 s18, s0  }
0xe2: {  	v3 =	vld [tilespmem:s10+$0x1570]  }
0xe3: {  	v6 =	vld [tilespmem:s10+$0x100]  }
0xe4: {  	v7 =	vld [tilespmem:s10+$0x110]  }
0xe5: {  	v8 =	vld [tilespmem:s10+$0x120]  }
0xe6: {  	v9 =	vld [tilespmem:s10+$0x130]  }
0xe7: {  	[tilespmem:s10+$0xD570] =	vst.add.f32.msk $0xffff, v3  }
0xe8: {  	v10 =	vld [tilespmem:s10+$0x140]  }
0xe9: {  	v11 =	vld [tilespmem:s10+$0x150]  }
0xea: {  	v12 =	vld [tilespmem:s10+$0x160]  }
0xeb: {  	v13 =	vld [tilespmem:s10+$0x170]  }
0xec: {  	v14 =	vld [tilespmem:s10+$0x500]  }
0xed: {  	v15 =	vld [tilespmem:s10+$0x510]  }
0xee: {  	v16 =	vld [tilespmem:s10+$0x520]  }
0xef: {  	v17 =	vld [tilespmem:s10+$0x530]  }
0xf0: {  	v18 =	vld [tilespmem:s10+$0x540]  }
0xf1: {  	v19 =	vld [tilespmem:s10+$0x550]  }
0xf2: {  	v20 =	vld [tilespmem:s10+$0x560]  }
0xf3: {  	v21 =	vld [tilespmem:s10+$0x570]  }
0xf4: {  	v22 =	vld [tilespmem:s10+$0x900]  }
0xf5: {  	v23 =	vld [tilespmem:s10+$0x910]  }
0xf6: {  	v24 =	vld [tilespmem:s10+$0x920]  }
0xf7: {  	v25 =	vld [tilespmem:s10+$0x930]  }
0xf8: {  	v26 =	vld [tilespmem:s10+$0x940]  }
0xf9: {  	v27 =	vld [tilespmem:s10+$0x950]  }
0xfa: {  	v28 =	vld [tilespmem:s10+$0x960]  }
0xfb: {  	v29 =	vld [tilespmem:s10+$0x970]  }
0xfc: {  	v30 =	vld [tilespmem:s10+$0xD00]  }
0xfd: {  	v31 =	vld [tilespmem:s10+$0xD10]  }
0xfe: {  	v32 =	vld [tilespmem:s10+$0xD20]  }
0xff: {  	v33 =	vld [tilespmem:s10+$0xD30]  }
0x100: {  	v34 =	vld [tilespmem:s10+$0xD40]  }
0x101: {  	v35 =	vld [tilespmem:s10+$0xD50]  }
0x102: {  	v36 =	vld [tilespmem:s10+$0xD60]  }
0x103: {  	v37 =	vld [tilespmem:s10+$0xD70]  }
0x104: {  	v38 =	vld [tilespmem:s10+$0x1100]  }
0x105: {  	v39 =	vld [tilespmem:s10+$0x1110]  }
0x106: {  	v40 =	vld [tilespmem:s10+$0x1120]  }
0x107: {  	v41 =	vld [tilespmem:s10+$0x1130]  }
0x108: {  	v42 =	vld [tilespmem:s10+$0x1140]  }
0x109: {  	v43 =	vld [tilespmem:s10+$0x1150]  }
0x10a: {  	v44 =	vld [tilespmem:s10+$0x1160]  }
0x10b: {  	v45 =	vld [tilespmem:s10+$0x1170]  }
0x10c: {  	v46 =	vld [tilespmem:s10+$0x1500]  }
0x10d: {  	v47 =	vld [tilespmem:s10+$0x1510]  }
0x10e: {  	v48 =	vld [tilespmem:s10+$0x1520]  }
0x10f: {  	v49 =	vld [tilespmem:s10+$0x1530]  }
0x110: {  	v5 =	vld [tilespmem:s10+$0x1540]  }
0x111: {  	v4 =	vld [tilespmem:s10+$0x1550]  }
0x112: {  	v3 =	vld [tilespmem:s10+$0x1560]  }
0x113: {  	[tilespmem:s10+$0xC100] =	vst.add.f32.msk $0xffff, v6  }
0x114: {  	[tilespmem:s10+$0xC110] =	vst.add.f32.msk $0xffff, v7  }
0x115: {  	[tilespmem:s10+$0xC120] =	vst.add.f32.msk $0xffff, v8  }
0x116: {  	[tilespmem:s10+$0xC130] =	vst.add.f32.msk $0xffff, v9  }
0x117: {  	[tilespmem:s10+$0xC140] =	vst.add.f32.msk $0xffff, v10  }
0x118: {  	[tilespmem:s10+$0xC150] =	vst.add.f32.msk $0xffff, v11  }
0x119: {  	[tilespmem:s10+$0xC160] =	vst.add.f32.msk $0xffff, v12  }
0x11a: {  	[tilespmem:s10+$0xC170] =	vst.add.f32.msk $0xffff, v13  }
0x11b: {  	[tilespmem:s10+$0xC500] =	vst.add.f32.msk $0xffff, v14  }
0x11c: {  	[tilespmem:s10+$0xC510] =	vst.add.f32.msk $0xffff, v15  }
0x11d: {  	[tilespmem:s10+$0xC520] =	vst.add.f32.msk $0xffff, v16  }
0x11e: {  	[tilespmem:s10+$0xC530] =	vst.add.f32.msk $0xffff, v17  }
0x11f: {  	[tilespmem:s10+$0xC540] =	vst.add.f32.msk $0xffff, v18  }
0x120: {  	[tilespmem:s10+$0xC550] =	vst.add.f32.msk $0xffff, v19  }
0x121: {  	[tilespmem:s10+$0xC560] =	vst.add.f32.msk $0xffff, v20  }
0x122: {  	[tilespmem:s10+$0xC570] =	vst.add.f32.msk $0xffff, v21  }
0x123: {  	[tilespmem:s10+$0xC900] =	vst.add.f32.msk $0xffff, v22  }
0x124: {  	[tilespmem:s10+$0xC910] =	vst.add.f32.msk $0xffff, v23  }
0x125: {  	[tilespmem:s10+$0xC920] =	vst.add.f32.msk $0xffff, v24  }
0x126: {  	[tilespmem:s10+$0xC930] =	vst.add.f32.msk $0xffff, v25  }
0x127: {  	[tilespmem:s10+$0xC940] =	vst.add.f32.msk $0xffff, v26  }
0x128: {  	[tilespmem:s10+$0xC950] =	vst.add.f32.msk $0xffff, v27  }
0x129: {  	[tilespmem:s10+$0xC960] =	vst.add.f32.msk $0xffff, v28  }
0x12a: {  	[tilespmem:s10+$0xC970] =	vst.add.f32.msk $0xffff, v29  }
0x12b: {  	[tilespmem:s10+$0xCD00] =	vst.add.f32.msk $0xffff, v30  }
0x12c: {  	[tilespmem:s10+$0xCD10] =	vst.add.f32.msk $0xffff, v31  }
0x12d: {  	[tilespmem:s10+$0xCD20] =	vst.add.f32.msk $0xffff, v32  }
0x12e: {  	[tilespmem:s10+$0xCD30] =	vst.add.f32.msk $0xffff, v33  }
0x12f: {  	[tilespmem:s10+$0xCD40] =	vst.add.f32.msk $0xffff, v34  }
0x130: {  	[tilespmem:s10+$0xCD50] =	vst.add.f32.msk $0xffff, v35  }
0x131: {  	[tilespmem:s10+$0xCD60] =	vst.add.f32.msk $0xffff, v36  }
0x132: {  	[tilespmem:s10+$0xCD70] =	vst.add.f32.msk $0xffff, v37  }
0x133: {  	[tilespmem:s10+$0xD100] =	vst.add.f32.msk $0xffff, v38  }
0x134: {  	[tilespmem:s10+$0xD110] =	vst.add.f32.msk $0xffff, v39  }
0x135: {  	[tilespmem:s10+$0xD120] =	vst.add.f32.msk $0xffff, v40  }
0x136: {  	[tilespmem:s10+$0xD130] =	vst.add.f32.msk $0xffff, v41  }
0x137: {  	[tilespmem:s10+$0xD140] =	vst.add.f32.msk $0xffff, v42  }
0x138: {  	[tilespmem:s10+$0xD150] =	vst.add.f32.msk $0xffff, v43  }
0x139: {  	[tilespmem:s10+$0xD160] =	vst.add.f32.msk $0xffff, v44  }
.Ltmp0:
0x13a: {  	[tilespmem:s10+$0xD170] =	vst.add.f32.msk $0xffff, v45;
	(pc) =	sbr.rel @p0 .LBB2_3-.Ltmp0, $4  }
0x13b: {  	[tilespmem:s10+$0xD500] =	vst.add.f32.msk $0xffff, v46  }
0x13c: {  	[tilespmem:s10+$0xD510] =	vst.add.f32.msk $0xffff, v47  }
0x13d: {  	[tilespmem:s10+$0xD520] =	vst.add.f32.msk $0xffff, v48  }
0x13e: {  	s0 =	sshrl.u32 s13, $0x3;
	s13 =	sadd.s32 $0x1, s13;
	[tilespmem:s10+$0xD530] =	vst.add.f32.msk $0xffff, v49  }
0x13f: {  	s0 =	smul.u32 $0x1800, s0;
	[tilespmem:s10+$0xD540] =	vst.add.f32.msk $0xffff, v5;
	s6 =	sadd.s32 $0x80, s6  }
0x140: {  	[tilespmem:s10+$0xD550] =	vst.add.f32.msk $0xffff, v4;
	s6 =	sand.u32 $0x380, s6  }
0x141: {  	[tilespmem:s10+$0xD560] =	vst.add.f32.msk $0xffff, v3;
	s0 =	sor.u32 s6, s0  }
0x142: {  	v3 =	vld [tilespmem:s0+$0x1570]  }
0x143: {  	v4 =	vld [tilespmem:s0+$0x100]  }
0x144: {  	v5 =	vld [tilespmem:s0+$0x110]  }
0x145: {  	v6 =	vld [tilespmem:s0+$0x120]  }
0x146: {  	v7 =	vld [tilespmem:s0+$0x130]  }
0x147: {  	v8 =	vld [tilespmem:s0+$0x150]  }
0x148: {  	v9 =	vld [tilespmem:s0+$0x160]  }
0x149: {  	v10 =	vld [tilespmem:s0+$0x170]  }
0x14a: {  	v11 =	vld [tilespmem:s0+$0x500]  }
0x14b: {  	v12 =	vld [tilespmem:s0+$0x510]  }
0x14c: {  	v13 =	vld [tilespmem:s0+$0x520]  }
0x14d: {  	v14 =	vld [tilespmem:s0+$0x530]  }
0x14e: {  	v15 =	vld [tilespmem:s0+$0x540]  }
0x14f: {  	v16 =	vld [tilespmem:s0+$0x550]  }
0x150: {  	v17 =	vld [tilespmem:s0+$0x560]  }
0x151: {  	v18 =	vld [tilespmem:s0+$0x570]  }
0x152: {  	v19 =	vld [tilespmem:s0+$0x900]  }
0x153: {  	v20 =	vld [tilespmem:s0+$0x910]  }
0x154: {  	v21 =	vld [tilespmem:s0+$0x920]  }
0x155: {  	v22 =	vld [tilespmem:s0+$0x930]  }
0x156: {  	v23 =	vld [tilespmem:s0+$0x940]  }
0x157: {  	v24 =	vld [tilespmem:s0+$0x950]  }
0x158: {  	v25 =	vld [tilespmem:s0+$0x960]  }
0x159: {  	v26 =	vld [tilespmem:s0+$0x970]  }
0x15a: {  	v27 =	vld [tilespmem:s0+$0xD00]  }
0x15b: {  	v28 =	vld [tilespmem:s0+$0xD10]  }
0x15c: {  	v29 =	vld [tilespmem:s0+$0xD20]  }
0x15d: {  	v30 =	vld [tilespmem:s0+$0xD30]  }
0x15e: {  	v31 =	vld [tilespmem:s0+$0xD40]  }
0x15f: {  	v32 =	vld [tilespmem:s0+$0xD50]  }
0x160: {  	v33 =	vld [tilespmem:s0+$0xD60]  }
0x161: {  	v34 =	vld [tilespmem:s0+$0xD70]  }
0x162: {  	v35 =	vld [tilespmem:s0+$0x1100]  }
0x163: {  	v36 =	vld [tilespmem:s0+$0x1110]  }
0x164: {  	v37 =	vld [tilespmem:s0+$0x1120]  }
0x165: {  	v38 =	vld [tilespmem:s0+$0x1130]  }
0x166: {  	v39 =	vld [tilespmem:s0+$0x1140]  }
0x167: {  	v40 =	vld [tilespmem:s0+$0x1150]  }
0x168: {  	v41 =	vld [tilespmem:s0+$0x1160]  }
0x169: {  	v42 =	vld [tilespmem:s0+$0x1170]  }
0x16a: {  	v43 =	vld [tilespmem:s0+$0x1500]  }
0x16b: {  	v44 =	vld [tilespmem:s0+$0x1510]  }
0x16c: {  	v45 =	vld [tilespmem:s0+$0x1520]  }
0x16d: {  	v46 =	vld [tilespmem:s0+$0x1530]  }
0x16e: {  	v47 =	vld [tilespmem:s0+$0x1540]  }
0x16f: {  	v48 =	vld [tilespmem:s0+$0x1550]  }
0x170: {  	v49 =	vld [tilespmem:s0+$0x1560]  }
0x171: {  	[tilespmem:s0+$0xD570] =	vst.add.f32.msk $0xffff, v3  }
0x172: {  	v3 =	vld [tilespmem:s0+$0x140]  }
0x173: {  	[tilespmem:s0+$0xC100] =	vst.add.f32.msk $0xffff, v4  }
0x174: {  	[tilespmem:s0+$0xC110] =	vst.add.f32.msk $0xffff, v5  }
0x175: {  	[tilespmem:s0+$0xC120] =	vst.add.f32.msk $0xffff, v6  }
0x176: {  	[tilespmem:s0+$0xC130] =	vst.add.f32.msk $0xffff, v7  }
0x177: {  	[tilespmem:s0+$0xC150] =	vst.add.f32.msk $0xffff, v8  }
0x178: {  	[tilespmem:s0+$0xC160] =	vst.add.f32.msk $0xffff, v9  }
0x179: {  	[tilespmem:s0+$0xC170] =	vst.add.f32.msk $0xffff, v10  }
0x17a: {  	[tilespmem:s0+$0xC500] =	vst.add.f32.msk $0xffff, v11  }
0x17b: {  	[tilespmem:s0+$0xC510] =	vst.add.f32.msk $0xffff, v12  }
0x17c: {  	[tilespmem:s0+$0xC520] =	vst.add.f32.msk $0xffff, v13  }
0x17d: {  	[tilespmem:s0+$0xC530] =	vst.add.f32.msk $0xffff, v14  }
0x17e: {  	[tilespmem:s0+$0xC540] =	vst.add.f32.msk $0xffff, v15  }
0x17f: {  	[tilespmem:s0+$0xC550] =	vst.add.f32.msk $0xffff, v16  }
0x180: {  	[tilespmem:s0+$0xC560] =	vst.add.f32.msk $0xffff, v17  }
0x181: {  	[tilespmem:s0+$0xC570] =	vst.add.f32.msk $0xffff, v18  }
0x182: {  	[tilespmem:s0+$0xC900] =	vst.add.f32.msk $0xffff, v19  }
0x183: {  	[tilespmem:s0+$0xC910] =	vst.add.f32.msk $0xffff, v20  }
0x184: {  	[tilespmem:s0+$0xC920] =	vst.add.f32.msk $0xffff, v21  }
0x185: {  	[tilespmem:s0+$0xC930] =	vst.add.f32.msk $0xffff, v22  }
0x186: {  	[tilespmem:s0+$0xC940] =	vst.add.f32.msk $0xffff, v23  }
0x187: {  	[tilespmem:s0+$0xC950] =	vst.add.f32.msk $0xffff, v24  }
0x188: {  	[tilespmem:s0+$0xC960] =	vst.add.f32.msk $0xffff, v25  }
0x189: {  	[tilespmem:s0+$0xC970] =	vst.add.f32.msk $0xffff, v26  }
0x18a: {  	[tilespmem:s0+$0xCD00] =	vst.add.f32.msk $0xffff, v27  }
0x18b: {  	[tilespmem:s0+$0xCD10] =	vst.add.f32.msk $0xffff, v28  }
0x18c: {  	[tilespmem:s0+$0xCD20] =	vst.add.f32.msk $0xffff, v29  }
0x18d: {  	[tilespmem:s0+$0xCD30] =	vst.add.f32.msk $0xffff, v30  }
0x18e: {  	[tilespmem:s0+$0xCD40] =	vst.add.f32.msk $0xffff, v31  }
0x18f: {  	[tilespmem:s0+$0xCD50] =	vst.add.f32.msk $0xffff, v32  }
0x190: {  	[tilespmem:s0+$0xCD60] =	vst.add.f32.msk $0xffff, v33  }
0x191: {  	[tilespmem:s0+$0xCD70] =	vst.add.f32.msk $0xffff, v34  }
0x192: {  	[tilespmem:s0+$0xD100] =	vst.add.f32.msk $0xffff, v35  }
0x193: {  	[tilespmem:s0+$0xD110] =	vst.add.f32.msk $0xffff, v36  }
0x194: {  	[tilespmem:s0+$0xD120] =	vst.add.f32.msk $0xffff, v37  }
0x195: {  	[tilespmem:s0+$0xD130] =	vst.add.f32.msk $0xffff, v38  }
0x196: {  	[tilespmem:s0+$0xD140] =	vst.add.f32.msk $0xffff, v39  }
0x197: {  	[tilespmem:s0+$0xD150] =	vst.add.f32.msk $0xffff, v40  }
0x198: {  	[tilespmem:s0+$0xD160] =	vst.add.f32.msk $0xffff, v41  }
0x199: {  	[tilespmem:s0+$0xD170] =	vst.add.f32.msk $0xffff, v42  }
0x19a: {  	[tilespmem:s0+$0xD500] =	vst.add.f32.msk $0xffff, v43  }
0x19b: {  	[tilespmem:s0+$0xD510] =	vst.add.f32.msk $0xffff, v44  }
0x19c: {  	[tilespmem:s0+$0xD520] =	vst.add.f32.msk $0xffff, v45  }
0x19d: {  	[tilespmem:s0+$0xD530] =	vst.add.f32.msk $0xffff, v46  }
0x19e: {  	s8 =	sshrl.u32 s8, $0x3;
	[tilespmem:s0+$0xD540] =	vst.add.f32.msk $0xffff, v47  }
0x19f: {  	s18 =	smul.u32 $0x300, s8;
	[tilespmem:s0+$0xD550] =	vst.add.f32.msk $0xffff, v48  }
0x1a0: {  	p0 =	seq.s32 s7, $0x3;
	[tilespmem:s0+$0xD560] =	vst.add.f32.msk $0xffff, v49  }
0x1a1: {  	s10 =	sadd.s32 s3, s18;
	[tilespmem:s0+$0xC140] =	vst.add.f32.msk $0xffff, v3;
	s0 =	simm.s32 @!p0 $0x5  }
0x1a2: {  	[hbm4b:s10+s4] =	stream.linear.scatter [tilespmem:s19], [sflag:$0x5], $0x6000, $0x38;
	[tilespmem:$0x18100] =	vst v63  }
0x1a3: {  	_ =	swait.ge @!p0 [sflag:s0], $0x6000  }
0x1a4: {  	[sflag:s0] =	ssyncset.done @!p0 $0x0  }
0x1a5: {  	[sflag:s0] =	ssyncadd.s32 @!p0 $0xFFFFA000  }
0x1a6: {  	v3 =	vld @!p0 [tilespmem:s9+$0x40];
	_ =	sdelay $0x4  }
0x1a7: {  	v4 =	vshrl.u32 @!p0 v3, $0x3  }
0x1a8: {  	v4 =	vmul.u32 @!p0 $0x30, v4  }
0x1a9: {  	v5 =	vlaneseq.u32 @!p0;
	v3 =	vand.u32 @!p0 $0x7, v3  }
0x1aa: {  	v6 =	vshrl.u32 @!p0 v5, $0x3;
	v3 =	vor.u32 @!p0 v3, v4;
	v4 =	vand.u32 @!p0 $0x7, v5  }
0x1ab: {  	v6 =	vmul.u32 @!p0 $0x8, v6;
	v7 =	vperm.xlane @!p0 v3, v4;
	_ =	sdelay $0x1  }
0x1ac: {  	v7 =	vadd.s32 @!p0 v6, v7;
	_ =	sdelay $0x2  }
0x1ad: {  	v5 =	vor.u32 @!p0 $0x8, v5  }
0x1ae: {  	vm1 =	vmmov @!p0 $0xffff;
	s6 =	simm.s32 @!p0 $0xC100;
	s0 =	simm.s32 @!p0 $0x0;
	v3 =	vperm.xlane @!p0 v3, v5  }
0x1af: {  	[tilespmem:s6], [sflag:$0x3] =	stream.indirect_vreg.gather @!p0 [hbm4b:s1+s0], $0x80, v7, vm1, $0xb8;
	[tilespmem:$0x18100] =	vst v63  }
0x1b0: {  	v3 =	vadd.s32 @!p0 v6, v3;
	s6 =	simm.s32 @!p0 $0xC900  }
0x1b1: {  	[tilespmem:s6], [sflag:$0x3] =	stream.indirect_vreg.gather @!p0 [hbm4b:s11+s0], $0x80, v7, vm1, $0xb8;
	[tilespmem:$0x18100] =	vst v63  }
0x1b2: {  	s6 =	simm.s32 @!p0 $0xD100  }
0x1b3: {  	[tilespmem:s6], [sflag:$0x3] =	stream.indirect_vreg.gather @!p0 [hbm4b:s12+s0], $0x80, v7, vm1, $0xb8;
	[tilespmem:$0x18100] =	vst v63  }
0x1b4: {  	s6 =	simm.s32 @!p0 $0xD900  }
0x1b5: {  	[tilespmem:s6], [sflag:$0x3] =	stream.indirect_vreg.gather @!p0 [hbm4b:s1+s0], $0x80, v3, vm1, $0xb8;
	[tilespmem:$0x18100] =	vst v63  }
0x1b6: {  	s6 =	simm.s32 @!p0 $0xE100  }
0x1b7: {  	[tilespmem:s6], [sflag:$0x3] =	stream.indirect_vreg.gather @!p0 [hbm4b:s11+s0], $0x80, v3, vm1, $0xb8;
	[tilespmem:$0x18100] =	vst v63  }
0x1b8: {  	s6 =	simm.s32 @!p0 $0xE900  }
0x1b9: {  	[tilespmem:s6], [sflag:$0x3] =	stream.indirect_vreg.gather @!p0 [hbm4b:s12+s0], $0x80, v3, vm1, $0xb8;
	[tilespmem:$0x18100] =	vst v63  }
0x1ba: {  	v3 =	vld @!p0 [tilespmem:s9+$0x50];
	_ =	sdelay $0x4  }
0x1bb: {  	v7 =	vshrl.u32 @!p0 v3, $0x3  }
0x1bc: {  	v7 =	vmul.u32 @!p0 $0x30, v7  }
0x1bd: {  	v3 =	vand.u32 @!p0 $0x7, v3  }
0x1be: {  	v3 =	vor.u32 @!p0 v3, v7  }
0x1bf: {  	v4 =	vperm.xlane @!p0 v3, v4;
	_ =	sdelay $0x1  }
0x1c0: {  	v4 =	vadd.s32 @!p0 v6, v4;
	_ =	sdelay $0x3  }
0x1c1: {  	s6 =	simm.s32 @!p0 $0xF100;
	v3 =	vperm.xlane @!p0 v3, v5  }
0x1c2: {  	[tilespmem:s6], [sflag:$0x3] =	stream.indirect_vreg.gather @!p0 [hbm4b:s1+s0], $0x80, v4, vm1, $0xb8;
	[tilespmem:$0x18100] =	vst v63  }
0x1c3: {  	v3 =	vadd.s32 @!p0 v6, v3;
	s6 =	simm.s32 @!p0 $0xF900  }
0x1c4: {  	[tilespmem:s6], [sflag:$0x3] =	stream.indirect_vreg.gather @!p0 [hbm4b:s11+s0], $0x80, v4, vm1, $0xb8;
	[tilespmem:$0x18100] =	vst v63  }
0x1c5: {  	s6 =	simm.s32 @!p0 $0x10100  }
0x1c6: {  	[tilespmem:s6], [sflag:$0x3] =	stream.indirect_vreg.gather @!p0 [hbm4b:s12+s0], $0x80, v4, vm1, $0xb8;
	[tilespmem:$0x18100] =	vst v63  }
0x1c7: {  	s6 =	simm.s32 @!p0 $0x10900  }
0x1c8: {  	[tilespmem:s6], [sflag:$0x3] =	stream.indirect_vreg.gather @!p0 [hbm4b:s1+s0], $0x80, v3, vm1, $0xb8;
	[tilespmem:$0x18100] =	vst v63  }
0x1c9: {  	s6 =	simm.s32 @!p0 $0x11100  }
0x1ca: {  	[tilespmem:s6], [sflag:$0x3] =	stream.indirect_vreg.gather @!p0 [hbm4b:s11+s0], $0x80, v3, vm1, $0xb8;
	[tilespmem:$0x18100] =	vst v63  }
0x1cb: {  	s13 =	simm.s32 $0x0;
	s6 =	simm.s32 @!p0 $0x11900  }
0x1cc: {  	[tilespmem:s6], [sflag:$0x3] =	stream.indirect_vreg.gather @!p0 [hbm4b:s12+s0], $0x80, v3, vm1, $0xb8;
	[tilespmem:$0x18100] =	vst v63  }
0x1cd: {  	s14 =	simm.s32 $0x0;
	s0 =	smul.u32 $0x1800, s13;
	_ =	swait.ge [sflag:s28], $0x6000  }
0x1ce: {  	s6 =	sand.u32 $0x380, s14;
	[sflag:s28] =	ssyncset.done $0x0  }
0x1cf: {  	s9 =	sor.u32 s6, s0;
	[sflag:s28] =	ssyncadd.s32 $0xFFFFA000  }
0x1d0: {  	v3 =	vld [tilespmem:s9+$0x6100]  }
0x1d1: {  	v4 =	vld [tilespmem:s9+$0x6110];
	_ =	sdelay $0x2  }
0x1d2: {  	s0 =	sadd.s32 $0x12100, s9  }
0x1d3: {  	s15 =	sor.u32 $0x10, s0;
	[tilespmem:s9+$0x12100] =	vst.add.f32.msk $0xffff, v3  }
0x1d4: {  	[tilespmem:s15+$0x0] =	vst.add.f32.msk $0xffff, v4  }
0x1d5: {  	v3 =	vld [tilespmem:s9+$0x6120];
	_ =	sdelay $0x3  }
0x1d6: {  	s18 =	sor.u32 $0x20, s0  }
0x1d7: {  	[tilespmem:s18+$0x0] =	vst.add.f32.msk $0xffff, v3  }
0x1d8: {  	v3 =	vld [tilespmem:s9+$0x6130];
	_ =	sdelay $0x3  }
0x1d9: {  	s10 =	sor.u32 $0x30, s0  }
0x1da: {  	[tilespmem:s10+$0x0] =	vst.add.f32.msk $0xffff, v3  }
0x1db: {  	v3 =	vld [tilespmem:s9+$0x6140];
	_ =	sdelay $0x3  }
0x1dc: {  	s13 =	sor.u32 $0x40, s0  }
0x1dd: {  	[tilespmem:s13+$0x0] =	vst.add.f32.msk $0xffff, v3  }
0x1de: {  	v3 =	vld [tilespmem:s9+$0x6150];
	_ =	sdelay $0x3  }
0x1df: {  	s14 =	sor.u32 $0x50, s0  }
0x1e0: {  	[tilespmem:s14+$0x0] =	vst.add.f32.msk $0xffff, v3  }
0x1e1: {  	v3 =	vld [tilespmem:s9+$0x6160];
	_ =	sdelay $0x3  }
0x1e2: {  	s15 =	sor.u32 $0x60, s0  }
0x1e3: {  	[tilespmem:s15+$0x0] =	vst.add.f32.msk $0xffff, v3  }
0x1e4: {  	v3 =	vld [tilespmem:s9+$0x6170];
	_ =	sdelay $0x3  }
0x1e5: {  	s18 =	sor.u32 $0x70, s0  }
0x1e6: {  	[tilespmem:s18+$0x0] =	vst.add.f32.msk $0xffff, v3  }
0x1e7: {  	v3 =	vld [tilespmem:s9+$0x6500];
	_ =	sdelay $0x4  }
0x1e8: {  	[tilespmem:s0+$0x400] =	vst.add.f32.msk $0xffff, v3  }
0x1e9: {  	v3 =	vld [tilespmem:s9+$0x6510];
	_ =	sdelay $0x4  }
0x1ea: {  	[tilespmem:s0+$0x410] =	vst.add.f32.msk $0xffff, v3  }
0x1eb: {  	v3 =	vld [tilespmem:s9+$0x6520];
	_ =	sdelay $0x4  }
0x1ec: {  	[tilespmem:s0+$0x420] =	vst.add.f32.msk $0xffff, v3  }
0x1ed: {  	v3 =	vld [tilespmem:s9+$0x6530];
	_ =	sdelay $0x4  }
0x1ee: {  	[tilespmem:s0+$0x430] =	vst.add.f32.msk $0xffff, v3  }
0x1ef: {  	v3 =	vld [tilespmem:s9+$0x6540];
	_ =	sdelay $0x4  }
0x1f0: {  	[tilespmem:s0+$0x440] =	vst.add.f32.msk $0xffff, v3  }
0x1f1: {  	v3 =	vld [tilespmem:s9+$0x6550];
	_ =	sdelay $0x4  }
0x1f2: {  	[tilespmem:s0+$0x450] =	vst.add.f32.msk $0xffff, v3  }
0x1f3: {  	v3 =	vld [tilespmem:s9+$0x6560];
	_ =	sdelay $0x4  }
0x1f4: {  	[tilespmem:s0+$0x460] =	vst.add.f32.msk $0xffff, v3  }
0x1f5: {  	v3 =	vld [tilespmem:s9+$0x6570];
	_ =	sdelay $0x4  }
0x1f6: {  	s10 =	simm.s32 $0x0;
	[tilespmem:s0+$0x470] =	vst.add.f32.msk $0xffff, v3  }
0x1f7: {  	s13 =	smul.u32 $0x1800, s10;
	s14 =	simm.s32 $0x80;
	v3 =	vld [tilespmem:s9+$0x6900]  }
0x1f8: {  	s6 =	sand.u32 $0x380, s14;
	v4 =	vld [tilespmem:s9+$0x6910]  }
0x1f9: {  	s10 =	sor.u32 s6, s13  }
0x1fa: {  	v5 =	vld [tilespmem:s10+$0x6100]  }
0x1fb: {  	s6 =	sadd.s32 $0x12900, s9;
	v6 =	vld [tilespmem:s10+$0x6110]  }
0x1fc: {  	s15 =	sor.u32 $0x10, s6;
	[tilespmem:s9+$0x12900] =	vst.add.f32.msk $0xffff, v3  }
0x1fd: {  	[tilespmem:s15+$0x0] =	vst.add.f32.msk $0xffff, v4  }
0x1fe: {  	v3 =	vld [tilespmem:s9+$0x6920]  }
0x1ff: {  	s0 =	sadd.s32 $0x12100, s10  }
0x200: {  	[tilespmem:s10+$0x12100] =	vst.add.f32.msk $0xffff, v5;
	s13 =	sor.u32 $0x10, s0  }
0x201: {  	[tilespmem:s13+$0x0] =	vst.add.f32.msk $0xffff, v6  }
0x202: {  	s18 =	sor.u32 $0x20, s6;
	v4 =	vld [tilespmem:s10+$0x6120]  }
0x203: {  	[tilespmem:s18+$0x0] =	vst.add.f32.msk $0xffff, v3  }
0x204: {  	v3 =	vld [tilespmem:s9+$0x6930];
	_ =	sdelay $0x1  }
0x205: {  	s14 =	sor.u32 $0x20, s0  }
0x206: {  	[tilespmem:s14+$0x0] =	vst.add.f32.msk $0xffff, v4  }
0x207: {  	s15 =	sor.u32 $0x30, s6;
	v4 =	vld [tilespmem:s10+$0x6130]  }
0x208: {  	[tilespmem:s15+$0x0] =	vst.add.f32.msk $0xffff, v3  }
0x209: {  	v3 =	vld [tilespmem:s9+$0x6940];
	_ =	sdelay $0x1  }
0x20a: {  	s18 =	sor.u32 $0x30, s0  }
0x20b: {  	[tilespmem:s18+$0x0] =	vst.add.f32.msk $0xffff, v4  }
0x20c: {  	s14 =	sor.u32 $0x40, s6;
	v4 =	vld [tilespmem:s10+$0x6140]  }
0x20d: {  	[tilespmem:s14+$0x0] =	vst.add.f32.msk $0xffff, v3  }
0x20e: {  	v3 =	vld [tilespmem:s9+$0x6950];
	_ =	sdelay $0x1  }
0x20f: {  	s15 =	sor.u32 $0x40, s0  }
0x210: {  	[tilespmem:s15+$0x0] =	vst.add.f32.msk $0xffff, v4  }
0x211: {  	s18 =	sor.u32 $0x50, s6;
	v4 =	vld [tilespmem:s10+$0x6150]  }
0x212: {  	[tilespmem:s18+$0x0] =	vst.add.f32.msk $0xffff, v3  }
0x213: {  	v3 =	vld [tilespmem:s9+$0x6960];
	_ =	sdelay $0x1  }
0x214: {  	s14 =	sor.u32 $0x50, s0  }
0x215: {  	[tilespmem:s14+$0x0] =	vst.add.f32.msk $0xffff, v4  }
0x216: {  	s15 =	sor.u32 $0x60, s6;
	v4 =	vld [tilespmem:s10+$0x6160]  }
0x217: {  	[tilespmem:s15+$0x0] =	vst.add.f32.msk $0xffff, v3  }
0x218: {  	v3 =	vld [tilespmem:s9+$0x6970];
	_ =	sdelay $0x1  }
0x219: {  	s18 =	sor.u32 $0x60, s0  }
0x21a: {  	[tilespmem:s18+$0x0] =	vst.add.f32.msk $0xffff, v4  }
0x21b: {  	s6 =	sor.u32 $0x70, s6;
	v4 =	vld [tilespmem:s10+$0x6170]  }
0x21c: {  	[tilespmem:s6+$0x0] =	vst.add.f32.msk $0xffff, v3  }
0x21d: {  	v3 =	vld [tilespmem:s9+$0x6D00]  }
0x21e: {  	v5 =	vld [tilespmem:s9+$0x6D10]  }
0x21f: {  	s14 =	sor.u32 $0x70, s0  }
0x220: {  	[tilespmem:s14+$0x0] =	vst.add.f32.msk $0xffff, v4  }
0x221: {  	s18 =	sadd.s32 $0x12D00, s9;
	v4 =	vld [tilespmem:s10+$0x6500]  }
0x222: {  	s15 =	sor.u32 $0x10, s18;
	[tilespmem:s9+$0x12D00] =	vst.add.f32.msk $0xffff, v3  }
0x223: {  	[tilespmem:s15+$0x0] =	vst.add.f32.msk $0xffff, v5  }
0x224: {  	v3 =	vld [tilespmem:s9+$0x6D20];
	_ =	sdelay $0x2  }
0x225: {  	[tilespmem:s0+$0x400] =	vst.add.f32.msk $0xffff, v4  }
0x226: {  	s13 =	sor.u32 $0x20, s18;
	v4 =	vld [tilespmem:s10+$0x6510]  }
0x227: {  	[tilespmem:s13+$0x0] =	vst.add.f32.msk $0xffff, v3  }
0x228: {  	v3 =	vld [tilespmem:s9+$0x6D30];
	_ =	sdelay $0x2  }
0x229: {  	[tilespmem:s0+$0x410] =	vst.add.f32.msk $0xffff, v4  }
0x22a: {  	s14 =	sor.u32 $0x30, s18;
	v4 =	vld [tilespmem:s10+$0x6520]  }
0x22b: {  	[tilespmem:s14+$0x0] =	vst.add.f32.msk $0xffff, v3  }
0x22c: {  	v3 =	vld [tilespmem:s9+$0x6D40];
	_ =	sdelay $0x2  }
0x22d: {  	[tilespmem:s0+$0x420] =	vst.add.f32.msk $0xffff, v4  }
0x22e: {  	s15 =	sor.u32 $0x40, s18;
	v4 =	vld [tilespmem:s10+$0x6530]  }
0x22f: {  	[tilespmem:s15+$0x0] =	vst.add.f32.msk $0xffff, v3  }
0x230: {  	v3 =	vld [tilespmem:s9+$0x6D50];
	_ =	sdelay $0x2  }
0x231: {  	s13 =	simm.s32 $0x0;
	[tilespmem:s0+$0x430] =	vst.add.f32.msk $0xffff, v4  }
0x232: {  	s29 =	simm.s32 $0x100;
	s6 =	smul.u32 $0x1800, s13;
	s14 =	sor.u32 $0x50, s18;
	v4 =	vld [tilespmem:s10+$0x6540]  }
0x233: {  	s30 =	sand.u32 $0x380, s29;
	[tilespmem:s14+$0x0] =	vst.add.f32.msk $0xffff, v3  }
0x234: {  	s13 =	sor.u32 s30, s6;
	v3 =	vld [tilespmem:s9+$0x6D60]  }
0x235: {  	v5 =	vld [tilespmem:s13+$0x6100]  }
0x236: {  	v6 =	vld [tilespmem:s13+$0x6110]  }
0x237: {  	[tilespmem:s0+$0x440] =	vst.add.f32.msk $0xffff, v4  }
0x238: {  	s15 =	sor.u32 $0x60, s18;
	v4 =	vld [tilespmem:s10+$0x6550]  }
0x239: {  	[tilespmem:s15+$0x0] =	vst.add.f32.msk $0xffff, v3  }
0x23a: {  	s6 =	sadd.s32 $0x12100, s13;
	v3 =	vld [tilespmem:s9+$0x6D70]  }
0x23b: {  	s30 =	sor.u32 $0x10, s6;
	[tilespmem:s13+$0x12100] =	vst.add.f32.msk $0xffff, v5  }
0x23c: {  	[tilespmem:s30+$0x0] =	vst.add.f32.msk $0xffff, v6  }
0x23d: {  	[tilespmem:s0+$0x450] =	vst.add.f32.msk $0xffff, v4  }
0x23e: {  	s18 =	sor.u32 $0x70, s18;
	v4 =	vld [tilespmem:s10+$0x6560]  }
0x23f: {  	[tilespmem:s18+$0x0] =	vst.add.f32.msk $0xffff, v3  }
0x240: {  	v3 =	vld [tilespmem:s9+$0x7100]  }
0x241: {  	v5 =	vld [tilespmem:s9+$0x7110]  }
0x242: {  	v6 =	vld [tilespmem:s13+$0x6120]  }
0x243: {  	[tilespmem:s0+$0x460] =	vst.add.f32.msk $0xffff, v4  }
0x244: {  	s30 =	sadd.s32 $0x13100, s9;
	v4 =	vld [tilespmem:s10+$0x6570]  }
0x245: {  	s14 =	sor.u32 $0x10, s30;
	[tilespmem:s9+$0x13100] =	vst.add.f32.msk $0xffff, v3  }
0x246: {  	[tilespmem:s14+$0x0] =	vst.add.f32.msk $0xffff, v5  }
0x247: {  	s15 =	sor.u32 $0x20, s6;
	v3 =	vld [tilespmem:s9+$0x7120]  }
0x248: {  	[tilespmem:s15+$0x0] =	vst.add.f32.msk $0xffff, v6  }
0x249: {  	[tilespmem:s0+$0x470] =	vst.add.f32.msk $0xffff, v4  }
0x24a: {  	v5 =	vld [tilespmem:s10+$0x6900]  }
0x24b: {  	v6 =	vld [tilespmem:s10+$0x6910];
	s14 =	sor.u32 $0x20, s30  }
0x24c: {  	[tilespmem:s14+$0x0] =	vst.add.f32.msk $0xffff, v3  }
0x24d: {  	v3 =	vld [tilespmem:s9+$0x7130]  }
0x24e: {  	s31 =	sadd.s32 $0x12900, s10;
	v4 =	vld [tilespmem:s13+$0x6130]  }
0x24f: {  	s15 =	sor.u32 $0x10, s31;
	[tilespmem:s10+$0x12900] =	vst.add.f32.msk $0xffff, v5  }
0x250: {  	s18 =	simm.s32 $0x3;
	[tilespmem:s15+$0x0] =	vst.add.f32.msk $0xffff, v6  }
.LBB2_5:
0x251: {  	p0 =	sne.s32 s18, $0x1F;
	v5 =	vld [tilespmem:s10+$0x6920];
	s0 =	sor.u32 $0x30, s30  }
0x252: {  	[tilespmem:s0+$0x0] =	vst.add.f32.msk $0xffff, v3  }
0x253: {  	s0 =	sor.u32 $0x30, s6;
	v3 =	vld [tilespmem:s9+$0x7140]  }
0x254: {  	[tilespmem:s0+$0x0] =	vst.add.f32.msk $0xffff, v4  }
0x255: {  	s0 =	sor.u32 $0x20, s31;
	v4 =	vld [tilespmem:s13+$0x6140]  }
0x256: {  	[tilespmem:s0+$0x0] =	vst.add.f32.msk $0xffff, v5  }
0x257: {  	s0 =	sor.u32 $0x40, s30;
	v5 =	vld [tilespmem:s10+$0x6930]  }
0x258: {  	[tilespmem:s0+$0x0] =	vst.add.f32.msk $0xffff, v3  }
0x259: {  	s0 =	sor.u32 $0x40, s6;
	v3 =	vld [tilespmem:s9+$0x7150]  }
0x25a: {  	[tilespmem:s0+$0x0] =	vst.add.f32.msk $0xffff, v4  }
0x25b: {  	s0 =	sor.u32 $0x30, s31;
	v4 =	vld [tilespmem:s13+$0x6150]  }
0x25c: {  	[tilespmem:s0+$0x0] =	vst.add.f32.msk $0xffff, v5  }
0x25d: {  	s0 =	sor.u32 $0x50, s30;
	v5 =	vld [tilespmem:s10+$0x6940]  }
0x25e: {  	[tilespmem:s0+$0x0] =	vst.add.f32.msk $0xffff, v3  }
0x25f: {  	s0 =	sor.u32 $0x50, s6;
	v3 =	vld [tilespmem:s9+$0x7160]  }
0x260: {  	[tilespmem:s0+$0x0] =	vst.add.f32.msk $0xffff, v4  }
0x261: {  	s0 =	sor.u32 $0x40, s31;
	v4 =	vld [tilespmem:s13+$0x6160]  }
0x262: {  	s14 =	sshrl.u32 s18, $0x3;
	[tilespmem:s0+$0x0] =	vst.add.f32.msk $0xffff, v5  }
0x263: {  	s29 =	sadd.s32 $0x80, s29;
	s0 =	smul.u32 $0x1800, s14;
	s14 =	sor.u32 $0x60, s30;
	v5 =	vld [tilespmem:s10+$0x6950]  }
0x264: {  	s15 =	sand.u32 $0x380, s29;
	[tilespmem:s14+$0x0] =	vst.add.f32.msk $0xffff, v3  }
0x265: {  	s0 =	sor.u32 s15, s0;
	v6 =	vld [tilespmem:s9+$0x7170]  }
0x266: {  	s14 =	sor.u32 $0x60, s6;
	v3 =	vld [tilespmem:s0+$0x6100]  }
0x267: {  	[tilespmem:s14+$0x0] =	vst.add.f32.msk $0xffff, v4;
	s14 =	sor.u32 $0x50, s31  }
0x268: {  	[tilespmem:s14+$0x0] =	vst.add.f32.msk $0xffff, v5  }
0x269: {  	s14 =	sor.u32 $0x70, s30;
	v4 =	vld [tilespmem:s10+$0x6960]  }
0x26a: {  	[tilespmem:s14+$0x0] =	vst.add.f32.msk $0xffff, v6  }
0x26b: {  	v5 =	vld [tilespmem:s9+$0x7500]  }
0x26c: {  	v6 =	vld [tilespmem:s9+$0x7510]  }
0x26d: {  	s14 =	sor.u32 $0x60, s31;
	v7 =	vld [tilespmem:s13+$0x6170]  }
0x26e: {  	[tilespmem:s14+$0x0] =	vst.add.f32.msk $0xffff, v4  }
0x26f: {  	s30 =	sadd.s32 $0x13500, s9;
	v4 =	vld [tilespmem:s10+$0x6970]  }
0x270: {  	s14 =	sor.u32 $0x10, s30;
	[tilespmem:s9+$0x13500] =	vst.add.f32.msk $0xffff, v5  }
0x271: {  	[tilespmem:s14+$0x0] =	vst.add.f32.msk $0xffff, v6  }
0x272: {  	s14 =	sor.u32 $0x70, s6;
	v5 =	vld [tilespmem:s9+$0x7520]  }
0x273: {  	[tilespmem:s14+$0x0] =	vst.add.f32.msk $0xffff, v7;
	s14 =	sor.u32 $0x70, s31  }
0x274: {  	[tilespmem:s14+$0x0] =	vst.add.f32.msk $0xffff, v4  }
0x275: {  	v4 =	vld [tilespmem:s10+$0x6D00]  }
0x276: {  	s14 =	sor.u32 $0x20, s30;
	v6 =	vld [tilespmem:s10+$0x6D10]  }
0x277: {  	[tilespmem:s14+$0x0] =	vst.add.f32.msk $0xffff, v5  }
0x278: {  	v5 =	vld [tilespmem:s9+$0x7530]  }
0x279: {  	s31 =	sadd.s32 $0x12D00, s10;
	v7 =	vld [tilespmem:s13+$0x6500]  }
0x27a: {  	s14 =	sor.u32 $0x10, s31;
	[tilespmem:s10+$0x12D00] =	vst.add.f32.msk $0xffff, v4  }
0x27b: {  	[tilespmem:s14+$0x0] =	vst.add.f32.msk $0xffff, v6  }
0x27c: {  	s14 =	sor.u32 $0x30, s30;
	v4 =	vld [tilespmem:s10+$0x6D20]  }
0x27d: {  	[tilespmem:s14+$0x0] =	vst.add.f32.msk $0xffff, v5  }
0x27e: {  	v5 =	vld [tilespmem:s9+$0x7540]  }
0x27f: {  	[tilespmem:s6+$0x400] =	vst.add.f32.msk $0xffff, v7  }
0x280: {  	s14 =	sor.u32 $0x20, s31;
	v6 =	vld [tilespmem:s13+$0x6510]  }
0x281: {  	[tilespmem:s14+$0x0] =	vst.add.f32.msk $0xffff, v4  }
0x282: {  	s14 =	sor.u32 $0x40, s30;
	v4 =	vld [tilespmem:s10+$0x6D30]  }
0x283: {  	[tilespmem:s14+$0x0] =	vst.add.f32.msk $0xffff, v5  }
0x284: {  	v5 =	vld [tilespmem:s9+$0x7550]  }
0x285: {  	[tilespmem:s6+$0x410] =	vst.add.f32.msk $0xffff, v6  }
0x286: {  	s14 =	sor.u32 $0x30, s31;
	v6 =	vld [tilespmem:s13+$0x6520]  }
0x287: {  	[tilespmem:s14+$0x0] =	vst.add.f32.msk $0xffff, v4  }
0x288: {  	s14 =	sor.u32 $0x50, s30;
	v4 =	vld [tilespmem:s10+$0x6D40]  }
0x289: {  	[tilespmem:s14+$0x0] =	vst.add.f32.msk $0xffff, v5  }
0x28a: {  	v5 =	vld [tilespmem:s9+$0x7560]  }
0x28b: {  	[tilespmem:s6+$0x420] =	vst.add.f32.msk $0xffff, v6  }
0x28c: {  	s14 =	sor.u32 $0x40, s31;
	v6 =	vld [tilespmem:s13+$0x6530]  }
0x28d: {  	[tilespmem:s14+$0x0] =	vst.add.f32.msk $0xffff, v4  }
0x28e: {  	s14 =	sor.u32 $0x60, s30;
	v4 =	vld [tilespmem:s10+$0x6D50]  }
0x28f: {  	[tilespmem:s14+$0x0] =	vst.add.f32.msk $0xffff, v5  }
0x290: {  	v5 =	vld [tilespmem:s9+$0x7570];
	s9 =	smov.u32 s10;
	s10 =	smov.u32 s13;
	s13 =	smov.u32 s0  }
0x291: {  	[tilespmem:s6+$0x430] =	vst.add.f32.msk $0xffff, v6  }
0x292: {  	s0 =	sor.u32 $0x50, s31;
	v6 =	vld [tilespmem:s10+$0x6540]  }
0x293: {  	[tilespmem:s0+$0x0] =	vst.add.f32.msk $0xffff, v4  }
0x294: {  	s0 =	sor.u32 $0x70, s30;
	v4 =	vld [tilespmem:s9+$0x6D60]  }
0x295: {  	[tilespmem:s0+$0x0] =	vst.add.f32.msk $0xffff, v5  }
0x296: {  	v5 =	vld [tilespmem:s13+$0x6110]  }
0x297: {  	[tilespmem:s6+$0x440] =	vst.add.f32.msk $0xffff, v6  }
0x298: {  	s0 =	sor.u32 $0x60, s31;
	v6 =	vld [tilespmem:s10+$0x6550]  }
0x299: {  	[tilespmem:s0+$0x0] =	vst.add.f32.msk $0xffff, v4  }
0x29a: {  	s0 =	sadd.s32 $0x12100, s13;
	v4 =	vld [tilespmem:s9+$0x6D70]  }
0x29b: {  	s14 =	sor.u32 $0x10, s0;
	[tilespmem:s13+$0x12100] =	vst.add.f32.msk $0xffff, v3  }
0x29c: {  	[tilespmem:s14+$0x0] =	vst.add.f32.msk $0xffff, v5  }
0x29d: {  	[tilespmem:s6+$0x450] =	vst.add.f32.msk $0xffff, v6  }
0x29e: {  	s14 =	sor.u32 $0x70, s31;
	v3 =	vld [tilespmem:s10+$0x6560]  }
0x29f: {  	[tilespmem:s14+$0x0] =	vst.add.f32.msk $0xffff, v4  }
0x2a0: {  	v4 =	vld [tilespmem:s9+$0x7100]  }
0x2a1: {  	v5 =	vld [tilespmem:s9+$0x7110]  }
0x2a2: {  	v6 =	vld [tilespmem:s13+$0x6120]  }
0x2a3: {  	[tilespmem:s6+$0x460] =	vst.add.f32.msk $0xffff, v3  }
0x2a4: {  	s30 =	sadd.s32 $0x13100, s9;
	v3 =	vld [tilespmem:s10+$0x6570]  }
0x2a5: {  	s14 =	sor.u32 $0x10, s30;
	[tilespmem:s9+$0x13100] =	vst.add.f32.msk $0xffff, v4  }
0x2a6: {  	[tilespmem:s14+$0x0] =	vst.add.f32.msk $0xffff, v5  }
0x2a7: {  	s14 =	sor.u32 $0x20, s0;
	v4 =	vld [tilespmem:s9+$0x7120]  }
0x2a8: {  	[tilespmem:s14+$0x0] =	vst.add.f32.msk $0xffff, v6  }
0x2a9: {  	[tilespmem:s6+$0x470] =	vst.add.f32.msk $0xffff, v3;
	s6 =	smov.u32 s0  }
0x2aa: {  	v5 =	vld [tilespmem:s10+$0x6900]  }
0x2ab: {  	s0 =	sor.u32 $0x20, s30;
	v6 =	vld [tilespmem:s10+$0x6910]  }
.Ltmp1:
0x2ac: {  	[tilespmem:s0+$0x0] =	vst.add.f32.msk $0xffff, v4;
	(pc) =	sbr.rel @p0 .LBB2_5-.Ltmp1, $4  }
0x2ad: {  	v3 =	vld [tilespmem:s9+$0x7130]  }
0x2ae: {  	s31 =	sadd.s32 $0x12900, s10;
	v4 =	vld [tilespmem:s13+$0x6130]  }
0x2af: {  	s0 =	sor.u32 $0x10, s31;
	[tilespmem:s10+$0x12900] =	vst.add.f32.msk $0xffff, v5  }
0x2b0: {  	s18 =	sadd.s32 $0x1, s18;
	[tilespmem:s0+$0x0] =	vst.add.f32.msk $0xffff, v6  }
0x2b1: {  	_ = 	snop  }
0x2b2: {  	s0 =	sor.u32 $0x30, s6  }
0x2b3: {  	[tilespmem:s0+$0x0] =	vst.add.f32.msk $0xffff, v4  }
0x2b4: {  	v4 =	vld [tilespmem:s13+$0x6140];
	_ =	sdelay $0x3  }
0x2b5: {  	s14 =	sor.u32 $0x40, s6  }
0x2b6: {  	[tilespmem:s14+$0x0] =	vst.add.f32.msk $0xffff, v4  }
0x2b7: {  	v4 =	vld [tilespmem:s13+$0x6150];
	_ =	sdelay $0x3  }
0x2b8: {  	s15 =	sor.u32 $0x50, s6  }
0x2b9: {  	[tilespmem:s15+$0x0] =	vst.add.f32.msk $0xffff, v4  }
0x2ba: {  	v4 =	vld [tilespmem:s13+$0x6160];
	_ =	sdelay $0x3  }
0x2bb: {  	s18 =	sor.u32 $0x60, s6  }
0x2bc: {  	[tilespmem:s18+$0x0] =	vst.add.f32.msk $0xffff, v4  }
0x2bd: {  	v4 =	vld [tilespmem:s13+$0x6170];
	_ =	sdelay $0x3  }
0x2be: {  	s29 =	sor.u32 $0x70, s6  }
0x2bf: {  	[tilespmem:s29+$0x0] =	vst.add.f32.msk $0xffff, v4  }
0x2c0: {  	v4 =	vld [tilespmem:s13+$0x6500];
	_ =	sdelay $0x4  }
0x2c1: {  	[tilespmem:s6+$0x400] =	vst.add.f32.msk $0xffff, v4  }
0x2c2: {  	v4 =	vld [tilespmem:s13+$0x6510];
	_ =	sdelay $0x4  }
0x2c3: {  	[tilespmem:s6+$0x410] =	vst.add.f32.msk $0xffff, v4  }
0x2c4: {  	v4 =	vld [tilespmem:s13+$0x6520];
	_ =	sdelay $0x4  }
0x2c5: {  	[tilespmem:s6+$0x420] =	vst.add.f32.msk $0xffff, v4  }
0x2c6: {  	v4 =	vld [tilespmem:s13+$0x6530];
	_ =	sdelay $0x4  }
0x2c7: {  	[tilespmem:s6+$0x430] =	vst.add.f32.msk $0xffff, v4  }
0x2c8: {  	v4 =	vld [tilespmem:s13+$0x6540];
	_ =	sdelay $0x4  }
0x2c9: {  	[tilespmem:s6+$0x440] =	vst.add.f32.msk $0xffff, v4  }
0x2ca: {  	v4 =	vld [tilespmem:s13+$0x6550];
	_ =	sdelay $0x4  }
0x2cb: {  	[tilespmem:s6+$0x450] =	vst.add.f32.msk $0xffff, v4  }
0x2cc: {  	v4 =	vld [tilespmem:s13+$0x6560];
	_ =	sdelay $0x4  }
0x2cd: {  	[tilespmem:s6+$0x460] =	vst.add.f32.msk $0xffff, v4  }
0x2ce: {  	v4 =	vld [tilespmem:s13+$0x6570];
	_ =	sdelay $0x2  }
0x2cf: {  	v5 =	vld [tilespmem:s10+$0x6920];
	_ =	sdelay $0x1  }
0x2d0: {  	[tilespmem:s6+$0x470] =	vst.add.f32.msk $0xffff, v4  }
0x2d1: {  	v4 =	vld [tilespmem:s13+$0x6900]  }
0x2d2: {  	s6 =	sor.u32 $0x20, s31;
	v6 =	vld [tilespmem:s13+$0x6910]  }
0x2d3: {  	[tilespmem:s6+$0x0] =	vst.add.f32.msk $0xffff, v5  }
0x2d4: {  	v5 =	vld [tilespmem:s10+$0x6930]  }
0x2d5: {  	s0 =	sadd.s32 $0x12900, s13  }
0x2d6: {  	s14 =	sor.u32 $0x10, s0;
	[tilespmem:s13+$0x12900] =	vst.add.f32.msk $0xffff, v4  }
0x2d7: {  	[tilespmem:s14+$0x0] =	vst.add.f32.msk $0xffff, v6  }
0x2d8: {  	s15 =	sor.u32 $0x30, s31;
	v52 =	vld [tilespmem:s13+$0x6920]  }
0x2d9: {  	[tilespmem:s15+$0x0] =	vst.add.f32.msk $0xffff, v5  }
0x2da: {  	v5 =	vld [tilespmem:s10+$0x6940];
	_ =	sdelay $0x1  }
0x2db: {  	s18 =	sor.u32 $0x20, s0  }
0x2dc: {  	[tilespmem:s18+$0x0] =	vst.add.f32.msk $0xffff, v52  }
0x2dd: {  	s29 =	sor.u32 $0x40, s31;
	v4 =	vld [tilespmem:s13+$0x6930]  }
0x2de: {  	[tilespmem:s29+$0x0] =	vst.add.f32.msk $0xffff, v5  }
0x2df: {  	v5 =	vld [tilespmem:s10+$0x6950];
	_ =	sdelay $0x1  }
0x2e0: {  	s14 =	sor.u32 $0x30, s0  }
0x2e1: {  	[tilespmem:s14+$0x0] =	vst.add.f32.msk $0xffff, v4  }
0x2e2: {  	s15 =	sor.u32 $0x50, s31;
	v4 =	vld [tilespmem:s13+$0x6940]  }
0x2e3: {  	[tilespmem:s15+$0x0] =	vst.add.f32.msk $0xffff, v5  }
0x2e4: {  	v5 =	vld [tilespmem:s10+$0x6960];
	_ =	sdelay $0x1  }
0x2e5: {  	s18 =	sor.u32 $0x40, s0  }
0x2e6: {  	[tilespmem:s18+$0x0] =	vst.add.f32.msk $0xffff, v4  }
0x2e7: {  	s29 =	sor.u32 $0x60, s31;
	v4 =	vld [tilespmem:s13+$0x6950]  }
0x2e8: {  	[tilespmem:s29+$0x0] =	vst.add.f32.msk $0xffff, v5  }
0x2e9: {  	v5 =	vld [tilespmem:s10+$0x6970];
	_ =	sdelay $0x1  }
0x2ea: {  	s14 =	sor.u32 $0x50, s0  }
0x2eb: {  	[tilespmem:s14+$0x0] =	vst.add.f32.msk $0xffff, v4  }
0x2ec: {  	s15 =	sor.u32 $0x70, s31;
	v4 =	vld [tilespmem:s13+$0x6960]  }
0x2ed: {  	[tilespmem:s15+$0x0] =	vst.add.f32.msk $0xffff, v5  }
0x2ee: {  	v5 =	vld [tilespmem:s10+$0x6D00]  }
0x2ef: {  	v53 =	vld [tilespmem:s10+$0x6D10]  }
0x2f0: {  	s18 =	sor.u32 $0x60, s0  }
0x2f1: {  	[tilespmem:s18+$0x0] =	vst.add.f32.msk $0xffff, v4  }
0x2f2: {  	s6 =	sadd.s32 $0x12D00, s10;
	v4 =	vld [tilespmem:s13+$0x6970]  }
0x2f3: {  	s14 =	sor.u32 $0x10, s6;
	[tilespmem:s10+$0x12D00] =	vst.add.f32.msk $0xffff, v5  }
0x2f4: {  	[tilespmem:s14+$0x0] =	vst.add.f32.msk $0xffff, v53  }
0x2f5: {  	v54 =	vld [tilespmem:s10+$0x6D20]  }
0x2f6: {  	s0 =	sor.u32 $0x70, s0  }
0x2f7: {  	[tilespmem:s0+$0x0] =	vst.add.f32.msk $0xffff, v4  }
0x2f8: {  	v4 =	vld [tilespmem:s13+$0x6D00]  }
0x2f9: {  	s29 =	sor.u32 $0x20, s6;
	v55 =	vld [tilespmem:s13+$0x6D10]  }
0x2fa: {  	[tilespmem:s29+$0x0] =	vst.add.f32.msk $0xffff, v54  }
0x2fb: {  	v5 =	vld [tilespmem:s10+$0x6D30]  }
0x2fc: {  	s0 =	sadd.s32 $0x12D00, s13  }
0x2fd: {  	s31 =	sor.u32 $0x10, s0;
	[tilespmem:s13+$0x12D00] =	vst.add.f32.msk $0xffff, v4  }
0x2fe: {  	[tilespmem:s31+$0x0] =	vst.add.f32.msk $0xffff, v55  }
0x2ff: {  	s15 =	sor.u32 $0x30, s6;
	v56 =	vld [tilespmem:s13+$0x6D20]  }
0x300: {  	[tilespmem:s15+$0x0] =	vst.add.f32.msk $0xffff, v5  }
0x301: {  	v5 =	vld [tilespmem:s10+$0x6D40];
	_ =	sdelay $0x1  }
0x302: {  	s18 =	sor.u32 $0x20, s0  }
0x303: {  	[tilespmem:s18+$0x0] =	vst.add.f32.msk $0xffff, v56  }
0x304: {  	s29 =	sor.u32 $0x40, s6;
	v4 =	vld [tilespmem:s13+$0x6D30]  }
0x305: {  	[tilespmem:s29+$0x0] =	vst.add.f32.msk $0xffff, v5  }
0x306: {  	v5 =	vld [tilespmem:s10+$0x6D50];
	_ =	sdelay $0x1  }
0x307: {  	s31 =	sor.u32 $0x30, s0  }
0x308: {  	[tilespmem:s31+$0x0] =	vst.add.f32.msk $0xffff, v4  }
0x309: {  	s15 =	sor.u32 $0x50, s6;
	v4 =	vld [tilespmem:s13+$0x6D40]  }
0x30a: {  	[tilespmem:s15+$0x0] =	vst.add.f32.msk $0xffff, v5  }
0x30b: {  	v5 =	vld [tilespmem:s10+$0x6D60];
	_ =	sdelay $0x1  }
0x30c: {  	s18 =	sor.u32 $0x40, s0  }
0x30d: {  	[tilespmem:s18+$0x0] =	vst.add.f32.msk $0xffff, v4  }
0x30e: {  	s29 =	sor.u32 $0x60, s6;
	v4 =	vld [tilespmem:s13+$0x6D50]  }
0x30f: {  	[tilespmem:s29+$0x0] =	vst.add.f32.msk $0xffff, v5  }
0x310: {  	v5 =	vld [tilespmem:s10+$0x6D70]  }
0x311: {  	s15 =	sor.u32 $0x30, s30  }
0x312: {  	s31 =	sor.u32 $0x50, s0;
	[tilespmem:s15+$0x0] =	vst.add.f32.msk $0xffff, v3  }
0x313: {  	[tilespmem:s31+$0x0] =	vst.add.f32.msk $0xffff, v4  }
0x314: {  	s6 =	sor.u32 $0x70, s6;
	v4 =	vld [tilespmem:s13+$0x6D60]  }
0x315: {  	[tilespmem:s6+$0x0] =	vst.add.f32.msk $0xffff, v5  }
0x316: {  	v5 =	vld [tilespmem:s10+$0x7100]  }
0x317: {  	v57 =	vld [tilespmem:s10+$0x7110]  }
0x318: {  	s14 =	sor.u32 $0x60, s0;
	v59 =	vld [tilespmem:s9+$0x7140]  }
0x319: {  	[tilespmem:s14+$0x0] =	vst.add.f32.msk $0xffff, v4  }
0x31a: {  	s6 =	sadd.s32 $0x13100, s10;
	v4 =	vld [tilespmem:s13+$0x6D70]  }
0x31b: {  	s18 =	sor.u32 $0x10, s6;
	[tilespmem:s10+$0x13100] =	vst.add.f32.msk $0xffff, v5  }
0x31c: {  	[tilespmem:s18+$0x0] =	vst.add.f32.msk $0xffff, v57  }
0x31d: {  	s15 =	sor.u32 $0x40, s30;
	v3 =	vld [tilespmem:s10+$0x7120]  }
0x31e: {  	s0 =	sor.u32 $0x70, s0;
	[tilespmem:s15+$0x0] =	vst.add.f32.msk $0xffff, v59  }
0x31f: {  	[tilespmem:s0+$0x0] =	vst.add.f32.msk $0xffff, v4  }
0x320: {  	v4 =	vld [tilespmem:s13+$0x7100]  }
0x321: {  	s29 =	sor.u32 $0x20, s6;
	v58 =	vld [tilespmem:s13+$0x7110]  }
0x322: {  	[tilespmem:s29+$0x0] =	vst.add.f32.msk $0xffff, v3  }
0x323: {  	v3 =	vld [tilespmem:s10+$0x7130]  }
0x324: {  	v61 =	vld [tilespmem:s9+$0x7150];
	s14 =	sadd.s32 $0x13100, s13  }
0x325: {  	s31 =	sor.u32 $0x10, s14;
	[tilespmem:s13+$0x13100] =	vst.add.f32.msk $0xffff, v4  }
0x326: {  	[tilespmem:s31+$0x0] =	vst.add.f32.msk $0xffff, v58  }
0x327: {  	s18 =	sor.u32 $0x30, s6;
	v60 =	vld [tilespmem:s13+$0x7120]  }
0x328: {  	[tilespmem:s18+$0x0] =	vst.add.f32.msk $0xffff, v3  }
0x329: {  	s31 =	sor.u32 $0x50, s30;
	v3 =	vld [tilespmem:s10+$0x7140]  }
0x32a: {  	[tilespmem:s31+$0x0] =	vst.add.f32.msk $0xffff, v61  }
0x32b: {  	s29 =	sor.u32 $0x20, s14;
	v5 =	vld [tilespmem:s9+$0x7160]  }
0x32c: {  	[tilespmem:s29+$0x0] =	vst.add.f32.msk $0xffff, v60  }
0x32d: {  	s15 =	sor.u32 $0x40, s6;
	v4 =	vld [tilespmem:s13+$0x7130]  }
0x32e: {  	[tilespmem:s15+$0x0] =	vst.add.f32.msk $0xffff, v3  }
0x32f: {  	s29 =	sor.u32 $0x60, s30;
	v3 =	vld [tilespmem:s10+$0x7150]  }
0x330: {  	[tilespmem:s29+$0x0] =	vst.add.f32.msk $0xffff, v5  }
0x331: {  	s18 =	sor.u32 $0x30, s14;
	v5 =	vld [tilespmem:s9+$0x7170]  }
0x332: {  	[tilespmem:s18+$0x0] =	vst.add.f32.msk $0xffff, v4  }
0x333: {  	s31 =	sor.u32 $0x50, s6;
	v4 =	vld [tilespmem:s13+$0x7140]  }
0x334: {  	[tilespmem:s31+$0x0] =	vst.add.f32.msk $0xffff, v3  }
0x335: {  	s18 =	sor.u32 $0x70, s30;
	v3 =	vld [tilespmem:s10+$0x7160]  }
0x336: {  	[tilespmem:s18+$0x0] =	vst.add.f32.msk $0xffff, v5  }
0x337: {  	s15 =	sor.u32 $0x40, s14;
	v5 =	vld [tilespmem:s9+$0x7500]  }
0x338: {  	[tilespmem:s15+$0x0] =	vst.add.f32.msk $0xffff, v4  }
0x339: {  	v4 =	vld [tilespmem:s13+$0x7150]  }
0x33a: {  	s29 =	sor.u32 $0x60, s6;
	v6 =	vld [tilespmem:s9+$0x7510]  }
0x33b: {  	[tilespmem:s29+$0x0] =	vst.add.f32.msk $0xffff, v3  }
0x33c: {  	v3 =	vld [tilespmem:s10+$0x7170]  }
0x33d: {  	s30 =	sor.u32 $0x50, s14;
	[tilespmem:s9+$0x13500] =	vst.add.f32.msk $0xffff, v5  }
0x33e: {  	s0 =	sadd.s32 $0x13500, s9;
	[tilespmem:s30+$0x0] =	vst.add.f32.msk $0xffff, v4  }
0x33f: {  	s15 =	sor.u32 $0x10, s0;
	v4 =	vld [tilespmem:s13+$0x7160]  }
0x340: {  	[tilespmem:s15+$0x0] =	vst.add.f32.msk $0xffff, v6  }
0x341: {  	s31 =	sor.u32 $0x70, s6;
	v6 =	vld [tilespmem:s9+$0x7520]  }
0x342: {  	[tilespmem:s31+$0x0] =	vst.add.f32.msk $0xffff, v3  }
0x343: {  	s6 =	sor.u32 $0x60, s14;
	v3 =	vld [tilespmem:s10+$0x7500]  }
0x344: {  	[tilespmem:s6+$0x0] =	vst.add.f32.msk $0xffff, v4  }
0x345: {  	v4 =	vld [tilespmem:s13+$0x7170];
	_ =	sdelay $0x1  }
0x346: {  	s30 =	sor.u32 $0x20, s0;
	v62 =	vld [tilespmem:s10+$0x7510]  }
0x347: {  	[tilespmem:s30+$0x0] =	vst.add.f32.msk $0xffff, v6  }
0x348: {  	s18 =	sor.u32 $0x70, s14;
	[tilespmem:s10+$0x13500] =	vst.add.f32.msk $0xffff, v3  }
0x349: {  	[tilespmem:s18+$0x0] =	vst.add.f32.msk $0xffff, v4  }
0x34a: {  	s6 =	sadd.s32 $0x13500, s10;
	v3 =	vld [tilespmem:s13+$0x7500]  }
0x34b: {  	s29 =	sor.u32 $0x10, s6;
	v4 =	vld [tilespmem:s13+$0x7510]  }
0x34c: {  	[tilespmem:s29+$0x0] =	vst.add.f32.msk $0xffff, v62  }
0x34d: {  	v5 =	vld [tilespmem:s10+$0x7520]  }
0x34e: {  	s14 =	sadd.s32 $0x13500, s13;
	v63 =	vld [tilespmem:s9+$0x7530]  }
0x34f: {  	s15 =	sor.u32 $0x10, s14;
	[tilespmem:s13+$0x13500] =	vst.add.f32.msk $0xffff, v3  }
0x350: {  	[tilespmem:s15+$0x0] =	vst.add.f32.msk $0xffff, v4  }
0x351: {  	s31 =	sor.u32 $0x20, s6;
	v3 =	vld [tilespmem:s13+$0x7520]  }
0x352: {  	[tilespmem:s31+$0x0] =	vst.add.f32.msk $0xffff, v5  }
0x353: {  	s29 =	sor.u32 $0x30, s0;
	v5 =	vld [tilespmem:s10+$0x7530]  }
0x354: {  	[tilespmem:s29+$0x0] =	vst.add.f32.msk $0xffff, v63  }
0x355: {  	s18 =	sor.u32 $0x20, s14;
	v4 =	vld [tilespmem:s9+$0x7540]  }
0x356: {  	[tilespmem:s18+$0x0] =	vst.add.f32.msk $0xffff, v3  }
0x357: {  	s30 =	sor.u32 $0x30, s6;
	v3 =	vld [tilespmem:s13+$0x7530]  }
0x358: {  	[tilespmem:s30+$0x0] =	vst.add.f32.msk $0xffff, v5  }
0x359: {  	v5 =	vld [tilespmem:s10+$0x7540];
	s18 =	sor.u32 $0x40, s0  }
0x35a: {  	[tilespmem:s18+$0x0] =	vst.add.f32.msk $0xffff, v4  }
0x35b: {  	s31 =	sor.u32 $0x30, s14;
	v4 =	vld [tilespmem:s9+$0x7550]  }
0x35c: {  	[tilespmem:s31+$0x0] =	vst.add.f32.msk $0xffff, v3  }
0x35d: {  	s29 =	sor.u32 $0x40, s6;
	v3 =	vld [tilespmem:s13+$0x7540]  }
0x35e: {  	[tilespmem:s29+$0x0] =	vst.add.f32.msk $0xffff, v5  }
0x35f: {  	v5 =	vld [tilespmem:s10+$0x7550]  }
0x360: {  	s31 =	sor.u32 $0x50, s0  }
0x361: {  	s30 =	sor.u32 $0x40, s14;
	[tilespmem:s31+$0x0] =	vst.add.f32.msk $0xffff, v4  }
0x362: {  	[tilespmem:s30+$0x0] =	vst.add.f32.msk $0xffff, v3  }
0x363: {  	s18 =	sor.u32 $0x50, s6;
	v3 =	vld [tilespmem:s13+$0x7550]  }
0x364: {  	[tilespmem:s18+$0x0] =	vst.add.f32.msk $0xffff, v5  }
0x365: {  	v4 =	vld [tilespmem:s9+$0x7560]  }
0x366: {  	v5 =	vld [tilespmem:s10+$0x7560]  }
0x367: {  	s29 =	sor.u32 $0x50, s14  }
0x368: {  	[tilespmem:s29+$0x0] =	vst.add.f32.msk $0xffff, v3  }
0x369: {  	s30 =	sor.u32 $0x60, s0;
	v3 =	vld [tilespmem:s13+$0x7560]  }
0x36a: {  	s31 =	sor.u32 $0x60, s6;
	[tilespmem:s30+$0x0] =	vst.add.f32.msk $0xffff, v4  }
0x36b: {  	[tilespmem:s31+$0x0] =	vst.add.f32.msk $0xffff, v5  }
0x36c: {  	v4 =	vld [tilespmem:s9+$0x7570]  }
0x36d: {  	s15 =	sor.u32 $0x60, s14;
	v5 =	vld [tilespmem:s10+$0x7570]  }
0x36e: {  	[tilespmem:s15+$0x0] =	vst.add.f32.msk $0xffff, v3  }
0x36f: {  	s7 =	sadd.s32 $0x1, s7;
	v3 =	vld [tilespmem:s13+$0x7570]  }
0x370: {  	s8 =	smul.u32 $0x1800, s8;
	p0 =	sne.s32 s7, $0x4  }
.Ltmp2:
0x371: {  	s0 =	sor.u32 $0x70, s0;
	(pc) =	sbr.rel @p0 .LBB2_2-.Ltmp2, $4  }
0x372: {  	s18 =	sor.u32 $0x70, s6;
	s29 =	sshrl.u32 s8, $0x3;
	[tilespmem:s0+$0x0] =	vst.add.f32.msk $0xffff, v4  }
0x373: {  	s30 =	sor.u32 $0x70, s14;
	[tilespmem:s18+$0x0] =	vst.add.f32.msk $0xffff, v5;
	s6 =	sadd.s32 s3, s29  }
0x374: {  	s31 =	sadd.s32 $0xC00, s6;
	[tilespmem:s30+$0x0] =	vst.add.f32.msk $0xffff, v3  }
0x375: {  	[hbm4b:s31+s4] =	stream.linear.scatter [tilespmem:s2], [sflag:$0x6], $0x6000, $0x38;
	[tilespmem:$0x18100] =	vst v63  }
0x376: {  	s0 =	simm.s32 $0x5  }
0x377: {  	_ =	swait.ge [sflag:s0], $0x6000  }
0x378: {  	[sflag:s0] =	ssyncset.done $0x0  }
0x379: {  	s6 =	simm.s32 $0x6;
	[sflag:s0] =	ssyncadd.s32 $0xFFFFA000  }
0x37a: {  	_ =	swait.ge [sflag:s6], $0x6000  }
0x37b: {  	s7 =	rddreg [dreg:$0xb]  }
0x37c: {  	s31 =	rddreg [dreg:$0xa];
	s7 =	sadd.s32 $0x1, s7  }
0x37d: {  	p0 =	sne.s32 s7, s31  }
.Ltmp3:
0x37e: {  	_ = 	snop;
	(pc) =	sbr.rel @p0 .LBB2_1-.Ltmp3, $3  }
0x37f: {  	_ =	sdelay $0x1  }
0x380: {  	[sflag:s6] =	ssyncset.done $0x0  }
0x381: {  	[sflag:s6] =	ssyncadd.s32 $0xFFFFA000  }
0x382: {  	_ =	sfence.sel $0x180000  }
0x383: {  	[bflag:$0x0] =	sbarrier.arrive $0xFFFF  }
0x384: {  	_ =	strace $0x90000047  }
0x385: {  	s0 =	stileid.u32;
	[bflag:$0x2] =	sbarrier.arrive $0xFFFF  }
0x386: {  	p0 =	sne.s32 s0, $0x0;
	s0 =	rddreg [dreg:$0x4]  }
0x387: {  	s0 =	sadd.s32 @!p0 $0x100000, s0  }
0x388: {  	[sflag:s0] =	ssyncadd.tile.s32 @!p0 $0x1;
	_ =	shalt  }
.Lfunc_end2:
_tile_overlayer_lowered:
.L_overlay_start_2:
0x389: {  	(tag) =	ssettag $0x2  }
0x38a: {  	s0 =	rddreg [dreg:$0x0];
	s2 =	stileid.u32  }
0x38b: {  	s1 =	rddreg [dreg:$0x1];
	p0 =	sne.s32 s2, $0x0  }
0x38c: {  	s3 =	rddreg [dreg:$0x2];
	[bflag:$0x3] =	sbarrier.arrive $0xFFFF;
	s2 =	simm.s32 @!p0 $0x1C07  }
0x38d: {  	[timem:s3], [sflag:s2] =	dma.local @!p0 [hbm:s0], s1  }
0x38e: {  	s0 =	simm.s32 @!p0 $0x7  }
0x38f: {  	_ =	swait.ge @!p0 [sflag:s0], s1  }
0x390: {  	s1 =	ssub.s32 @!p0 $0x0, s1;
	[sflag:s0] =	ssyncset.done @!p0 $0x0  }
0x391: {  	[sflag:s0] =	ssyncadd.s32 @!p0 s1  }
0x392: {  	[bflag:$0x3] =	sbarrier.arrive $0xFFFF  }
0x393: {  	_ =	shalt  }

</sc_bundles>
